<compile_context>
chip_gen: v7x
topology: tpu7x:2x2x1
jax: 0.10.2.dev20260603
libtpu: 0.0.44.dev20260713+nightly
codegen_flags: <defaults>
</compile_context>

<pallas_src>
import functools

import jax
import jax.numpy as jnp
from jax import lax
from jax.experimental import pallas as pl
from jax.experimental.pallas import tpu as pltpu
from jax.experimental.pallas import tpu_sc as plsc

B, N, K, C, V = 2, 2048, 8, 64, 10000
GX, GY, GZ = 128, 128, 16
VOXEL = 0.5
C2 = 128
R = B * V
BLK = 2560
NRB = 8
TT = BLK * NRB
NOFF = 27

NW = 32
RPW = 640
RP = NW * RPW
NCH = 5
CH = 128
NKP = B * N * K
KPW = NKP // NW
KCH = KPW // CH

_OFFS = [(dx, dy, dz) for dx in (-1, 0, 1) for dy in (-1, 0, 1) for dz in (-1, 0, 1)]

_SC_MESH = plsc.VectorSubcoreMesh(core_axis_name="c", subcore_axis_name="s",
                                  num_cores=2, num_subcores=16)



def _p1_body(f_ref, w_ref, o_ref):
    rb = pl.program_id(1)
    rows = rb * BLK + lax.broadcasted_iota(jnp.int32, (BLK, C), 0)
    f = jnp.where(rows < R, f_ref[...], 0.0)
    f = jnp.concatenate([f, jnp.zeros((BLK, C2 - C), jnp.float32)], axis=1)
    o_ref[0] = jnp.dot(f, w_ref[0], preferred_element_type=jnp.float32)


def _p1_call(feats, W):
    return pl.pallas_call(
        _p1_body,
        grid=(NOFF, NRB),
        in_specs=[
            pl.BlockSpec((BLK, C), lambda k, rb: (rb, 0)),
            pl.BlockSpec((1, C2, C2), lambda k, rb: (k, 0, 0)),
        ],
        out_specs=pl.BlockSpec((1, BLK, C2), lambda k, rb: (k, rb, 0)),
        out_shape=jax.ShapeDtypeStruct((NOFF, TT, C2), jnp.float32),
    )(feats, W)


def _bn_coefs(part_ref, g_ref, b_ref):
    psum = jnp.sum(part_ref[...], axis=0)
    mu = psum[0:1, :] * (1.0 / R)
    var = psum[1:2, :] * (1.0 / R) - mu * mu
    scale = g_ref[...] * lax.rsqrt(var + 1e-5)
    shift = b_ref[...] - mu * scale
    z = jnp.zeros((1, C2 - C), jnp.float32)
    return (jnp.concatenate([scale, z], axis=1),
            jnp.concatenate([shift, z], axis=1))


def _p2_body(h_ref, part_ref, g_ref, b_ref, w_ref, o_ref):
    rb = pl.program_id(1)
    scale, shift = _bn_coefs(part_ref, g_ref, b_ref)
    hn = jax.nn.relu(h_ref[...] * scale + shift)
    rows = rb * BLK + lax.broadcasted_iota(jnp.int32, (BLK, C2), 0)
    hn = jnp.where(rows < R, hn, 0.0)
    o_ref[0] = jnp.dot(hn, w_ref[0], preferred_element_type=jnp.float32)


def _p2_call(h_pad, part, gamma, beta, W):
    return pl.pallas_call(
        _p2_body,
        grid=(NOFF, NRB),
        in_specs=[
            pl.BlockSpec((BLK, C2), lambda k, rb: (rb, 0)),
            pl.BlockSpec((NW, 2, C), lambda k, rb: (0, 0, 0)),
            pl.BlockSpec((1, C), lambda k, rb: (0, 0)),
            pl.BlockSpec((1, C), lambda k, rb: (0, 0)),
            pl.BlockSpec((1, C2, C2), lambda k, rb: (k, 0, 0)),
        ],
        out_specs=pl.BlockSpec((1, BLK, C2), lambda k, rb: (k, rb, 0)),
        out_shape=jax.ShapeDtypeStruct((NOFF, TT, C2), jnp.float32),
    )(h_pad, part, gamma.reshape(1, C), beta.reshape(1, C), W)


def _final_body(s_ref, m_ref, r0_ref, part_ref, g_ref, b_ref, q_ref, wo_ref,
                bo_ref, o_ref):
    scale, shift = _bn_coefs(part_ref, g_ref, b_ref)
    acc = jnp.zeros((B * N, C2), jnp.float32)
    for k in range(K):
        sk = s_ref[k] + m_ref[k][:, None] * r0_ref[...]
        acc = acc + jax.nn.relu(sk * scale + shift)
    fused = acc[:, :C] * (1.0 / K) + q_ref[...]
    o_ref[...] = jnp.dot(fused, wo_ref[...], preferred_element_type=jnp.float32) + bo_ref[0:1, :]


def _final_call(S, miss_f, row0, part, gamma, beta, q, Wo, bo):
    return pl.pallas_call(
        _final_body,
        out_shape=jax.ShapeDtypeStruct((B * N, C), jnp.float32),
    )(S, miss_f, row0, part, gamma.reshape(1, C), beta.reshape(1, C), q, Wo,
      bo.reshape(1, C))



def _conv_sc_body(p_hbm, nbo_hbm, h_hbm, part_hbm, idx_v, acc_v, st_v, sem):
    wid = lax.axis_index("s") * 2 + lax.axis_index("c")
    pltpu.sync_copy(nbo_hbm.at[wid], idx_v)
    ds0 = [pltpu.async_copy(p_hbm.at[idx_v.at[0, ch]],
                            acc_v.at[pl.ds(ch * CH, CH)], sem)
           for ch in range(NCH)]
    for d in ds0:
        d.wait()

    def fire(k, carry):
        for ch in range(NCH):
            pltpu.async_copy(p_hbm.at[idx_v.at[k, ch]],
                             acc_v.at[pl.ds(ch * CH, CH)], sem, add=True)
        return carry

    lax.fori_loop(1, NOFF, fire, 0)

    def drain(k, carry):
        for ch in range(NCH):
            pltpu.make_async_copy(p_hbm.at[idx_v.at[k, ch]],
                                  acc_v.at[pl.ds(ch * CH, CH)], sem).wait()
        return carry

    lax.fori_loop(1, NOFF, drain, 0)

    zero = jnp.zeros((16,), jnp.float32)

    def srow(i, carry):
        s0, s1, s2, s3, q0, q1, q2, q3 = carry
        v0 = acc_v[i, pl.ds(0, 16)]
        v1 = acc_v[i, pl.ds(16, 16)]
        v2 = acc_v[i, pl.ds(32, 16)]
        v3 = acc_v[i, pl.ds(48, 16)]
        return (s0 + v0, s1 + v1, s2 + v2, s3 + v3,
                q0 + v0 * v0, q1 + v1 * v1, q2 + v2 * v2, q3 + v3 * v3)

    sums = lax.fori_loop(0, RPW, srow, (zero,) * 8)
    for j in range(4):
        st_v[0, pl.ds(16 * j, 16)] = sums[j]
        st_v[1, pl.ds(16 * j, 16)] = sums[4 + j]
    pltpu.sync_copy(st_v, part_hbm.at[wid])
    pltpu.sync_copy(acc_v, h_hbm.at[pl.ds(wid * RPW, RPW)])


@functools.partial(
    pl.kernel,
    out_type=(jax.ShapeDtypeStruct((TT, C2), jnp.float32),
              jax.ShapeDtypeStruct((NW, 2, C), jnp.float32)),
    mesh=_SC_MESH,
    scratch_types=[
        pltpu.VMEM((NOFF, NCH, CH), jnp.int32),
        pltpu.VMEM((RPW, C2), jnp.float32),
        pltpu.VMEM((2, C), jnp.float32),
        pltpu.SemaphoreType.DMA,
    ],
)
def _conv_sc(p_hbm, nbo_hbm, h_hbm, part_hbm, idx_v, acc_v, st_v, sem):
    _conv_sc_body(p_hbm, nbo_hbm, h_hbm, part_hbm, idx_v, acc_v, st_v, sem)


@functools.partial(
    pl.kernel,
    out_type=jax.ShapeDtypeStruct((NKP, C2), jnp.float32),
    mesh=_SC_MESH,
    scratch_types=[
        pltpu.VMEM((KCH, CH), jnp.int32),
        pltpu.VMEM((KPW // 2, C2), jnp.float32),
        pltpu.SemaphoreType.DMA,
    ],
)
def _sgather_sc(h_hbm, idx_hbm, s_hbm, idx_v, buf_v, sem):
    wid = lax.axis_index("s") * 2 + lax.axis_index("c")
    pltpu.sync_copy(idx_hbm.at[wid], idx_v)
    for half in range(2):
        ds0 = [pltpu.async_copy(h_hbm.at[idx_v.at[half * (KCH // 2) + ch]],
                                buf_v.at[pl.ds(ch * CH, CH)], sem)
               for ch in range(KCH // 2)]
        for d in ds0:
            d.wait()
        pltpu.sync_copy(buf_v, s_hbm.at[pl.ds(wid * KPW + half * (KPW // 2), KPW // 2)])



def kernel(keypoints, query_feature, voxel_feature, voxel_coords,
           W1, gamma1, beta1, W2, gamma2, beta2, Wo, bo):
    feats = voxel_feature.reshape(R, C)
    coords = voxel_coords.reshape(R, 3).astype(jnp.int32)
    bidx = jnp.repeat(jnp.arange(B, dtype=jnp.int32), V)
    x, y, z = coords[:, 0], coords[:, 1], coords[:, 2]

    L = jnp.zeros((B, GX + 2, GY + 2, GZ + 2), jnp.int32)
    L = L.at[bidx, x + 1, y + 1, z + 1].set(jnp.arange(R, dtype=jnp.int32) + 1)
    Lf = L.reshape(-1)
    base = ((bidx * (GX + 2) + (x + 1)) * (GY + 2) + (y + 1)) * (GZ + 2) + (z + 1)
    offv = jnp.array([(dx * (GY + 2) + dy) * (GZ + 2) + dz for (dx, dy, dz) in _OFFS],
                     jnp.int32)
    NB = Lf[base[None, :] + offv[:, None]]
    zspan = TT - R
    rpos = jnp.arange(RP, dtype=jnp.int32)[None, :]
    kpos = jnp.arange(NOFF, dtype=jnp.int32)[:, None]
    zfill = R + (rpos + kpos * 137) % zspan
    NBP = zfill.at[:, :R].set(jnp.where(NB > 0, NB - 1, zfill[:, :R]))
    NBo = jnp.transpose(
        (NBP + (jnp.arange(NOFF, dtype=jnp.int32) * TT)[:, None]
         ).reshape(NOFF, NW, NCH * CH),
        (1, 0, 2)).reshape(NW, NOFF, NCH, CH)

    c = (keypoints / VOXEL).astype(jnp.int32)
    maxv = jnp.array([GX - 1, GY - 1, GZ - 1], jnp.int32)
    c = jnp.clip(c, 0, maxv)
    kb = jnp.broadcast_to(jnp.arange(B, dtype=jnp.int32)[:, None, None, None], (B, N, K, 1))
    voxel_indices = jnp.concatenate([kb, c], axis=-1).reshape(-1, 4)
    ck = jnp.transpose(c, (2, 0, 1, 3)).reshape(K, B * N, 3)
    kbk = jnp.broadcast_to(jnp.arange(B, dtype=jnp.int32)[None, :, None], (K, B, N)).reshape(K, B * N)
    kaddr = ((kbk * (GX + 2) + (ck[..., 0] + 1)) * (GY + 2) + (ck[..., 1] + 1)) * (GZ + 2) + (ck[..., 2] + 1)
    mraw = Lf[kaddr]
    miss = (mraw == 0)
    kzfill = R + (jnp.arange(NKP, dtype=jnp.int32).reshape(K, B * N) * 13) % (TT - R)
    matched_p = jnp.where(miss, kzfill, mraw - 1).reshape(NW, KCH, CH)
    miss_f = miss.astype(jnp.float32)

    W1p = jnp.zeros((NOFF, C2, C2), jnp.float32).at[:, :C, :C].set(W1)
    W2p = jnp.zeros((NOFF, C2, C2), jnp.float32).at[:, :C, :C].set(W2)

    P1 = _p1_call(feats, W1p)
    h1p, part1 = _conv_sc(P1.reshape(NOFF * TT, C2), NBo)

    P2 = _p2_call(h1p, part1, gamma1, beta1, W2p)
    h2p, part2 = _conv_sc(P2.reshape(NOFF * TT, C2), NBo)

    S = _sgather_sc(h2p, matched_p).reshape(K, B * N, C2)
    q = query_feature.reshape(B * N, C)
    fused = _final_call(S, miss_f, h2p[0:1, :], part2, gamma2, beta2, q, Wo, bo)
    return fused.reshape(B, N, C), voxel_indices

# --- scband reference (transcript-rebuilt; emitter-appended) ---
"""Pipeline reference for scband-deformable-attention-with-spconv-14499809592084 (READ-ONLY COPY).

The authoritative reference and input builder live on the scoring server;
editing this copy changes nothing except your own understanding.
"""

import jax, jax.numpy as jnp
import numpy as np

B, N, K, C, V = 2, 2048, 8, 64, 10000
GX, GY, GZ = 128, 128, 16
VOXEL = 0.5


def setup_inputs(seed: int = 0):
    key = jax.random.key(seed)
    ks = jax.random.split(key, 12)
    kp_xy = jax.random.uniform(ks[0], (B, N, K, 2), jnp.float32, 0.0, GX * VOXEL)
    kp_z = jax.random.uniform(ks[1], (B, N, K, 1), jnp.float32, 0.0, GZ * VOXEL)
    keypoints = jnp.concatenate([kp_xy, kp_z], axis=-1)
    query_feature = jax.random.normal(ks[2], (B, N, C), dtype=jnp.float32)
    voxel_feature = jax.random.normal(ks[3], (B, V, C), dtype=jnp.float32)
    vx = jax.random.randint(ks[4], (B, V, 1), 0, GX)
    vy = jax.random.randint(ks[5], (B, V, 1), 0, GY)
    vz = jax.random.randint(ks[6], (B, V, 1), 0, GZ)
    voxel_coords = jnp.concatenate([vx, vy, vz], axis=-1)
    s = 1.0 / np.sqrt(27.0 * C)
    W1 = jax.random.uniform(ks[7], (27, C, C), jnp.float32, -s, s)
    W2 = jax.random.uniform(ks[8], (27, C, C), jnp.float32, -s, s)
    gamma1 = jnp.ones((C,), jnp.float32)
    beta1 = jnp.zeros((C,), jnp.float32)
    gamma2 = jnp.ones((C,), jnp.float32)
    beta2 = jnp.zeros((C,), jnp.float32)
    lim = 1.0 / np.sqrt(C)
    Wo = jax.random.uniform(ks[9], (C, C), jnp.float32, -lim, lim)
    bo = jax.random.uniform(ks[10], (C,), jnp.float32, -lim, lim)
    return {"keypoints": keypoints, "query_feature": query_feature,
            "voxel_feature": voxel_feature, "voxel_coords": voxel_coords,
            "W1": W1, "gamma1": gamma1, "beta1": beta1,
            "W2": W2, "gamma2": gamma2, "beta2": beta2,
            "Wo": Wo, "bo": bo}


_OFFSETS = [(dx, dy, dz) for dx in (-1, 0, 1) for dy in (-1, 0, 1) for dz in (-1, 0, 1)]


def _subm_conv3x3(feats, b, x, y, z, W):
    # Submanifold 3x3x3 conv: output only at active sites; inactive neighbors contribute 0.
    R = feats.shape[0]
    lut = jnp.zeros((B, GX + 2, GY + 2, GZ + 2), jnp.int32)  # 0 = empty sentinel
    lut = lut.at[b, x + 1, y + 1, z + 1].set(jnp.arange(R, dtype=jnp.int32) + 1)
    feats_pad = jnp.concatenate([jnp.zeros((1, feats.shape[1]), feats.dtype), feats], axis=0)
    out = jnp.zeros_like(feats)
    for k, (dx, dy, dz) in enumerate(_OFFSETS):
        nb = lut[b, x + 1 + dx, y + 1 + dy, z + 1 + dz]
        out = out + feats_pad[nb] @ W[k]
    return out


def _bn_relu(h, gamma, beta):
    # BatchNorm1d in training mode (batch statistics), then ReLU.
    mu = jnp.mean(h, axis=0)
    var = jnp.mean((h - mu) ** 2, axis=0)
    return jax.nn.relu((h - mu) / jnp.sqrt(var + 1e-5) * gamma + beta)


def _quantize_keypoints(keypoints):
    kp = jax.lax.stop_gradient(keypoints)
    coords = kp / VOXEL  # pc_range = (0,0,0)
    coords = coords.astype(jnp.int32)
    maxv = jnp.array([GX - 1, GY - 1, GZ - 1], jnp.int32)
    coords = jnp.clip(coords, 0, maxv)
    bidx = jnp.broadcast_to(jnp.arange(B, dtype=jnp.int32)[:, None, None, None], (B, N, K, 1))
    return jnp.concatenate([bidx, coords], axis=-1).reshape(-1, 4)


def _forward(keypoints, query_feature, voxel_feature, voxel_coords,
             W1, gamma1, beta1, W2, gamma2, beta2, Wo, bo):
    feats = voxel_feature.reshape(-1, C)
    coords = voxel_coords.reshape(-1, 3).astype(jnp.int32)
    b = jnp.repeat(jnp.arange(B, dtype=jnp.int32), V)
    x, y, z = coords[:, 0], coords[:, 1], coords[:, 2]
    h = _subm_conv3x3(feats, b, x, y, z, W1)
    h = _bn_relu(h, gamma1, beta1)
    h = _subm_conv3x3(h, b, x, y, z, W2)
    feature_bank = _bn_relu(h, gamma2, beta2)
    voxel_indices = _quantize_keypoints(keypoints)  # (B*N*K, 4)
    # hash_map.get(coord, 0): dense LUT initialized to 0 (miss -> row 0)
    row_lut = jnp.zeros((B, GX, GY, GZ), jnp.int32)
    row_lut = row_lut.at[b, x, y, z].set(jnp.arange(feats.shape[0], dtype=jnp.int32))
    matched = row_lut[voxel_indices[:, 0], voxel_indices[:, 1], voxel_indices[:, 2], voxel_indices[:, 3]]
    sampled = feature_bank[matched].reshape(B, N, K, C)
    fused = (jnp.mean(sampled, axis=2) + query_feature) @ Wo + bo
    return fused, voxel_indices


def reference(keypoints, query_feature, voxel_feature, voxel_coords,
              W1, gamma1, beta1, W2, gamma2, beta2, Wo, bo):
    return _forward(keypoints, query_feature, voxel_feature, voxel_coords,
                    W1, gamma1, beta1, W2, gamma2, beta2, Wo, bo)

if __name__ == "__main__":
    import jax
    _d = setup_inputs()
    print(jax.jit(kernel)(*tuple(_d.values())))

</pallas_src>

<mosaic_0001>
#map = affine_map<(d0, d1) -> (0, 0)>
#map1 = affine_map<(d0, d1) -> (0, 0, 0, 0)>
#map2 = affine_map<(d0, d1) -> (0, 0, 0)>
module attributes {stable_mosaic.version = 14 : i64} {
  func.func @_conv_sc(%arg0: i32, %arg1: i32, %arg2: memref<552960x128xf32, #tpu.memory_space<hbm>>, %arg3: memref<32x27x5x128xi32, #tpu.memory_space<hbm>>, %arg4: memref<20480x128xf32, #tpu.memory_space<hbm>>, %arg5: memref<32x2x64xf32, #tpu.memory_space<hbm>>, %arg6: memref<27x5x128xi32, #tpu.memory_space<vmem>>, %arg7: memref<640x128xf32, #tpu.memory_space<vmem>>, %arg8: memref<2x64xf32, #tpu.memory_space<vmem>>, %arg9: memref<!tpu.dma_semaphore, #tpu.memory_space<semaphore_mem>>) attributes {dimension_semantics = [#tpu.dimension_semantics<core_parallel>, #tpu.dimension_semantics<subcore_parallel>], iteration_bounds = array<i64: 2, 16>, scalar_prefetch = 0 : i64, scratch_operands = 4 : i64, tpu.core_type = #tpu.core_type<sc_vector_subcore>, window_params = [{transform_indices = #map}, {transform_indices = #map1}, {transform_indices = #map}, {transform_indices = #map2}]} {
    %mul3A = arith.constant 2 : i32
    %mul3A_0 = arith.muli %arg1, %mul3A : i32
    %add3A = arith.addi %mul3A_0, %arg0 : i32
    "tpu.region"() ({
      %run_scoped3A = tpu.sem_alloc : memref<!tpu.dma_semaphore, #tpu.memory_space<semaphore_mem>>
      %dma_start3A_176 = arith.constant 0 : i32
      %dma_start3A_177 = arith.constant 0 : i32
      %dma_start3A_178 = arith.constant 0 : i32
      %dma_start3A_179 = tpu.memref_slice %arg3[%add3A, %dma_start3A_176, %dma_start3A_177, %dma_start3A_178] : memref<32x27x5x128xi32, #tpu.memory_space<hbm>> -> memref<1x27x5x128xi32, #tpu.memory_space<hbm>>
      %dma_start3A_180 = tpu.memref_squeeze %dma_start3A_179 : memref<1x27x5x128xi32, #tpu.memory_space<hbm>> -> memref<27x5x128xi32, #tpu.memory_space<hbm>>
      %dma_start3A_181 = arith.constant 0 : i32
      %dma_start3A_182 = arith.constant 0 : i32
      %dma_start3A_183 = arith.constant 0 : i32
      %dma_start3A_184 = tpu.memref_slice %arg3[%add3A, %dma_start3A_181, %dma_start3A_182, %dma_start3A_183] : memref<32x27x5x128xi32, #tpu.memory_space<hbm>> -> memref<1x27x5x128xi32, #tpu.memory_space<hbm>>
      %dma_start3A_185 = tpu.memref_squeeze %dma_start3A_184 : memref<1x27x5x128xi32, #tpu.memory_space<hbm>> -> memref<27x5x128xi32, #tpu.memory_space<hbm>>
      tpu.enqueue_dma source(%dma_start3A_185 : memref<27x5x128xi32, #tpu.memory_space<hbm>>) target(%arg6 : memref<27x5x128xi32, #tpu.memory_space<vmem>>) target_semaphore(%run_scoped3A : memref<!tpu.dma_semaphore, #tpu.memory_space<semaphore_mem>>)
      %dma_wait3A_186 = arith.constant 0 : i32
      %dma_wait3A_187 = arith.constant 0 : i32
      %dma_wait3A_188 = arith.constant 0 : i32
      %dma_wait3A_189 = tpu.memref_slice %arg3[%add3A, %dma_wait3A_186, %dma_wait3A_187, %dma_wait3A_188] : memref<32x27x5x128xi32, #tpu.memory_space<hbm>> -> memref<1x27x5x128xi32, #tpu.memory_space<hbm>>
      %dma_wait3A_190 = tpu.memref_squeeze %dma_wait3A_189 : memref<1x27x5x128xi32, #tpu.memory_space<hbm>> -> memref<27x5x128xi32, #tpu.memory_space<hbm>>
      %dma_wait3A_191 = arith.constant 0 : i32
      %dma_wait3A_192 = arith.constant 0 : i32
      %dma_wait3A_193 = arith.constant 0 : i32
      %dma_wait3A_194 = tpu.memref_slice %arg3[%add3A, %dma_wait3A_191, %dma_wait3A_192, %dma_wait3A_193] : memref<32x27x5x128xi32, #tpu.memory_space<hbm>> -> memref<1x27x5x128xi32, #tpu.memory_space<hbm>>
      %dma_wait3A_195 = tpu.memref_squeeze %dma_wait3A_194 : memref<1x27x5x128xi32, #tpu.memory_space<hbm>> -> memref<27x5x128xi32, #tpu.memory_space<hbm>>
      tpu.wait_dma2 semaphore(%run_scoped3A : memref<!tpu.dma_semaphore, #tpu.memory_space<semaphore_mem>>) src(%dma_wait3A_195 : memref<27x5x128xi32, #tpu.memory_space<hbm>>) dst(%arg6 : memref<27x5x128xi32, #tpu.memory_space<vmem>>)
      tpu.yield
    }) : () -> ()
    %dma_start3A = arith.constant 0 : i32
    %dma_start3A_1 = arith.constant 0 : i32
    %dma_start3A_2 = arith.constant 0 : i32
    %dma_start3A_3 = arith.constant 0 : i32
    %dma_start3A_4 = tpu.memref_slice %arg7[%dma_start3A_2, %dma_start3A_3] : memref<640x128xf32, #tpu.memory_space<vmem>> -> memref<128x128xf32, #tpu.memory_space<vmem>>
    %dma_start3A_5 = arith.constant 0 : i32
    %dma_start3A_6 = tpu.memref_slice %arg6[%dma_start3A, %dma_start3A_1, %dma_start3A_5] : memref<27x5x128xi32, #tpu.memory_space<vmem>> -> memref<1x1x128xi32, #tpu.memory_space<vmem>>
    %dma_start3A_7 = tpu.memref_squeeze %dma_start3A_6 : memref<1x1x128xi32, #tpu.memory_space<vmem>> -> memref<128xi32, #tpu.memory_space<vmem>>
    %dma_start3A_8 = arith.constant 0 : i32
    %dma_start3A_9 = arith.constant 0 : i32
    %dma_start3A_10 = tpu.memref_slice %arg2[%dma_start3A_8, %dma_start3A_9] : memref<552960x128xf32, #tpu.memory_space<hbm>> -> memref<552960x128xf32, #tpu.memory_space<hbm>>
    tpu.enqueue_indirect_dma source(%dma_start3A_10 : memref<552960x128xf32, #tpu.memory_space<hbm>>) target(%dma_start3A_4 : memref<128x128xf32, #tpu.memory_space<vmem>>) offsets(%dma_start3A_7 : memref<128xi32, #tpu.memory_space<vmem>>) semaphore(%arg9 : memref<!tpu.dma_semaphore, #tpu.memory_space<semaphore_mem>>)
    %dma_start3A_11 = arith.constant 0 : i32
    %dma_start3A_12 = arith.constant 1 : i32
    %dma_start3A_13 = arith.constant 128 : i32
    %dma_start3A_14 = arith.constant 0 : i32
    %dma_start3A_15 = tpu.memref_slice %arg7[%dma_start3A_13, %dma_start3A_14] : memref<640x128xf32, #tpu.memory_space<vmem>> -> memref<128x128xf32, #tpu.memory_space<vmem>>
    %dma_start3A_16 = arith.constant 0 : i32
    %dma_start3A_17 = tpu.memref_slice %arg6[%dma_start3A_11, %dma_start3A_12, %dma_start3A_16] : memref<27x5x128xi32, #tpu.memory_space<vmem>> -> memref<1x1x128xi32, #tpu.memory_space<vmem>>
    %dma_start3A_18 = tpu.memref_squeeze %dma_start3A_17 : memref<1x1x128xi32, #tpu.memory_space<vmem>> -> memref<128xi32, #tpu.memory_space<vmem>>
    %dma_start3A_19 = arith.constant 0 : i32
    %dma_start3A_20 = arith.constant 0 : i32
    %dma_start3A_21 = tpu.memref_slice %arg2[%dma_start3A_19, %dma_start3A_20] : memref<552960x128xf32, #tpu.memory_space<hbm>> -> memref<552960x128xf32, #tpu.memory_space<hbm>>
    tpu.enqueue_indirect_dma source(%dma_start3A_21 : memref<552960x128xf32, #tpu.memory_space<hbm>>) target(%dma_start3A_15 : memref<128x128xf32, #tpu.memory_space<vmem>>) offsets(%dma_start3A_18 : memref<128xi32, #tpu.memory_space<vmem>>) semaphore(%arg9 : memref<!tpu.dma_semaphore, #tpu.memory_space<semaphore_mem>>)
    %dma_start3A_22 = arith.constant 0 : i32
    %dma_start3A_23 = arith.constant 2 : i32
    %dma_start3A_24 = arith.constant 256 : i32
    %dma_start3A_25 = arith.constant 0 : i32
    %dma_start3A_26 = tpu.memref_slice %arg7[%dma_start3A_24, %dma_start3A_25] : memref<640x128xf32, #tpu.memory_space<vmem>> -> memref<128x128xf32, #tpu.memory_space<vmem>>
    %dma_start3A_27 = arith.constant 0 : i32
    %dma_start3A_28 = tpu.memref_slice %arg6[%dma_start3A_22, %dma_start3A_23, %dma_start3A_27] : memref<27x5x128xi32, #tpu.memory_space<vmem>> -> memref<1x1x128xi32, #tpu.memory_space<vmem>>
    %dma_start3A_29 = tpu.memref_squeeze %dma_start3A_28 : memref<1x1x128xi32, #tpu.memory_space<vmem>> -> memref<128xi32, #tpu.memory_space<vmem>>
    %dma_start3A_30 = arith.constant 0 : i32
    %dma_start3A_31 = arith.constant 0 : i32
    %dma_start3A_32 = tpu.memref_slice %arg2[%dma_start3A_30, %dma_start3A_31] : memref<552960x128xf32, #tpu.memory_space<hbm>> -> memref<552960x128xf32, #tpu.memory_space<hbm>>
    tpu.enqueue_indirect_dma source(%dma_start3A_32 : memref<552960x128xf32, #tpu.memory_space<hbm>>) target(%dma_start3A_26 : memref<128x128xf32, #tpu.memory_space<vmem>>) offsets(%dma_start3A_29 : memref<128xi32, #tpu.memory_space<vmem>>) semaphore(%arg9 : memref<!tpu.dma_semaphore, #tpu.memory_space<semaphore_mem>>)
    %dma_start3A_33 = arith.constant 0 : i32
    %dma_start3A_34 = arith.constant 3 : i32
    %dma_start3A_35 = arith.constant 384 : i32
    %dma_start3A_36 = arith.constant 0 : i32
    %dma_start3A_37 = tpu.memref_slice %arg7[%dma_start3A_35, %dma_start3A_36] : memref<640x128xf32, #tpu.memory_space<vmem>> -> memref<128x128xf32, #tpu.memory_space<vmem>>
    %dma_start3A_38 = arith.constant 0 : i32
    %dma_start3A_39 = tpu.memref_slice %arg6[%dma_start3A_33, %dma_start3A_34, %dma_start3A_38] : memref<27x5x128xi32, #tpu.memory_space<vmem>> -> memref<1x1x128xi32, #tpu.memory_space<vmem>>
    %dma_start3A_40 = tpu.memref_squeeze %dma_start3A_39 : memref<1x1x128xi32, #tpu.memory_space<vmem>> -> memref<128xi32, #tpu.memory_space<vmem>>
    %dma_start3A_41 = arith.constant 0 : i32
    %dma_start3A_42 = arith.constant 0 : i32
    %dma_start3A_43 = tpu.memref_slice %arg2[%dma_start3A_41, %dma_start3A_42] : memref<552960x128xf32, #tpu.memory_space<hbm>> -> memref<552960x128xf32, #tpu.memory_space<hbm>>
    tpu.enqueue_indirect_dma source(%dma_start3A_43 : memref<552960x128xf32, #tpu.memory_space<hbm>>) target(%dma_start3A_37 : memref<128x128xf32, #tpu.memory_space<vmem>>) offsets(%dma_start3A_40 : memref<128xi32, #tpu.memory_space<vmem>>) semaphore(%arg9 : memref<!tpu.dma_semaphore, #tpu.memory_space<semaphore_mem>>)
    %dma_start3A_44 = arith.constant 0 : i32
    %dma_start3A_45 = arith.constant 4 : i32
    %dma_start3A_46 = arith.constant 512 : i32
    %dma_start3A_47 = arith.constant 0 : i32
    %dma_start3A_48 = tpu.memref_slice %arg7[%dma_start3A_46, %dma_start3A_47] : memref<640x128xf32, #tpu.memory_space<vmem>> -> memref<128x128xf32, #tpu.memory_space<vmem>>
    %dma_start3A_49 = arith.constant 0 : i32
    %dma_start3A_50 = tpu.memref_slice %arg6[%dma_start3A_44, %dma_start3A_45, %dma_start3A_49] : memref<27x5x128xi32, #tpu.memory_space<vmem>> -> memref<1x1x128xi32, #tpu.memory_space<vmem>>
    %dma_start3A_51 = tpu.memref_squeeze %dma_start3A_50 : memref<1x1x128xi32, #tpu.memory_space<vmem>> -> memref<128xi32, #tpu.memory_space<vmem>>
    %dma_start3A_52 = arith.constant 0 : i32
    %dma_start3A_53 = arith.constant 0 : i32
    %dma_start3A_54 = tpu.memref_slice %arg2[%dma_start3A_52, %dma_start3A_53] : memref<552960x128xf32, #tpu.memory_space<hbm>> -> memref<552960x128xf32, #tpu.memory_space<hbm>>
    tpu.enqueue_indirect_dma source(%dma_start3A_54 : memref<552960x128xf32, #tpu.memory_space<hbm>>) target(%dma_start3A_48 : memref<128x128xf32, #tpu.memory_space<vmem>>) offsets(%dma_start3A_51 : memref<128xi32, #tpu.memory_space<vmem>>) semaphore(%arg9 : memref<!tpu.dma_semaphore, #tpu.memory_space<semaphore_mem>>)
    %dma_wait3A = arith.constant 0 : i32
    %dma_wait3A_55 = arith.constant 0 : i32
    %dma_wait3A_56 = arith.constant 0 : i32
    %dma_wait3A_57 = arith.constant 0 : i32
    %dma_wait3A_58 = tpu.memref_slice %arg7[%dma_wait3A_56, %dma_wait3A_57] : memref<640x128xf32, #tpu.memory_space<vmem>> -> memref<128x128xf32, #tpu.memory_space<vmem>>
    %dma_wait3A_59 = arith.constant 0 : i32
    %dma_wait3A_60 = tpu.memref_slice %arg6[%dma_wait3A, %dma_wait3A_55, %dma_wait3A_59] : memref<27x5x128xi32, #tpu.memory_space<vmem>> -> memref<1x1x128xi32, #tpu.memory_space<vmem>>
    %dma_wait3A_61 = tpu.memref_squeeze %dma_wait3A_60 : memref<1x1x128xi32, #tpu.memory_space<vmem>> -> memref<128xi32, #tpu.memory_space<vmem>>
    %dma_wait3A_62 = arith.constant 0 : i32
    %dma_wait3A_63 = arith.constant 0 : i32
    %dma_wait3A_64 = tpu.memref_slice %arg2[%dma_wait3A_62, %dma_wait3A_63] : memref<552960x128xf32, #tpu.memory_space<hbm>> -> memref<552960x128xf32, #tpu.memory_space<hbm>>
    tpu.wait_indirect_dma semaphore(%arg9 : memref<!tpu.dma_semaphore, #tpu.memory_space<semaphore_mem>>) src(%dma_wait3A_64 : memref<552960x128xf32, #tpu.memory_space<hbm>>) dst(%dma_wait3A_58 : memref<128x128xf32, #tpu.memory_space<vmem>>)
    %dma_wait3A_65 = arith.constant 0 : i32
    %dma_wait3A_66 = arith.constant 1 : i32
    %dma_wait3A_67 = arith.constant 128 : i32
    %dma_wait3A_68 = arith.constant 0 : i32
    %dma_wait3A_69 = tpu.memref_slice %arg7[%dma_wait3A_67, %dma_wait3A_68] : memref<640x128xf32, #tpu.memory_space<vmem>> -> memref<128x128xf32, #tpu.memory_space<vmem>>
    %dma_wait3A_70 = arith.constant 0 : i32
    %dma_wait3A_71 = tpu.memref_slice %arg6[%dma_wait3A_65, %dma_wait3A_66, %dma_wait3A_70] : memref<27x5x128xi32, #tpu.memory_space<vmem>> -> memref<1x1x128xi32, #tpu.memory_space<vmem>>
    %dma_wait3A_72 = tpu.memref_squeeze %dma_wait3A_71 : memref<1x1x128xi32, #tpu.memory_space<vmem>> -> memref<128xi32, #tpu.memory_space<vmem>>
    %dma_wait3A_73 = arith.constant 0 : i32
    %dma_wait3A_74 = arith.constant 0 : i32
    %dma_wait3A_75 = tpu.memref_slice %arg2[%dma_wait3A_73, %dma_wait3A_74] : memref<552960x128xf32, #tpu.memory_space<hbm>> -> memref<552960x128xf32, #tpu.memory_space<hbm>>
    tpu.wait_indirect_dma semaphore(%arg9 : memref<!tpu.dma_semaphore, #tpu.memory_space<semaphore_mem>>) src(%dma_wait3A_75 : memref<552960x128xf32, #tpu.memory_space<hbm>>) dst(%dma_wait3A_69 : memref<128x128xf32, #tpu.memory_space<vmem>>)
    %dma_wait3A_76 = arith.constant 0 : i32
    %dma_wait3A_77 = arith.constant 2 : i32
    %dma_wait3A_78 = arith.constant 256 : i32
    %dma_wait3A_79 = arith.constant 0 : i32
    %dma_wait3A_80 = tpu.memref_slice %arg7[%dma_wait3A_78, %dma_wait3A_79] : memref<640x128xf32, #tpu.memory_space<vmem>> -> memref<128x128xf32, #tpu.memory_space<vmem>>
    %dma_wait3A_81 = arith.constant 0 : i32
    %dma_wait3A_82 = tpu.memref_slice %arg6[%dma_wait3A_76, %dma_wait3A_77, %dma_wait3A_81] : memref<27x5x128xi32, #tpu.memory_space<vmem>> -> memref<1x1x128xi32, #tpu.memory_space<vmem>>
    %dma_wait3A_83 = tpu.memref_squeeze %dma_wait3A_82 : memref<1x1x128xi32, #tpu.memory_space<vmem>> -> memref<128xi32, #tpu.memory_space<vmem>>
    %dma_wait3A_84 = arith.constant 0 : i32
    %dma_wait3A_85 = arith.constant 0 : i32
    %dma_wait3A_86 = tpu.memref_slice %arg2[%dma_wait3A_84, %dma_wait3A_85] : memref<552960x128xf32, #tpu.memory_space<hbm>> -> memref<552960x128xf32, #tpu.memory_space<hbm>>
    tpu.wait_indirect_dma semaphore(%arg9 : memref<!tpu.dma_semaphore, #tpu.memory_space<semaphore_mem>>) src(%dma_wait3A_86 : memref<552960x128xf32, #tpu.memory_space<hbm>>) dst(%dma_wait3A_80 : memref<128x128xf32, #tpu.memory_space<vmem>>)
    %dma_wait3A_87 = arith.constant 0 : i32
    %dma_wait3A_88 = arith.constant 3 : i32
    %dma_wait3A_89 = arith.constant 384 : i32
    %dma_wait3A_90 = arith.constant 0 : i32
    %dma_wait3A_91 = tpu.memref_slice %arg7[%dma_wait3A_89, %dma_wait3A_90] : memref<640x128xf32, #tpu.memory_space<vmem>> -> memref<128x128xf32, #tpu.memory_space<vmem>>
    %dma_wait3A_92 = arith.constant 0 : i32
    %dma_wait3A_93 = tpu.memref_slice %arg6[%dma_wait3A_87, %dma_wait3A_88, %dma_wait3A_92] : memref<27x5x128xi32, #tpu.memory_space<vmem>> -> memref<1x1x128xi32, #tpu.memory_space<vmem>>
    %dma_wait3A_94 = tpu.memref_squeeze %dma_wait3A_93 : memref<1x1x128xi32, #tpu.memory_space<vmem>> -> memref<128xi32, #tpu.memory_space<vmem>>
    %dma_wait3A_95 = arith.constant 0 : i32
    %dma_wait3A_96 = arith.constant 0 : i32
    %dma_wait3A_97 = tpu.memref_slice %arg2[%dma_wait3A_95, %dma_wait3A_96] : memref<552960x128xf32, #tpu.memory_space<hbm>> -> memref<552960x128xf32, #tpu.memory_space<hbm>>
    tpu.wait_indirect_dma semaphore(%arg9 : memref<!tpu.dma_semaphore, #tpu.memory_space<semaphore_mem>>) src(%dma_wait3A_97 : memref<552960x128xf32, #tpu.memory_space<hbm>>) dst(%dma_wait3A_91 : memref<128x128xf32, #tpu.memory_space<vmem>>)
    %dma_wait3A_98 = arith.constant 0 : i32
    %dma_wait3A_99 = arith.constant 4 : i32
    %dma_wait3A_100 = arith.constant 512 : i32
    %dma_wait3A_101 = arith.constant 0 : i32
    %dma_wait3A_102 = tpu.memref_slice %arg7[%dma_wait3A_100, %dma_wait3A_101] : memref<640x128xf32, #tpu.memory_space<vmem>> -> memref<128x128xf32, #tpu.memory_space<vmem>>
    %dma_wait3A_103 = arith.constant 0 : i32
    %dma_wait3A_104 = tpu.memref_slice %arg6[%dma_wait3A_98, %dma_wait3A_99, %dma_wait3A_103] : memref<27x5x128xi32, #tpu.memory_space<vmem>> -> memref<1x1x128xi32, #tpu.memory_space<vmem>>
    %dma_wait3A_105 = tpu.memref_squeeze %dma_wait3A_104 : memref<1x1x128xi32, #tpu.memory_space<vmem>> -> memref<128xi32, #tpu.memory_space<vmem>>
    %dma_wait3A_106 = arith.constant 0 : i32
    %dma_wait3A_107 = arith.constant 0 : i32
    %dma_wait3A_108 = tpu.memref_slice %arg2[%dma_wait3A_106, %dma_wait3A_107] : memref<552960x128xf32, #tpu.memory_space<hbm>> -> memref<552960x128xf32, #tpu.memory_space<hbm>>
    tpu.wait_indirect_dma semaphore(%arg9 : memref<!tpu.dma_semaphore, #tpu.memory_space<semaphore_mem>>) src(%dma_wait3A_108 : memref<552960x128xf32, #tpu.memory_space<hbm>>) dst(%dma_wait3A_102 : memref<128x128xf32, #tpu.memory_space<vmem>>)
    %scan3A = arith.constant 0 : i32
    %scan3A_109 = arith.constant 1 : i32
    %scan3A_110 = arith.constant 26 : i32
    %scan3A_111 = arith.addi %scan3A_109, %scan3A_110 : i32
    %scan3A_112 = arith.constant 1 : i32
    scf.for %scan3A_176 = %scan3A_109 to %scan3A_111 step %scan3A_112  : i32 {
      %dma_start3A_177 = arith.constant 0 : i32
      %dma_start3A_178 = arith.constant 0 : i32
      %dma_start3A_179 = arith.constant 0 : i32
      %dma_start3A_180 = tpu.memref_slice %arg7[%dma_start3A_178, %dma_start3A_179] : memref<640x128xf32, #tpu.memory_space<vmem>> -> memref<128x128xf32, #tpu.memory_space<vmem>>
      %dma_start3A_181 = arith.constant 0 : i32
      %dma_start3A_182 = tpu.memref_slice %arg6[%scan3A_176, %dma_start3A_177, %dma_start3A_181] : memref<27x5x128xi32, #tpu.memory_space<vmem>> -> memref<1x1x128xi32, #tpu.memory_space<vmem>>
      %dma_start3A_183 = tpu.memref_squeeze %dma_start3A_182 : memref<1x1x128xi32, #tpu.memory_space<vmem>> -> memref<128xi32, #tpu.memory_space<vmem>>
      %dma_start3A_184 = arith.constant 0 : i32
      %dma_start3A_185 = arith.constant 0 : i32
      %dma_start3A_186 = tpu.memref_slice %arg2[%dma_start3A_184, %dma_start3A_185] : memref<552960x128xf32, #tpu.memory_space<hbm>> -> memref<552960x128xf32, #tpu.memory_space<hbm>>
      tpu.enqueue_indirect_dma source(%dma_start3A_186 : memref<552960x128xf32, #tpu.memory_space<hbm>>) target(%dma_start3A_180 : memref<128x128xf32, #tpu.memory_space<vmem>>) offsets(%dma_start3A_183 : memref<128xi32, #tpu.memory_space<vmem>>) semaphore(%arg9 : memref<!tpu.dma_semaphore, #tpu.memory_space<semaphore_mem>>) {add = true}
      %dma_start3A_187 = arith.constant 1 : i32
      %dma_start3A_188 = arith.constant 128 : i32
      %dma_start3A_189 = arith.constant 0 : i32
      %dma_start3A_190 = tpu.memref_slice %arg7[%dma_start3A_188, %dma_start3A_189] : memref<640x128xf32, #tpu.memory_space<vmem>> -> memref<128x128xf32, #tpu.memory_space<vmem>>
      %dma_start3A_191 = arith.constant 0 : i32
      %dma_start3A_192 = tpu.memref_slice %arg6[%scan3A_176, %dma_start3A_187, %dma_start3A_191] : memref<27x5x128xi32, #tpu.memory_space<vmem>> -> memref<1x1x128xi32, #tpu.memory_space<vmem>>
      %dma_start3A_193 = tpu.memref_squeeze %dma_start3A_192 : memref<1x1x128xi32, #tpu.memory_space<vmem>> -> memref<128xi32, #tpu.memory_space<vmem>>
      %dma_start3A_194 = arith.constant 0 : i32
      %dma_start3A_195 = arith.constant 0 : i32
      %dma_start3A_196 = tpu.memref_slice %arg2[%dma_start3A_194, %dma_start3A_195] : memref<552960x128xf32, #tpu.memory_space<hbm>> -> memref<552960x128xf32, #tpu.memory_space<hbm>>
      tpu.enqueue_indirect_dma source(%dma_start3A_196 : memref<552960x128xf32, #tpu.memory_space<hbm>>) target(%dma_start3A_190 : memref<128x128xf32, #tpu.memory_space<vmem>>) offsets(%dma_start3A_193 : memref<128xi32, #tpu.memory_space<vmem>>) semaphore(%arg9 : memref<!tpu.dma_semaphore, #tpu.memory_space<semaphore_mem>>) {add = true}
      %dma_start3A_197 = arith.constant 2 : i32
      %dma_start3A_198 = arith.constant 256 : i32
      %dma_start3A_199 = arith.constant 0 : i32
      %dma_start3A_200 = tpu.memref_slice %arg7[%dma_start3A_198, %dma_start3A_199] : memref<640x128xf32, #tpu.memory_space<vmem>> -> memref<128x128xf32, #tpu.memory_space<vmem>>
      %dma_start3A_201 = arith.constant 0 : i32
      %dma_start3A_202 = tpu.memref_slice %arg6[%scan3A_176, %dma_start3A_197, %dma_start3A_201] : memref<27x5x128xi32, #tpu.memory_space<vmem>> -> memref<1x1x128xi32, #tpu.memory_space<vmem>>
      %dma_start3A_203 = tpu.memref_squeeze %dma_start3A_202 : memref<1x1x128xi32, #tpu.memory_space<vmem>> -> memref<128xi32, #tpu.memory_space<vmem>>
      %dma_start3A_204 = arith.constant 0 : i32
      %dma_start3A_205 = arith.constant 0 : i32
      %dma_start3A_206 = tpu.memref_slice %arg2[%dma_start3A_204, %dma_start3A_205] : memref<552960x128xf32, #tpu.memory_space<hbm>> -> memref<552960x128xf32, #tpu.memory_space<hbm>>
      tpu.enqueue_indirect_dma source(%dma_start3A_206 : memref<552960x128xf32, #tpu.memory_space<hbm>>) target(%dma_start3A_200 : memref<128x128xf32, #tpu.memory_space<vmem>>) offsets(%dma_start3A_203 : memref<128xi32, #tpu.memory_space<vmem>>) semaphore(%arg9 : memref<!tpu.dma_semaphore, #tpu.memory_space<semaphore_mem>>) {add = true}
      %dma_start3A_207 = arith.constant 3 : i32
      %dma_start3A_208 = arith.constant 384 : i32
      %dma_start3A_209 = arith.constant 0 : i32
      %dma_start3A_210 = tpu.memref_slice %arg7[%dma_start3A_208, %dma_start3A_209] : memref<640x128xf32, #tpu.memory_space<vmem>> -> memref<128x128xf32, #tpu.memory_space<vmem>>
      %dma_start3A_211 = arith.constant 0 : i32
      %dma_start3A_212 = tpu.memref_slice %arg6[%scan3A_176, %dma_start3A_207, %dma_start3A_211] : memref<27x5x128xi32, #tpu.memory_space<vmem>> -> memref<1x1x128xi32, #tpu.memory_space<vmem>>
      %dma_start3A_213 = tpu.memref_squeeze %dma_start3A_212 : memref<1x1x128xi32, #tpu.memory_space<vmem>> -> memref<128xi32, #tpu.memory_space<vmem>>
      %dma_start3A_214 = arith.constant 0 : i32
      %dma_start3A_215 = arith.constant 0 : i32
      %dma_start3A_216 = tpu.memref_slice %arg2[%dma_start3A_214, %dma_start3A_215] : memref<552960x128xf32, #tpu.memory_space<hbm>> -> memref<552960x128xf32, #tpu.memory_space<hbm>>
      tpu.enqueue_indirect_dma source(%dma_start3A_216 : memref<552960x128xf32, #tpu.memory_space<hbm>>) target(%dma_start3A_210 : memref<128x128xf32, #tpu.memory_space<vmem>>) offsets(%dma_start3A_213 : memref<128xi32, #tpu.memory_space<vmem>>) semaphore(%arg9 : memref<!tpu.dma_semaphore, #tpu.memory_space<semaphore_mem>>) {add = true}
      %dma_start3A_217 = arith.constant 4 : i32
      %dma_start3A_218 = arith.constant 512 : i32
      %dma_start3A_219 = arith.constant 0 : i32
      %dma_start3A_220 = tpu.memref_slice %arg7[%dma_start3A_218, %dma_start3A_219] : memref<640x128xf32, #tpu.memory_space<vmem>> -> memref<128x128xf32, #tpu.memory_space<vmem>>
      %dma_start3A_221 = arith.constant 0 : i32
      %dma_start3A_222 = tpu.memref_slice %arg6[%scan3A_176, %dma_start3A_217, %dma_start3A_221] : memref<27x5x128xi32, #tpu.memory_space<vmem>> -> memref<1x1x128xi32, #tpu.memory_space<vmem>>
      %dma_start3A_223 = tpu.memref_squeeze %dma_start3A_222 : memref<1x1x128xi32, #tpu.memory_space<vmem>> -> memref<128xi32, #tpu.memory_space<vmem>>
      %dma_start3A_224 = arith.constant 0 : i32
      %dma_start3A_225 = arith.constant 0 : i32
      %dma_start3A_226 = tpu.memref_slice %arg2[%dma_start3A_224, %dma_start3A_225] : memref<552960x128xf32, #tpu.memory_space<hbm>> -> memref<552960x128xf32, #tpu.memory_space<hbm>>
      tpu.enqueue_indirect_dma source(%dma_start3A_226 : memref<552960x128xf32, #tpu.memory_space<hbm>>) target(%dma_start3A_220 : memref<128x128xf32, #tpu.memory_space<vmem>>) offsets(%dma_start3A_223 : memref<128xi32, #tpu.memory_space<vmem>>) semaphore(%arg9 : memref<!tpu.dma_semaphore, #tpu.memory_space<semaphore_mem>>) {add = true}
    }
    %scan3A_113 = arith.constant 26 : i32
    %scan3A_114 = arith.constant 0 : i32
    %scan3A_115 = arith.constant 1 : i32
    %scan3A_116 = arith.constant 26 : i32
    %scan3A_117 = arith.addi %scan3A_115, %scan3A_116 : i32
    %scan3A_118 = arith.constant 1 : i32
    scf.for %scan3A_176 = %scan3A_115 to %scan3A_117 step %scan3A_118  : i32 {
      %dma_wait3A_177 = arith.constant 0 : i32
      %dma_wait3A_178 = arith.constant 0 : i32
      %dma_wait3A_179 = arith.constant 0 : i32
      %dma_wait3A_180 = tpu.memref_slice %arg7[%dma_wait3A_178, %dma_wait3A_179] : memref<640x128xf32, #tpu.memory_space<vmem>> -> memref<128x128xf32, #tpu.memory_space<vmem>>
      %dma_wait3A_181 = arith.constant 0 : i32
      %dma_wait3A_182 = tpu.memref_slice %arg6[%scan3A_176, %dma_wait3A_177, %dma_wait3A_181] : memref<27x5x128xi32, #tpu.memory_space<vmem>> -> memref<1x1x128xi32, #tpu.memory_space<vmem>>
      %dma_wait3A_183 = tpu.memref_squeeze %dma_wait3A_182 : memref<1x1x128xi32, #tpu.memory_space<vmem>> -> memref<128xi32, #tpu.memory_space<vmem>>
      %dma_wait3A_184 = arith.constant 0 : i32
      %dma_wait3A_185 = arith.constant 0 : i32
      %dma_wait3A_186 = tpu.memref_slice %arg2[%dma_wait3A_184, %dma_wait3A_185] : memref<552960x128xf32, #tpu.memory_space<hbm>> -> memref<552960x128xf32, #tpu.memory_space<hbm>>
      tpu.wait_indirect_dma semaphore(%arg9 : memref<!tpu.dma_semaphore, #tpu.memory_space<semaphore_mem>>) src(%dma_wait3A_186 : memref<552960x128xf32, #tpu.memory_space<hbm>>) dst(%dma_wait3A_180 : memref<128x128xf32, #tpu.memory_space<vmem>>)
      %dma_wait3A_187 = arith.constant 1 : i32
      %dma_wait3A_188 = arith.constant 128 : i32
      %dma_wait3A_189 = arith.constant 0 : i32
      %dma_wait3A_190 = tpu.memref_slice %arg7[%dma_wait3A_188, %dma_wait3A_189] : memref<640x128xf32, #tpu.memory_space<vmem>> -> memref<128x128xf32, #tpu.memory_space<vmem>>
      %dma_wait3A_191 = arith.constant 0 : i32
      %dma_wait3A_192 = tpu.memref_slice %arg6[%scan3A_176, %dma_wait3A_187, %dma_wait3A_191] : memref<27x5x128xi32, #tpu.memory_space<vmem>> -> memref<1x1x128xi32, #tpu.memory_space<vmem>>
      %dma_wait3A_193 = tpu.memref_squeeze %dma_wait3A_192 : memref<1x1x128xi32, #tpu.memory_space<vmem>> -> memref<128xi32, #tpu.memory_space<vmem>>
      %dma_wait3A_194 = arith.constant 0 : i32
      %dma_wait3A_195 = arith.constant 0 : i32
      %dma_wait3A_196 = tpu.memref_slice %arg2[%dma_wait3A_194, %dma_wait3A_195] : memref<552960x128xf32, #tpu.memory_space<hbm>> -> memref<552960x128xf32, #tpu.memory_space<hbm>>
      tpu.wait_indirect_dma semaphore(%arg9 : memref<!tpu.dma_semaphore, #tpu.memory_space<semaphore_mem>>) src(%dma_wait3A_196 : memref<552960x128xf32, #tpu.memory_space<hbm>>) dst(%dma_wait3A_190 : memref<128x128xf32, #tpu.memory_space<vmem>>)
      %dma_wait3A_197 = arith.constant 2 : i32
      %dma_wait3A_198 = arith.constant 256 : i32
      %dma_wait3A_199 = arith.constant 0 : i32
      %dma_wait3A_200 = tpu.memref_slice %arg7[%dma_wait3A_198, %dma_wait3A_199] : memref<640x128xf32, #tpu.memory_space<vmem>> -> memref<128x128xf32, #tpu.memory_space<vmem>>
      %dma_wait3A_201 = arith.constant 0 : i32
      %dma_wait3A_202 = tpu.memref_slice %arg6[%scan3A_176, %dma_wait3A_197, %dma_wait3A_201] : memref<27x5x128xi32, #tpu.memory_space<vmem>> -> memref<1x1x128xi32, #tpu.memory_space<vmem>>
      %dma_wait3A_203 = tpu.memref_squeeze %dma_wait3A_202 : memref<1x1x128xi32, #tpu.memory_space<vmem>> -> memref<128xi32, #tpu.memory_space<vmem>>
      %dma_wait3A_204 = arith.constant 0 : i32
      %dma_wait3A_205 = arith.constant 0 : i32
      %dma_wait3A_206 = tpu.memref_slice %arg2[%dma_wait3A_204, %dma_wait3A_205] : memref<552960x128xf32, #tpu.memory_space<hbm>> -> memref<552960x128xf32, #tpu.memory_space<hbm>>
      tpu.wait_indirect_dma semaphore(%arg9 : memref<!tpu.dma_semaphore, #tpu.memory_space<semaphore_mem>>) src(%dma_wait3A_206 : memref<552960x128xf32, #tpu.memory_space<hbm>>) dst(%dma_wait3A_200 : memref<128x128xf32, #tpu.memory_space<vmem>>)
      %dma_wait3A_207 = arith.constant 3 : i32
      %dma_wait3A_208 = arith.constant 384 : i32
      %dma_wait3A_209 = arith.constant 0 : i32
      %dma_wait3A_210 = tpu.memref_slice %arg7[%dma_wait3A_208, %dma_wait3A_209] : memref<640x128xf32, #tpu.memory_space<vmem>> -> memref<128x128xf32, #tpu.memory_space<vmem>>
      %dma_wait3A_211 = arith.constant 0 : i32
      %dma_wait3A_212 = tpu.memref_slice %arg6[%scan3A_176, %dma_wait3A_207, %dma_wait3A_211] : memref<27x5x128xi32, #tpu.memory_space<vmem>> -> memref<1x1x128xi32, #tpu.memory_space<vmem>>
      %dma_wait3A_213 = tpu.memref_squeeze %dma_wait3A_212 : memref<1x1x128xi32, #tpu.memory_space<vmem>> -> memref<128xi32, #tpu.memory_space<vmem>>
      %dma_wait3A_214 = arith.constant 0 : i32
      %dma_wait3A_215 = arith.constant 0 : i32
      %dma_wait3A_216 = tpu.memref_slice %arg2[%dma_wait3A_214, %dma_wait3A_215] : memref<552960x128xf32, #tpu.memory_space<hbm>> -> memref<552960x128xf32, #tpu.memory_space<hbm>>
      tpu.wait_indirect_dma semaphore(%arg9 : memref<!tpu.dma_semaphore, #tpu.memory_space<semaphore_mem>>) src(%dma_wait3A_216 : memref<552960x128xf32, #tpu.memory_space<hbm>>) dst(%dma_wait3A_210 : memref<128x128xf32, #tpu.memory_space<vmem>>)
      %dma_wait3A_217 = arith.constant 4 : i32
      %dma_wait3A_218 = arith.constant 512 : i32
      %dma_wait3A_219 = arith.constant 0 : i32
      %dma_wait3A_220 = tpu.memref_slice %arg7[%dma_wait3A_218, %dma_wait3A_219] : memref<640x128xf32, #tpu.memory_space<vmem>> -> memref<128x128xf32, #tpu.memory_space<vmem>>
      %dma_wait3A_221 = arith.constant 0 : i32
      %dma_wait3A_222 = tpu.memref_slice %arg6[%scan3A_176, %dma_wait3A_217, %dma_wait3A_221] : memref<27x5x128xi32, #tpu.memory_space<vmem>> -> memref<1x1x128xi32, #tpu.memory_space<vmem>>
      %dma_wait3A_223 = tpu.memref_squeeze %dma_wait3A_222 : memref<1x1x128xi32, #tpu.memory_space<vmem>> -> memref<128xi32, #tpu.memory_space<vmem>>
      %dma_wait3A_224 = arith.constant 0 : i32
      %dma_wait3A_225 = arith.constant 0 : i32
      %dma_wait3A_226 = tpu.memref_slice %arg2[%dma_wait3A_224, %dma_wait3A_225] : memref<552960x128xf32, #tpu.memory_space<hbm>> -> memref<552960x128xf32, #tpu.memory_space<hbm>>
      tpu.wait_indirect_dma semaphore(%arg9 : memref<!tpu.dma_semaphore, #tpu.memory_space<semaphore_mem>>) src(%dma_wait3A_226 : memref<552960x128xf32, #tpu.memory_space<hbm>>) dst(%dma_wait3A_220 : memref<128x128xf32, #tpu.memory_space<vmem>>)
    }
    %scan3A_119 = arith.constant 26 : i32
    %broadcast_in_dim3A = arith.constant 0.000000e+00 : f32
    %broadcast_in_dim3A_120 = vector.broadcast %broadcast_in_dim3A : f32 to vector<16xf32>
    %scan3A_121 = arith.constant 0 : i32
    %scan3A_122 = arith.constant 640 : i32
    %scan3A_123 = arith.addi %scan3A_121, %scan3A_122 : i32
    %scan3A_124 = arith.constant 1 : i32
    %scan3A_125:8 = scf.for %scan3A_176 = %scan3A_121 to %scan3A_123 step %scan3A_124 iter_args(%scan3A_177 = %broadcast_in_dim3A_120, %scan3A_178 = %broadcast_in_dim3A_120, %scan3A_179 = %broadcast_in_dim3A_120, %scan3A_180 = %broadcast_in_dim3A_120, %scan3A_181 = %broadcast_in_dim3A_120, %scan3A_182 = %broadcast_in_dim3A_120, %scan3A_183 = %broadcast_in_dim3A_120, %scan3A_184 = %broadcast_in_dim3A_120) -> (vector<16xf32>, vector<16xf32>, vector<16xf32>, vector<16xf32>, vector<16xf32>, vector<16xf32>, vector<16xf32>, vector<16xf32>)  : i32 {
      %get3A = arith.index_cast %scan3A_176 : i32 to index
      %get3A_185 = arith.constant 0 : index
      %get3A_186 = tpu.vector_load %arg7[%get3A, %get3A_185] {strides = array<i32>} : memref<640x128xf32, #tpu.memory_space<vmem>>, vector<1x16xf32>,
      %get3A_187 = vector.shape_cast %get3A_186 : vector<1x16xf32> to vector<16xf32>
      %get3A_188 = arith.index_cast %scan3A_176 : i32 to index
      %get3A_189 = arith.constant 16 : index
      %get3A_190 = tpu.vector_load %arg7[%get3A_188, %get3A_189] {strides = array<i32>} : memref<640x128xf32, #tpu.memory_space<vmem>>, vector<1x16xf32>,
      %get3A_191 = vector.shape_cast %get3A_190 : vector<1x16xf32> to vector<16xf32>
      %get3A_192 = arith.index_cast %scan3A_176 : i32 to index
      %get3A_193 = arith.constant 32 : index
      %get3A_194 = tpu.vector_load %arg7[%get3A_192, %get3A_193] {strides = array<i32>} : memref<640x128xf32, #tpu.memory_space<vmem>>, vector<1x16xf32>,
      %get3A_195 = vector.shape_cast %get3A_194 : vector<1x16xf32> to vector<16xf32>
      %get3A_196 = arith.index_cast %scan3A_176 : i32 to index
      %get3A_197 = arith.constant 48 : index
      %get3A_198 = tpu.vector_load %arg7[%get3A_196, %get3A_197] {strides = array<i32>} : memref<640x128xf32, #tpu.memory_space<vmem>>, vector<1x16xf32>,
      %get3A_199 = vector.shape_cast %get3A_198 : vector<1x16xf32> to vector<16xf32>
      %add3A_200 = arith.addf %scan3A_177, %get3A_187 : vector<16xf32>
      %add3A_201 = arith.addf %scan3A_178, %get3A_191 : vector<16xf32>
      %add3A_202 = arith.addf %scan3A_179, %get3A_195 : vector<16xf32>
      %add3A_203 = arith.addf %scan3A_180, %get3A_199 : vector<16xf32>
      %mul3A_204 = arith.mulf %get3A_187, %get3A_187 : vector<16xf32>
      %add3A_205 = arith.addf %scan3A_181, %mul3A_204 : vector<16xf32>
      %mul3A_206 = arith.mulf %get3A_191, %get3A_191 : vector<16xf32>
      %add3A_207 = arith.addf %scan3A_182, %mul3A_206 : vector<16xf32>
      %mul3A_208 = arith.mulf %get3A_195, %get3A_195 : vector<16xf32>
      %add3A_209 = arith.addf %scan3A_183, %mul3A_208 : vector<16xf32>
      %mul3A_210 = arith.mulf %get3A_199, %get3A_199 : vector<16xf32>
      %add3A_211 = arith.addf %scan3A_184, %mul3A_210 : vector<16xf32>
      scf.yield %add3A_200, %add3A_201, %add3A_202, %add3A_203, %add3A_205, %add3A_207, %add3A_209, %add3A_211 : vector<16xf32>, vector<16xf32>, vector<16xf32>, vector<16xf32>, vector<16xf32>, vector<16xf32>, vector<16xf32>, vector<16xf32>
    }
    %scan3A_126 = arith.constant 640 : i32
    %swap3A = arith.constant 0 : i32
    %swap3A_127 = arith.index_cast %swap3A : i32 to index
    %swap3A_128 = arith.constant 0 : index
    %swap3A_129 = tpu.vector_load %arg8[%swap3A_127, %swap3A_128] {strides = array<i32>} : memref<2x64xf32, #tpu.memory_space<vmem>>, vector<1x16xf32>,
    %swap3A_130 = vector.shape_cast %swap3A_129 : vector<1x16xf32> to vector<16xf32>
    %swap3A_131 = vector.shape_cast %scan3A_125#0 : vector<16xf32> to vector<1x16xf32>
    tpu.vector_store %arg8[%swap3A_127, %swap3A_128], %swap3A_131 {strides = array<i32>} : memref<2x64xf32, #tpu.memory_space<vmem>>, vector<1x16xf32>,
    %swap3A_132 = arith.constant 1 : i32
    %swap3A_133 = arith.index_cast %swap3A_132 : i32 to index
    %swap3A_134 = arith.constant 0 : index
    %swap3A_135 = tpu.vector_load %arg8[%swap3A_133, %swap3A_134] {strides = array<i32>} : memref<2x64xf32, #tpu.memory_space<vmem>>, vector<1x16xf32>,
    %swap3A_136 = vector.shape_cast %swap3A_135 : vector<1x16xf32> to vector<16xf32>
    %swap3A_137 = vector.shape_cast %scan3A_125#4 : vector<16xf32> to vector<1x16xf32>
    tpu.vector_store %arg8[%swap3A_133, %swap3A_134], %swap3A_137 {strides = array<i32>} : memref<2x64xf32, #tpu.memory_space<vmem>>, vector<1x16xf32>,
    %swap3A_138 = arith.constant 0 : i32
    %swap3A_139 = arith.index_cast %swap3A_138 : i32 to index
    %swap3A_140 = arith.constant 16 : index
    %swap3A_141 = tpu.vector_load %arg8[%swap3A_139, %swap3A_140] {strides = array<i32>} : memref<2x64xf32, #tpu.memory_space<vmem>>, vector<1x16xf32>,
    %swap3A_142 = vector.shape_cast %swap3A_141 : vector<1x16xf32> to vector<16xf32>
    %swap3A_143 = vector.shape_cast %scan3A_125#1 : vector<16xf32> to vector<1x16xf32>
    tpu.vector_store %arg8[%swap3A_139, %swap3A_140], %swap3A_143 {strides = array<i32>} : memref<2x64xf32, #tpu.memory_space<vmem>>, vector<1x16xf32>,
    %swap3A_144 = arith.constant 1 : i32
    %swap3A_145 = arith.index_cast %swap3A_144 : i32 to index
    %swap3A_146 = arith.constant 16 : index
    %swap3A_147 = tpu.vector_load %arg8[%swap3A_145, %swap3A_146] {strides = array<i32>} : memref<2x64xf32, #tpu.memory_space<vmem>>, vector<1x16xf32>,
    %swap3A_148 = vector.shape_cast %swap3A_147 : vector<1x16xf32> to vector<16xf32>
    %swap3A_149 = vector.shape_cast %scan3A_125#5 : vector<16xf32> to vector<1x16xf32>
    tpu.vector_store %arg8[%swap3A_145, %swap3A_146], %swap3A_149 {strides = array<i32>} : memref<2x64xf32, #tpu.memory_space<vmem>>, vector<1x16xf32>,
    %swap3A_150 = arith.constant 0 : i32
    %swap3A_151 = arith.index_cast %swap3A_150 : i32 to index
    %swap3A_152 = arith.constant 32 : index
    %swap3A_153 = tpu.vector_load %arg8[%swap3A_151, %swap3A_152] {strides = array<i32>} : memref<2x64xf32, #tpu.memory_space<vmem>>, vector<1x16xf32>,
    %swap3A_154 = vector.shape_cast %swap3A_153 : vector<1x16xf32> to vector<16xf32>
    %swap3A_155 = vector.shape_cast %scan3A_125#2 : vector<16xf32> to vector<1x16xf32>
    tpu.vector_store %arg8[%swap3A_151, %swap3A_152], %swap3A_155 {strides = array<i32>} : memref<2x64xf32, #tpu.memory_space<vmem>>, vector<1x16xf32>,
    %swap3A_156 = arith.constant 1 : i32
    %swap3A_157 = arith.index_cast %swap3A_156 : i32 to index
    %swap3A_158 = arith.constant 32 : index
    %swap3A_159 = tpu.vector_load %arg8[%swap3A_157, %swap3A_158] {strides = array<i32>} : memref<2x64xf32, #tpu.memory_space<vmem>>, vector<1x16xf32>,
    %swap3A_160 = vector.shape_cast %swap3A_159 : vector<1x16xf32> to vector<16xf32>
    %swap3A_161 = vector.shape_cast %scan3A_125#6 : vector<16xf32> to vector<1x16xf32>
    tpu.vector_store %arg8[%swap3A_157, %swap3A_158], %swap3A_161 {strides = array<i32>} : memref<2x64xf32, #tpu.memory_space<vmem>>, vector<1x16xf32>,
    %swap3A_162 = arith.constant 0 : i32
    %swap3A_163 = arith.index_cast %swap3A_162 : i32 to index
    %swap3A_164 = arith.constant 48 : index
    %swap3A_165 = tpu.vector_load %arg8[%swap3A_163, %swap3A_164] {strides = array<i32>} : memref<2x64xf32, #tpu.memory_space<vmem>>, vector<1x16xf32>,
    %swap3A_166 = vector.shape_cast %swap3A_165 : vector<1x16xf32> to vector<16xf32>
    %swap3A_167 = vector.shape_cast %scan3A_125#3 : vector<16xf32> to vector<1x16xf32>
    tpu.vector_store %arg8[%swap3A_163, %swap3A_164], %swap3A_167 {strides = array<i32>} : memref<2x64xf32, #tpu.memory_space<vmem>>, vector<1x16xf32>,
    %swap3A_168 = arith.constant 1 : i32
    %swap3A_169 = arith.index_cast %swap3A_168 : i32 to index
    %swap3A_170 = arith.constant 48 : index
    %swap3A_171 = tpu.vector_load %arg8[%swap3A_169, %swap3A_170] {strides = array<i32>} : memref<2x64xf32, #tpu.memory_space<vmem>>, vector<1x16xf32>,
    %swap3A_172 = vector.shape_cast %swap3A_171 : vector<1x16xf32> to vector<16xf32>
    %swap3A_173 = vector.shape_cast %scan3A_125#7 : vector<16xf32> to vector<1x16xf32>
    tpu.vector_store %arg8[%swap3A_169, %swap3A_170], %swap3A_173 {strides = array<i32>} : memref<2x64xf32, #tpu.memory_space<vmem>>, vector<1x16xf32>,
    "tpu.region"() ({
      %run_scoped3A = tpu.sem_alloc : memref<!tpu.dma_semaphore, #tpu.memory_space<semaphore_mem>>
      %dma_start3A_176 = arith.constant 0 : i32
      %dma_start3A_177 = arith.constant 0 : i32
      %dma_start3A_178 = tpu.memref_slice %arg5[%add3A, %dma_start3A_176, %dma_start3A_177] : memref<32x2x64xf32, #tpu.memory_space<hbm>> -> memref<1x2x64xf32, #tpu.memory_space<hbm>>
      %dma_start3A_179 = tpu.memref_squeeze %dma_start3A_178 : memref<1x2x64xf32, #tpu.memory_space<hbm>> -> memref<2x64xf32, #tpu.memory_space<hbm>>
      %dma_start3A_180 = arith.constant 0 : i32
      %dma_start3A_181 = arith.constant 0 : i32
      %dma_start3A_182 = tpu.memref_slice %arg5[%add3A, %dma_start3A_180, %dma_start3A_181] : memref<32x2x64xf32, #tpu.memory_space<hbm>> -> memref<1x2x64xf32, #tpu.memory_space<hbm>>
      %dma_start3A_183 = tpu.memref_squeeze %dma_start3A_182 : memref<1x2x64xf32, #tpu.memory_space<hbm>> -> memref<2x64xf32, #tpu.memory_space<hbm>>
      tpu.enqueue_dma source(%arg8 : memref<2x64xf32, #tpu.memory_space<vmem>>) target(%dma_start3A_183 : memref<2x64xf32, #tpu.memory_space<hbm>>) target_semaphore(%run_scoped3A : memref<!tpu.dma_semaphore, #tpu.memory_space<semaphore_mem>>)
      %dma_wait3A_184 = arith.constant 0 : i32
      %dma_wait3A_185 = arith.constant 0 : i32
      %dma_wait3A_186 = tpu.memref_slice %arg5[%add3A, %dma_wait3A_184, %dma_wait3A_185] : memref<32x2x64xf32, #tpu.memory_space<hbm>> -> memref<1x2x64xf32, #tpu.memory_space<hbm>>
      %dma_wait3A_187 = tpu.memref_squeeze %dma_wait3A_186 : memref<1x2x64xf32, #tpu.memory_space<hbm>> -> memref<2x64xf32, #tpu.memory_space<hbm>>
      %dma_wait3A_188 = arith.constant 0 : i32
      %dma_wait3A_189 = arith.constant 0 : i32
      %dma_wait3A_190 = tpu.memref_slice %arg5[%add3A, %dma_wait3A_188, %dma_wait3A_189] : memref<32x2x64xf32, #tpu.memory_space<hbm>> -> memref<1x2x64xf32, #tpu.memory_space<hbm>>
      %dma_wait3A_191 = tpu.memref_squeeze %dma_wait3A_190 : memref<1x2x64xf32, #tpu.memory_space<hbm>> -> memref<2x64xf32, #tpu.memory_space<hbm>>
      tpu.wait_dma2 semaphore(%run_scoped3A : memref<!tpu.dma_semaphore, #tpu.memory_space<semaphore_mem>>) src(%arg8 : memref<2x64xf32, #tpu.memory_space<vmem>>) dst(%dma_wait3A_191 : memref<2x64xf32, #tpu.memory_space<hbm>>)
      tpu.yield
    }) : () -> ()
    %mul3A_174 = arith.constant 640 : i32
    %mul3A_175 = arith.muli %add3A, %mul3A_174 : i32
    "tpu.region"() ({
      %run_scoped3A = tpu.sem_alloc : memref<!tpu.dma_semaphore, #tpu.memory_space<semaphore_mem>>
      %dma_start3A_176 = arith.constant 0 : i32
      %dma_start3A_177 = tpu.memref_slice %arg4[%mul3A_175, %dma_start3A_176] : memref<20480x128xf32, #tpu.memory_space<hbm>> -> memref<640x128xf32, #tpu.memory_space<hbm>>
      %dma_start3A_178 = arith.constant 0 : i32
      %dma_start3A_179 = tpu.memref_slice %arg4[%mul3A_175, %dma_start3A_178] : memref<20480x128xf32, #tpu.memory_space<hbm>> -> memref<640x128xf32, #tpu.memory_space<hbm>>
      tpu.enqueue_dma source(%arg7 : memref<640x128xf32, #tpu.memory_space<vmem>>) target(%dma_start3A_179 : memref<640x128xf32, #tpu.memory_space<hbm>>) target_semaphore(%run_scoped3A : memref<!tpu.dma_semaphore, #tpu.memory_space<semaphore_mem>>)
      %dma_wait3A_180 = arith.constant 0 : i32
      %dma_wait3A_181 = tpu.memref_slice %arg4[%mul3A_175, %dma_wait3A_180] : memref<20480x128xf32, #tpu.memory_space<hbm>> -> memref<640x128xf32, #tpu.memory_space<hbm>>
      %dma_wait3A_182 = arith.constant 0 : i32
      %dma_wait3A_183 = tpu.memref_slice %arg4[%mul3A_175, %dma_wait3A_182] : memref<20480x128xf32, #tpu.memory_space<hbm>> -> memref<640x128xf32, #tpu.memory_space<hbm>>
      tpu.wait_dma2 semaphore(%run_scoped3A : memref<!tpu.dma_semaphore, #tpu.memory_space<semaphore_mem>>) src(%arg7 : memref<640x128xf32, #tpu.memory_space<vmem>>) dst(%dma_wait3A_183 : memref<640x128xf32, #tpu.memory_space<hbm>>)
      tpu.yield
    }) : () -> ()
    return
  }
}

#map = affine_map<(d0, d1) -> (0, 0)>
#map1 = affine_map<(d0, d1) -> (0, 0, 0, 0)>
#map2 = affine_map<(d0, d1) -> (0, 0, 0)>
module attributes {stable_mosaic.version = 14 : i64} {
  func.func @_conv_sc(%arg0: i32, %arg1: i32, %arg2: memref<552960x128xf32, #tpu.memory_space<hbm>>, %arg3: memref<32x27x5x128xi32, #tpu.memory_space<hbm>>, %arg4: memref<20480x128xf32, #tpu.memory_space<hbm>>, %arg5: memref<32x2x64xf32, #tpu.memory_space<hbm>>, %arg6: memref<27x5x128xi32, #tpu.memory_space<vmem>>, %arg7: memref<640x128xf32, #tpu.memory_space<vmem>>, %arg8: memref<2x64xf32, #tpu.memory_space<vmem>>, %arg9: memref<!tpu.dma_semaphore, #tpu.memory_space<semaphore_mem>>) attributes {dimension_semantics = [#tpu.dimension_semantics<core_parallel>, #tpu.dimension_semantics<subcore_parallel>], iteration_bounds = array<i64: 2, 16>, scalar_prefetch = 0 : i64, scratch_operands = 4 : i64, tpu.core_type = #tpu.core_type<sc_vector_subcore>, window_params = [{transform_indices = #map}, {transform_indices = #map1}, {transform_indices = #map}, {transform_indices = #map2}]} {
    %mul3A = arith.constant 2 : i32
    %mul3A_0 = arith.muli %arg1, %mul3A : i32
    %add3A = arith.addi %mul3A_0, %arg0 : i32
    "tpu.region"() ({
      %run_scoped3A = tpu.sem_alloc : memref<!tpu.dma_semaphore, #tpu.memory_space<semaphore_mem>>
      %dma_start3A_176 = arith.constant 0 : i32
      %dma_start3A_177 = arith.constant 0 : i32
      %dma_start3A_178 = arith.constant 0 : i32
      %dma_start3A_179 = tpu.memref_slice %arg3[%add3A, %dma_start3A_176, %dma_start3A_177, %dma_start3A_178] : memref<32x27x5x128xi32, #tpu.memory_space<hbm>> -> memref<1x27x5x128xi32, #tpu.memory_space<hbm>>
      %dma_start3A_180 = tpu.memref_squeeze %dma_start3A_179 : memref<1x27x5x128xi32, #tpu.memory_space<hbm>> -> memref<27x5x128xi32, #tpu.memory_space<hbm>>
      %dma_start3A_181 = arith.constant 0 : i32
      %dma_start3A_182 = arith.constant 0 : i32
      %dma_start3A_183 = arith.constant 0 : i32
      %dma_start3A_184 = tpu.memref_slice %arg3[%add3A, %dma_start3A_181, %dma_start3A_182, %dma_start3A_183] : memref<32x27x5x128xi32, #tpu.memory_space<hbm>> -> memref<1x27x5x128xi32, #tpu.memory_space<hbm>>
      %dma_start3A_185 = tpu.memref_squeeze %dma_start3A_184 : memref<1x27x5x128xi32, #tpu.memory_space<hbm>> -> memref<27x5x128xi32, #tpu.memory_space<hbm>>
      tpu.enqueue_dma source(%dma_start3A_185 : memref<27x5x128xi32, #tpu.memory_space<hbm>>) target(%arg6 : memref<27x5x128xi32, #tpu.memory_space<vmem>>) target_semaphore(%run_scoped3A : memref<!tpu.dma_semaphore, #tpu.memory_space<semaphore_mem>>)
      %dma_wait3A_186 = arith.constant 0 : i32
      %dma_wait3A_187 = arith.constant 0 : i32
      %dma_wait3A_188 = arith.constant 0 : i32
      %dma_wait3A_189 = tpu.memref_slice %arg3[%add3A, %dma_wait3A_186, %dma_wait3A_187, %dma_wait3A_188] : memref<32x27x5x128xi32, #tpu.memory_space<hbm>> -> memref<1x27x5x128xi32, #tpu.memory_space<hbm>>
      %dma_wait3A_190 = tpu.memref_squeeze %dma_wait3A_189 : memref<1x27x5x128xi32, #tpu.memory_space<hbm>> -> memref<27x5x128xi32, #tpu.memory_space<hbm>>
      %dma_wait3A_191 = arith.constant 0 : i32
      %dma_wait3A_192 = arith.constant 0 : i32
      %dma_wait3A_193 = arith.constant 0 : i32
      %dma_wait3A_194 = tpu.memref_slice %arg3[%add3A, %dma_wait3A_191, %dma_wait3A_192, %dma_wait3A_193] : memref<32x27x5x128xi32, #tpu.memory_space<hbm>> -> memref<1x27x5x128xi32, #tpu.memory_space<hbm>>
      %dma_wait3A_195 = tpu.memref_squeeze %dma_wait3A_194 : memref<1x27x5x128xi32, #tpu.memory_space<hbm>> -> memref<27x5x128xi32, #tpu.memory_space<hbm>>
      tpu.wait_dma2 semaphore(%run_scoped3A : memref<!tpu.dma_semaphore, #tpu.memory_space<semaphore_mem>>) src(%dma_wait3A_195 : memref<27x5x128xi32, #tpu.memory_space<hbm>>) dst(%arg6 : memref<27x5x128xi32, #tpu.memory_space<vmem>>)
      tpu.yield
    }) : () -> ()
    %dma_start3A = arith.constant 0 : i32
    %dma_start3A_1 = arith.constant 0 : i32
    %dma_start3A_2 = arith.constant 0 : i32
    %dma_start3A_3 = arith.constant 0 : i32
    %dma_start3A_4 = tpu.memref_slice %arg7[%dma_start3A_2, %dma_start3A_3] : memref<640x128xf32, #tpu.memory_space<vmem>> -> memref<128x128xf32, #tpu.memory_space<vmem>>
    %dma_start3A_5 = arith.constant 0 : i32
    %dma_start3A_6 = tpu.memref_slice %arg6[%dma_start3A, %dma_start3A_1, %dma_start3A_5] : memref<27x5x128xi32, #tpu.memory_space<vmem>> -> memref<1x1x128xi32, #tpu.memory_space<vmem>>
    %dma_start3A_7 = tpu.memref_squeeze %dma_start3A_6 : memref<1x1x128xi32, #tpu.memory_space<vmem>> -> memref<128xi32, #tpu.memory_space<vmem>>
    %dma_start3A_8 = arith.constant 0 : i32
    %dma_start3A_9 = arith.constant 0 : i32
    %dma_start3A_10 = tpu.memref_slice %arg2[%dma_start3A_8, %dma_start3A_9] : memref<552960x128xf32, #tpu.memory_space<hbm>> -> memref<552960x128xf32, #tpu.memory_space<hbm>>
    tpu.enqueue_indirect_dma source(%dma_start3A_10 : memref<552960x128xf32, #tpu.memory_space<hbm>>) target(%dma_start3A_4 : memref<128x128xf32, #tpu.memory_space<vmem>>) offsets(%dma_start3A_7 : memref<128xi32, #tpu.memory_space<vmem>>) semaphore(%arg9 : memref<!tpu.dma_semaphore, #tpu.memory_space<semaphore_mem>>)
    %dma_start3A_11 = arith.constant 0 : i32
    %dma_start3A_12 = arith.constant 1 : i32
    %dma_start3A_13 = arith.constant 128 : i32
    %dma_start3A_14 = arith.constant 0 : i32
    %dma_start3A_15 = tpu.memref_slice %arg7[%dma_start3A_13, %dma_start3A_14] : memref<640x128xf32, #tpu.memory_space<vmem>> -> memref<128x128xf32, #tpu.memory_space<vmem>>
    %dma_start3A_16 = arith.constant 0 : i32
    %dma_start3A_17 = tpu.memref_slice %arg6[%dma_start3A_11, %dma_start3A_12, %dma_start3A_16] : memref<27x5x128xi32, #tpu.memory_space<vmem>> -> memref<1x1x128xi32, #tpu.memory_space<vmem>>
    %dma_start3A_18 = tpu.memref_squeeze %dma_start3A_17 : memref<1x1x128xi32, #tpu.memory_space<vmem>> -> memref<128xi32, #tpu.memory_space<vmem>>
    %dma_start3A_19 = arith.constant 0 : i32
    %dma_start3A_20 = arith.constant 0 : i32
    %dma_start3A_21 = tpu.memref_slice %arg2[%dma_start3A_19, %dma_start3A_20] : memref<552960x128xf32, #tpu.memory_space<hbm>> -> memref<552960x128xf32, #tpu.memory_space<hbm>>
    tpu.enqueue_indirect_dma source(%dma_start3A_21 : memref<552960x128xf32, #tpu.memory_space<hbm>>) target(%dma_start3A_15 : memref<128x128xf32, #tpu.memory_space<vmem>>) offsets(%dma_start3A_18 : memref<128xi32, #tpu.memory_space<vmem>>) semaphore(%arg9 : memref<!tpu.dma_semaphore, #tpu.memory_space<semaphore_mem>>)
    %dma_start3A_22 = arith.constant 0 : i32
    %dma_start3A_23 = arith.constant 2 : i32
    %dma_start3A_24 = arith.constant 256 : i32
    %dma_start3A_25 = arith.constant 0 : i32
    %dma_start3A_26 = tpu.memref_slice %arg7[%dma_start3A_24, %dma_start3A_25] : memref<640x128xf32, #tpu.memory_space<vmem>> -> memref<128x128xf32, #tpu.memory_space<vmem>>
    %dma_start3A_27 = arith.constant 0 : i32
    %dma_start3A_28 = tpu.memref_slice %arg6[%dma_start3A_22, %dma_start3A_23, %dma_start3A_27] : memref<27x5x128xi32, #tpu.memory_space<vmem>> -> memref<1x1x128xi32, #tpu.memory_space<vmem>>
    %dma_start3A_29 = tpu.memref_squeeze %dma_start3A_28 : memref<1x1x128xi32, #tpu.memory_space<vmem>> -> memref<128xi32, #tpu.memory_space<vmem>>
    %dma_start3A_30 = arith.constant 0 : i32
    %dma_start3A_31 = arith.constant 0 : i32
    %dma_start3A_32 = tpu.memref_slice %arg2[%dma_start3A_30, %dma_start3A_31] : memref<552960x128xf32, #tpu.memory_space<hbm>> -> memref<552960x128xf32, #tpu.memory_space<hbm>>
    tpu.enqueue_indirect_dma source(%dma_start3A_32 : memref<552960x128xf32, #tpu.memory_space<hbm>>) target(%dma_start3A_26 : memref<128x128xf32, #tpu.memory_space<vmem>>) offsets(%dma_start3A_29 : memref<128xi32, #tpu.memory_space<vmem>>) semaphore(%arg9 : memref<!tpu.dma_semaphore, #tpu.memory_space<semaphore_mem>>)
    %dma_start3A_33 = arith.constant 0 : i32
    %dma_start3A_34 = arith.constant 3 : i32
    %dma_start3A_35 = arith.constant 384 : i32
    %dma_start3A_36 = arith.constant 0 : i32
    %dma_start3A_37 = tpu.memref_slice %arg7[%dma_start3A_35, %dma_start3A_36] : memref<640x128xf32, #tpu.memory_space<vmem>> -> memref<128x128xf32, #tpu.memory_space<vmem>>
    %dma_start3A_38 = arith.constant 0 : i32
    %dma_start3A_39 = tpu.memref_slice %arg6[%dma_start3A_33, %dma_start3A_34, %dma_start3A_38] : memref<27x5x128xi32, #tpu.memory_space<vmem>> -> memref<1x1x128xi32, #tpu.memory_space<vmem>>
    %dma_start3A_40 = tpu.memref_squeeze %dma_start3A_39 : memref<1x1x128xi32, #tpu.memory_space<vmem>> -> memref<128xi32, #tpu.memory_space<vmem>>
    %dma_start3A_41 = arith.constant 0 : i32
    %dma_start3A_42 = arith.constant 0 : i32
    %dma_start3A_43 = tpu.memref_slice %arg2[%dma_start3A_41, %dma_start3A_42] : memref<552960x128xf32, #tpu.memory_space<hbm>> -> memref<552960x128xf32, #tpu.memory_space<hbm>>
    tpu.enqueue_indirect_dma source(%dma_start3A_43 : memref<552960x128xf32, #tpu.memory_space<hbm>>) target(%dma_start3A_37 : memref<128x128xf32, #tpu.memory_space<vmem>>) offsets(%dma_start3A_40 : memref<128xi32, #tpu.memory_space<vmem>>) semaphore(%arg9 : memref<!tpu.dma_semaphore, #tpu.memory_space<semaphore_mem>>)
    %dma_start3A_44 = arith.constant 0 : i32
    %dma_start3A_45 = arith.constant 4 : i32
    %dma_start3A_46 = arith.constant 512 : i32
    %dma_start3A_47 = arith.constant 0 : i32
    %dma_start3A_48 = tpu.memref_slice %arg7[%dma_start3A_46, %dma_start3A_47] : memref<640x128xf32, #tpu.memory_space<vmem>> -> memref<128x128xf32, #tpu.memory_space<vmem>>
    %dma_start3A_49 = arith.constant 0 : i32
    %dma_start3A_50 = tpu.memref_slice %arg6[%dma_start3A_44, %dma_start3A_45, %dma_start3A_49] : memref<27x5x128xi32, #tpu.memory_space<vmem>> -> memref<1x1x128xi32, #tpu.memory_space<vmem>>
    %dma_start3A_51 = tpu.memref_squeeze %dma_start3A_50 : memref<1x1x128xi32, #tpu.memory_space<vmem>> -> memref<128xi32, #tpu.memory_space<vmem>>
    %dma_start3A_52 = arith.constant 0 : i32
    %dma_start3A_53 = arith.constant 0 : i32
    %dma_start3A_54 = tpu.memref_slice %arg2[%dma_start3A_52, %dma_start3A_53] : memref<552960x128xf32, #tpu.memory_space<hbm>> -> memref<552960x128xf32, #tpu.memory_space<hbm>>
    tpu.enqueue_indirect_dma source(%dma_start3A_54 : memref<552960x128xf32, #tpu.memory_space<hbm>>) target(%dma_start3A_48 : memref<128x128xf32, #tpu.memory_space<vmem>>) offsets(%dma_start3A_51 : memref<128xi32, #tpu.memory_space<vmem>>) semaphore(%arg9 : memref<!tpu.dma_semaphore, #tpu.memory_space<semaphore_mem>>)
    %dma_wait3A = arith.constant 0 : i32
    %dma_wait3A_55 = arith.constant 0 : i32
    %dma_wait3A_56 = arith.constant 0 : i32
    %dma_wait3A_57 = arith.constant 0 : i32
    %dma_wait3A_58 = tpu.memref_slice %arg7[%dma_wait3A_56, %dma_wait3A_57] : memref<640x128xf32, #tpu.memory_space<vmem>> -> memref<128x128xf32, #tpu.memory_space<vmem>>
    %dma_wait3A_59 = arith.constant 0 : i32
    %dma_wait3A_60 = tpu.memref_slice %arg6[%dma_wait3A, %dma_wait3A_55, %dma_wait3A_59] : memref<27x5x128xi32, #tpu.memory_space<vmem>> -> memref<1x1x128xi32, #tpu.memory_space<vmem>>
    %dma_wait3A_61 = tpu.memref_squeeze %dma_wait3A_60 : memref<1x1x128xi32, #tpu.memory_space<vmem>> -> memref<128xi32, #tpu.memory_space<vmem>>
    %dma_wait3A_62 = arith.constant 0 : i32
    %dma_wait3A_63 = arith.constant 0 : i32
    %dma_wait3A_64 = tpu.memref_slice %arg2[%dma_wait3A_62, %dma_wait3A_63] : memref<552960x128xf32, #tpu.memory_space<hbm>> -> memref<552960x128xf32, #tpu.memory_space<hbm>>
    tpu.wait_indirect_dma semaphore(%arg9 : memref<!tpu.dma_semaphore, #tpu.memory_space<semaphore_mem>>) src(%dma_wait3A_64 : memref<552960x128xf32, #tpu.memory_space<hbm>>) dst(%dma_wait3A_58 : memref<128x128xf32, #tpu.memory_space<vmem>>)
    %dma_wait3A_65 = arith.constant 0 : i32
    %dma_wait3A_66 = arith.constant 1 : i32
    %dma_wait3A_67 = arith.constant 128 : i32
    %dma_wait3A_68 = arith.constant 0 : i32
    %dma_wait3A_69 = tpu.memref_slice %arg7[%dma_wait3A_67, %dma_wait3A_68] : memref<640x128xf32, #tpu.memory_space<vmem>> -> memref<128x128xf32, #tpu.memory_space<vmem>>
    %dma_wait3A_70 = arith.constant 0 : i32
    %dma_wait3A_71 = tpu.memref_slice %arg6[%dma_wait3A_65, %dma_wait3A_66, %dma_wait3A_70] : memref<27x5x128xi32, #tpu.memory_space<vmem>> -> memref<1x1x128xi32, #tpu.memory_space<vmem>>
    %dma_wait3A_72 = tpu.memref_squeeze %dma_wait3A_71 : memref<1x1x128xi32, #tpu.memory_space<vmem>> -> memref<128xi32, #tpu.memory_space<vmem>>
    %dma_wait3A_73 = arith.constant 0 : i32
    %dma_wait3A_74 = arith.constant 0 : i32
    %dma_wait3A_75 = tpu.memref_slice %arg2[%dma_wait3A_73, %dma_wait3A_74] : memref<552960x128xf32, #tpu.memory_space<hbm>> -> memref<552960x128xf32, #tpu.memory_space<hbm>>
    tpu.wait_indirect_dma semaphore(%arg9 : memref<!tpu.dma_semaphore, #tpu.memory_space<semaphore_mem>>) src(%dma_wait3A_75 : memref<552960x128xf32, #tpu.memory_space<hbm>>) dst(%dma_wait3A_69 : memref<128x128xf32, #tpu.memory_space<vmem>>)
    %dma_wait3A_76 = arith.constant 0 : i32
    %dma_wait3A_77 = arith.constant 2 : i32
    %dma_wait3A_78 = arith.constant 256 : i32
    %dma_wait3A_79 = arith.constant 0 : i32
    %dma_wait3A_80 = tpu.memref_slice %arg7[%dma_wait3A_78, %dma_wait3A_79] : memref<640x128xf32, #tpu.memory_space<vmem>> -> memref<128x128xf32, #tpu.memory_space<vmem>>
    %dma_wait3A_81 = arith.constant 0 : i32
    %dma_wait3A_82 = tpu.memref_slice %arg6[%dma_wait3A_76, %dma_wait3A_77, %dma_wait3A_81] : memref<27x5x128xi32, #tpu.memory_space<vmem>> -> memref<1x1x128xi32, #tpu.memory_space<vmem>>
    %dma_wait3A_83 = tpu.memref_squeeze %dma_wait3A_82 : memref<1x1x128xi32, #tpu.memory_space<vmem>> -> memref<128xi32, #tpu.memory_space<vmem>>
    %dma_wait3A_84 = arith.constant 0 : i32
    %dma_wait3A_85 = arith.constant 0 : i32
    %dma_wait3A_86 = tpu.memref_slice %arg2[%dma_wait3A_84, %dma_wait3A_85] : memref<552960x128xf32, #tpu.memory_space<hbm>> -> memref<552960x128xf32, #tpu.memory_space<hbm>>
    tpu.wait_indirect_dma semaphore(%arg9 : memref<!tpu.dma_semaphore, #tpu.memory_space<semaphore_mem>>) src(%dma_wait3A_86 : memref<552960x128xf32, #tpu.memory_space<hbm>>) dst(%dma_wait3A_80 : memref<128x128xf32, #tpu.memory_space<vmem>>)
    %dma_wait3A_87 = arith.constant 0 : i32
    %dma_wait3A_88 = arith.constant 3 : i32
    %dma_wait3A_89 = arith.constant 384 : i32
    %dma_wait3A_90 = arith.constant 0 : i32
    %dma_wait3A_91 = tpu.memref_slice %arg7[%dma_wait3A_89, %dma_wait3A_90] : memref<640x128xf32, #tpu.memory_space<vmem>> -> memref<128x128xf32, #tpu.memory_space<vmem>>
    %dma_wait3A_92 = arith.constant 0 : i32
    %dma_wait3A_93 = tpu.memref_slice %arg6[%dma_wait3A_87, %dma_wait3A_88, %dma_wait3A_92] : memref<27x5x128xi32, #tpu.memory_space<vmem>> -> memref<1x1x128xi32, #tpu.memory_space<vmem>>
    %dma_wait3A_94 = tpu.memref_squeeze %dma_wait3A_93 : memref<1x1x128xi32, #tpu.memory_space<vmem>> -> memref<128xi32, #tpu.memory_space<vmem>>
    %dma_wait3A_95 = arith.constant 0 : i32
    %dma_wait3A_96 = arith.constant 0 : i32
    %dma_wait3A_97 = tpu.memref_slice %arg2[%dma_wait3A_95, %dma_wait3A_96] : memref<552960x128xf32, #tpu.memory_space<hbm>> -> memref<552960x128xf32, #tpu.memory_space<hbm>>
    tpu.wait_indirect_dma semaphore(%arg9 : memref<!tpu.dma_semaphore, #tpu.memory_space<semaphore_mem>>) src(%dma_wait3A_97 : memref<552960x128xf32, #tpu.memory_space<hbm>>) dst(%dma_wait3A_91 : memref<128x128xf32, #tpu.memory_space<vmem>>)
    %dma_wait3A_98 = arith.constant 0 : i32
    %dma_wait3A_99 = arith.constant 4 : i32
    %dma_wait3A_100 = arith.constant 512 : i32
    %dma_wait3A_101 = arith.constant 0 : i32
    %dma_wait3A_102 = tpu.memref_slice %arg7[%dma_wait3A_100, %dma_wait3A_101] : memref<640x128xf32, #tpu.memory_space<vmem>> -> memref<128x128xf32, #tpu.memory_space<vmem>>
    %dma_wait3A_103 = arith.constant 0 : i32
    %dma_wait3A_104 = tpu.memref_slice %arg6[%dma_wait3A_98, %dma_wait3A_99, %dma_wait3A_103] : memref<27x5x128xi32, #tpu.memory_space<vmem>> -> memref<1x1x128xi32, #tpu.memory_space<vmem>>
    %dma_wait3A_105 = tpu.memref_squeeze %dma_wait3A_104 : memref<1x1x128xi32, #tpu.memory_space<vmem>> -> memref<128xi32, #tpu.memory_space<vmem>>
    %dma_wait3A_106 = arith.constant 0 : i32
    %dma_wait3A_107 = arith.constant 0 : i32
    %dma_wait3A_108 = tpu.memref_slice %arg2[%dma_wait3A_106, %dma_wait3A_107] : memref<552960x128xf32, #tpu.memory_space<hbm>> -> memref<552960x128xf32, #tpu.memory_space<hbm>>
    tpu.wait_indirect_dma semaphore(%arg9 : memref<!tpu.dma_semaphore, #tpu.memory_space<semaphore_mem>>) src(%dma_wait3A_108 : memref<552960x128xf32, #tpu.memory_space<hbm>>) dst(%dma_wait3A_102 : memref<128x128xf32, #tpu.memory_space<vmem>>)
    %scan3A = arith.constant 0 : i32
    %scan3A_109 = arith.constant 1 : i32
    %scan3A_110 = arith.constant 26 : i32
    %scan3A_111 = arith.addi %scan3A_109, %scan3A_110 : i32
    %scan3A_112 = arith.constant 1 : i32
    scf.for %scan3A_176 = %scan3A_109 to %scan3A_111 step %scan3A_112  : i32 {
      %dma_start3A_177 = arith.constant 0 : i32
      %dma_start3A_178 = arith.constant 0 : i32
      %dma_start3A_179 = arith.constant 0 : i32
      %dma_start3A_180 = tpu.memref_slice %arg7[%dma_start3A_178, %dma_start3A_179] : memref<640x128xf32, #tpu.memory_space<vmem>> -> memref<128x128xf32, #tpu.memory_space<vmem>>
      %dma_start3A_181 = arith.constant 0 : i32
      %dma_start3A_182 = tpu.memref_slice %arg6[%scan3A_176, %dma_start3A_177, %dma_start3A_181] : memref<27x5x128xi32, #tpu.memory_space<vmem>> -> memref<1x1x128xi32, #tpu.memory_space<vmem>>
      %dma_start3A_183 = tpu.memref_squeeze %dma_start3A_182 : memref<1x1x128xi32, #tpu.memory_space<vmem>> -> memref<128xi32, #tpu.memory_space<vmem>>
      %dma_start3A_184 = arith.constant 0 : i32
      %dma_start3A_185 = arith.constant 0 : i32
      %dma_start3A_186 = tpu.memref_slice %arg2[%dma_start3A_184, %dma_start3A_185] : memref<552960x128xf32, #tpu.memory_space<hbm>> -> memref<552960x128xf32, #tpu.memory_space<hbm>>
      tpu.enqueue_indirect_dma source(%dma_start3A_186 : memref<552960x128xf32, #tpu.memory_space<hbm>>) target(%dma_start3A_180 : memref<128x128xf32, #tpu.memory_space<vmem>>) offsets(%dma_start3A_183 : memref<128xi32, #tpu.memory_space<vmem>>) semaphore(%arg9 : memref<!tpu.dma_semaphore, #tpu.memory_space<semaphore_mem>>) {add = true}
      %dma_start3A_187 = arith.constant 1 : i32
      %dma_start3A_188 = arith.constant 128 : i32
      %dma_start3A_189 = arith.constant 0 : i32
      %dma_start3A_190 = tpu.memref_slice %arg7[%dma_start3A_188, %dma_start3A_189] : memref<640x128xf32, #tpu.memory_space<vmem>> -> memref<128x128xf32, #tpu.memory_space<vmem>>
      %dma_start3A_191 = arith.constant 0 : i32
      %dma_start3A_192 = tpu.memref_slice %arg6[%scan3A_176, %dma_start3A_187, %dma_start3A_191] : memref<27x5x128xi32, #tpu.memory_space<vmem>> -> memref<1x1x128xi32, #tpu.memory_space<vmem>>
      %dma_start3A_193 = tpu.memref_squeeze %dma_start3A_192 : memref<1x1x128xi32, #tpu.memory_space<vmem>> -> memref<128xi32, #tpu.memory_space<vmem>>
      %dma_start3A_194 = arith.constant 0 : i32
      %dma_start3A_195 = arith.constant 0 : i32
      %dma_start3A_196 = tpu.memref_slice %arg2[%dma_start3A_194, %dma_start3A_195] : memref<552960x128xf32, #tpu.memory_space<hbm>> -> memref<552960x128xf32, #tpu.memory_space<hbm>>
      tpu.enqueue_indirect_dma source(%dma_start3A_196 : memref<552960x128xf32, #tpu.memory_space<hbm>>) target(%dma_start3A_190 : memref<128x128xf32, #tpu.memory_space<vmem>>) offsets(%dma_start3A_193 : memref<128xi32, #tpu.memory_space<vmem>>) semaphore(%arg9 : memref<!tpu.dma_semaphore, #tpu.memory_space<semaphore_mem>>) {add = true}
      %dma_start3A_197 = arith.constant 2 : i32
      %dma_start3A_198 = arith.constant 256 : i32
      %dma_start3A_199 = arith.constant 0 : i32
      %dma_start3A_200 = tpu.memref_slice %arg7[%dma_start3A_198, %dma_start3A_199] : memref<640x128xf32, #tpu.memory_space<vmem>> -> memref<128x128xf32, #tpu.memory_space<vmem>>
      %dma_start3A_201 = arith.constant 0 : i32
      %dma_start3A_202 = tpu.memref_slice %arg6[%scan3A_176, %dma_start3A_197, %dma_start3A_201] : memref<27x5x128xi32, #tpu.memory_space<vmem>> -> memref<1x1x128xi32, #tpu.memory_space<vmem>>
      %dma_start3A_203 = tpu.memref_squeeze %dma_start3A_202 : memref<1x1x128xi32, #tpu.memory_space<vmem>> -> memref<128xi32, #tpu.memory_space<vmem>>
      %dma_start3A_204 = arith.constant 0 : i32
      %dma_start3A_205 = arith.constant 0 : i32
      %dma_start3A_206 = tpu.memref_slice %arg2[%dma_start3A_204, %dma_start3A_205] : memref<552960x128xf32, #tpu.memory_space<hbm>> -> memref<552960x128xf32, #tpu.memory_space<hbm>>
      tpu.enqueue_indirect_dma source(%dma_start3A_206 : memref<552960x128xf32, #tpu.memory_space<hbm>>) target(%dma_start3A_200 : memref<128x128xf32, #tpu.memory_space<vmem>>) offsets(%dma_start3A_203 : memref<128xi32, #tpu.memory_space<vmem>>) semaphore(%arg9 : memref<!tpu.dma_semaphore, #tpu.memory_space<semaphore_mem>>) {add = true}
      %dma_start3A_207 = arith.constant 3 : i32
      %dma_start3A_208 = arith.constant 384 : i32
      %dma_start3A_209 = arith.constant 0 : i32
      %dma_start3A_210 = tpu.memref_slice %arg7[%dma_start3A_208, %dma_start3A_209] : memref<640x128xf32, #tpu.memory_space<vmem>> -> memref<128x128xf32, #tpu.memory_space<vmem>>
      %dma_start3A_211 = arith.constant 0 : i32
      %dma_start3A_212 = tpu.memref_slice %arg6[%scan3A_176, %dma_start3A_207, %dma_start3A_211] : memref<27x5x128xi32, #tpu.memory_space<vmem>> -> memref<1x1x128xi32, #tpu.memory_space<vmem>>
      %dma_start3A_213 = tpu.memref_squeeze %dma_start3A_212 : memref<1x1x128xi32, #tpu.memory_space<vmem>> -> memref<128xi32, #tpu.memory_space<vmem>>
      %dma_start3A_214 = arith.constant 0 : i32
      %dma_start3A_215 = arith.constant 0 : i32
      %dma_start3A_216 = tpu.memref_slice %arg2[%dma_start3A_214, %dma_start3A_215] : memref<552960x128xf32, #tpu.memory_space<hbm>> -> memref<552960x128xf32, #tpu.memory_space<hbm>>
      tpu.enqueue_indirect_dma source(%dma_start3A_216 : memref<552960x128xf32, #tpu.memory_space<hbm>>) target(%dma_start3A_210 : memref<128x128xf32, #tpu.memory_space<vmem>>) offsets(%dma_start3A_213 : memref<128xi32, #tpu.memory_space<vmem>>) semaphore(%arg9 : memref<!tpu.dma_semaphore, #tpu.memory_space<semaphore_mem>>) {add = true}
      %dma_start3A_217 = arith.constant 4 : i32
      %dma_start3A_218 = arith.constant 512 : i32
      %dma_start3A_219 = arith.constant 0 : i32
      %dma_start3A_220 = tpu.memref_slice %arg7[%dma_start3A_218, %dma_start3A_219] : memref<640x128xf32, #tpu.memory_space<vmem>> -> memref<128x128xf32, #tpu.memory_space<vmem>>
      %dma_start3A_221 = arith.constant 0 : i32
      %dma_start3A_222 = tpu.memref_slice %arg6[%scan3A_176, %dma_start3A_217, %dma_start3A_221] : memref<27x5x128xi32, #tpu.memory_space<vmem>> -> memref<1x1x128xi32, #tpu.memory_space<vmem>>
      %dma_start3A_223 = tpu.memref_squeeze %dma_start3A_222 : memref<1x1x128xi32, #tpu.memory_space<vmem>> -> memref<128xi32, #tpu.memory_space<vmem>>
      %dma_start3A_224 = arith.constant 0 : i32
      %dma_start3A_225 = arith.constant 0 : i32
      %dma_start3A_226 = tpu.memref_slice %arg2[%dma_start3A_224, %dma_start3A_225] : memref<552960x128xf32, #tpu.memory_space<hbm>> -> memref<552960x128xf32, #tpu.memory_space<hbm>>
      tpu.enqueue_indirect_dma source(%dma_start3A_226 : memref<552960x128xf32, #tpu.memory_space<hbm>>) target(%dma_start3A_220 : memref<128x128xf32, #tpu.memory_space<vmem>>) offsets(%dma_start3A_223 : memref<128xi32, #tpu.memory_space<vmem>>) semaphore(%arg9 : memref<!tpu.dma_semaphore, #tpu.memory_space<semaphore_mem>>) {add = true}
    }
    %scan3A_113 = arith.constant 26 : i32
    %scan3A_114 = arith.constant 0 : i32
    %scan3A_115 = arith.constant 1 : i32
    %scan3A_116 = arith.constant 26 : i32
    %scan3A_117 = arith.addi %scan3A_115, %scan3A_116 : i32
    %scan3A_118 = arith.constant 1 : i32
    scf.for %scan3A_176 = %scan3A_115 to %scan3A_117 step %scan3A_118  : i32 {
      %dma_wait3A_177 = arith.constant 0 : i32
      %dma_wait3A_178 = arith.constant 0 : i32
      %dma_wait3A_179 = arith.constant 0 : i32
      %dma_wait3A_180 = tpu.memref_slice %arg7[%dma_wait3A_178, %dma_wait3A_179] : memref<640x128xf32, #tpu.memory_space<vmem>> -> memref<128x128xf32, #tpu.memory_space<vmem>>
      %dma_wait3A_181 = arith.constant 0 : i32
      %dma_wait3A_182 = tpu.memref_slice %arg6[%scan3A_176, %dma_wait3A_177, %dma_wait3A_181] : memref<27x5x128xi32, #tpu.memory_space<vmem>> -> memref<1x1x128xi32, #tpu.memory_space<vmem>>
      %dma_wait3A_183 = tpu.memref_squeeze %dma_wait3A_182 : memref<1x1x128xi32, #tpu.memory_space<vmem>> -> memref<128xi32, #tpu.memory_space<vmem>>
      %dma_wait3A_184 = arith.constant 0 : i32
      %dma_wait3A_185 = arith.constant 0 : i32
      %dma_wait3A_186 = tpu.memref_slice %arg2[%dma_wait3A_184, %dma_wait3A_185] : memref<552960x128xf32, #tpu.memory_space<hbm>> -> memref<552960x128xf32, #tpu.memory_space<hbm>>
      tpu.wait_indirect_dma semaphore(%arg9 : memref<!tpu.dma_semaphore, #tpu.memory_space<semaphore_mem>>) src(%dma_wait3A_186 : memref<552960x128xf32, #tpu.memory_space<hbm>>) dst(%dma_wait3A_180 : memref<128x128xf32, #tpu.memory_space<vmem>>)
      %dma_wait3A_187 = arith.constant 1 : i32
      %dma_wait3A_188 = arith.constant 128 : i32
      %dma_wait3A_189 = arith.constant 0 : i32
      %dma_wait3A_190 = tpu.memref_slice %arg7[%dma_wait3A_188, %dma_wait3A_189] : memref<640x128xf32, #tpu.memory_space<vmem>> -> memref<128x128xf32, #tpu.memory_space<vmem>>
      %dma_wait3A_191 = arith.constant 0 : i32
      %dma_wait3A_192 = tpu.memref_slice %arg6[%scan3A_176, %dma_wait3A_187, %dma_wait3A_191] : memref<27x5x128xi32, #tpu.memory_space<vmem>> -> memref<1x1x128xi32, #tpu.memory_space<vmem>>
      %dma_wait3A_193 = tpu.memref_squeeze %dma_wait3A_192 : memref<1x1x128xi32, #tpu.memory_space<vmem>> -> memref<128xi32, #tpu.memory_space<vmem>>
      %dma_wait3A_194 = arith.constant 0 : i32
      %dma_wait3A_195 = arith.constant 0 : i32
      %dma_wait3A_196 = tpu.memref_slice %arg2[%dma_wait3A_194, %dma_wait3A_195] : memref<552960x128xf32, #tpu.memory_space<hbm>> -> memref<552960x128xf32, #tpu.memory_space<hbm>>
      tpu.wait_indirect_dma semaphore(%arg9 : memref<!tpu.dma_semaphore, #tpu.memory_space<semaphore_mem>>) src(%dma_wait3A_196 : memref<552960x128xf32, #tpu.memory_space<hbm>>) dst(%dma_wait3A_190 : memref<128x128xf32, #tpu.memory_space<vmem>>)
      %dma_wait3A_197 = arith.constant 2 : i32
      %dma_wait3A_198 = arith.constant 256 : i32
      %dma_wait3A_199 = arith.constant 0 : i32
      %dma_wait3A_200 = tpu.memref_slice %arg7[%dma_wait3A_198, %dma_wait3A_199] : memref<640x128xf32, #tpu.memory_space<vmem>> -> memref<128x128xf32, #tpu.memory_space<vmem>>
      %dma_wait3A_201 = arith.constant 0 : i32
      %dma_wait3A_202 = tpu.memref_slice %arg6[%scan3A_176, %dma_wait3A_197, %dma_wait3A_201] : memref<27x5x128xi32, #tpu.memory_space<vmem>> -> memref<1x1x128xi32, #tpu.memory_space<vmem>>
      %dma_wait3A_203 = tpu.memref_squeeze %dma_wait3A_202 : memref<1x1x128xi32, #tpu.memory_space<vmem>> -> memref<128xi32, #tpu.memory_space<vmem>>
      %dma_wait3A_204 = arith.constant 0 : i32
      %dma_wait3A_205 = arith.constant 0 : i32
      %dma_wait3A_206 = tpu.memref_slice %arg2[%dma_wait3A_204, %dma_wait3A_205] : memref<552960x128xf32, #tpu.memory_space<hbm>> -> memref<552960x128xf32, #tpu.memory_space<hbm>>
      tpu.wait_indirect_dma semaphore(%arg9 : memref<!tpu.dma_semaphore, #tpu.memory_space<semaphore_mem>>) src(%dma_wait3A_206 : memref<552960x128xf32, #tpu.memory_space<hbm>>) dst(%dma_wait3A_200 : memref<128x128xf32, #tpu.memory_space<vmem>>)
      %dma_wait3A_207 = arith.constant 3 : i32
      %dma_wait3A_208 = arith.constant 384 : i32
      %dma_wait3A_209 = arith.constant 0 : i32
      %dma_wait3A_210 = tpu.memref_slice %arg7[%dma_wait3A_208, %dma_wait3A_209] : memref<640x128xf32, #tpu.memory_space<vmem>> -> memref<128x128xf32, #tpu.memory_space<vmem>>
      %dma_wait3A_211 = arith.constant 0 : i32
      %dma_wait3A_212 = tpu.memref_slice %arg6[%scan3A_176, %dma_wait3A_207, %dma_wait3A_211] : memref<27x5x128xi32, #tpu.memory_space<vmem>> -> memref<1x1x128xi32, #tpu.memory_space<vmem>>
      %dma_wait3A_213 = tpu.memref_squeeze %dma_wait3A_212 : memref<1x1x128xi32, #tpu.memory_space<vmem>> -> memref<128xi32, #tpu.memory_space<vmem>>
      %dma_wait3A_214 = arith.constant 0 : i32
      %dma_wait3A_215 = arith.constant 0 : i32
      %dma_wait3A_216 = tpu.memref_slice %arg2[%dma_wait3A_214, %dma_wait3A_215] : memref<552960x128xf32, #tpu.memory_space<hbm>> -> memref<552960x128xf32, #tpu.memory_space<hbm>>
      tpu.wait_indirect_dma semaphore(%arg9 : memref<!tpu.dma_semaphore, #tpu.memory_space<semaphore_mem>>) src(%dma_wait3A_216 : memref<552960x128xf32, #tpu.memory_space<hbm>>) dst(%dma_wait3A_210 : memref<128x128xf32, #tpu.memory_space<vmem>>)
      %dma_wait3A_217 = arith.constant 4 : i32
      %dma_wait3A_218 = arith.constant 512 : i32
      %dma_wait3A_219 = arith.constant 0 : i32
      %dma_wait3A_220 = tpu.memref_slice %arg7[%dma_wait3A_218, %dma_wait3A_219] : memref<640x128xf32, #tpu.memory_space<vmem>> -> memref<128x128xf32, #tpu.memory_space<vmem>>
      %dma_wait3A_221 = arith.constant 0 : i32
      %dma_wait3A_222 = tpu.memref_slice %arg6[%scan3A_176, %dma_wait3A_217, %dma_wait3A_221] : memref<27x5x128xi32, #tpu.memory_space<vmem>> -> memref<1x1x128xi32, #tpu.memory_space<vmem>>
      %dma_wait3A_223 = tpu.memref_squeeze %dma_wait3A_222 : memref<1x1x128xi32, #tpu.memory_space<vmem>> -> memref<128xi32, #tpu.memory_space<vmem>>
      %dma_wait3A_224 = arith.constant 0 : i32
      %dma_wait3A_225 = arith.constant 0 : i32
      %dma_wait3A_226 = tpu.memref_slice %arg2[%dma_wait3A_224, %dma_wait3A_225] : memref<552960x128xf32, #tpu.memory_space<hbm>> -> memref<552960x128xf32, #tpu.memory_space<hbm>>
      tpu.wait_indirect_dma semaphore(%arg9 : memref<!tpu.dma_semaphore, #tpu.memory_space<semaphore_mem>>) src(%dma_wait3A_226 : memref<552960x128xf32, #tpu.memory_space<hbm>>) dst(%dma_wait3A_220 : memref<128x128xf32, #tpu.memory_space<vmem>>)
    }
    %scan3A_119 = arith.constant 26 : i32
    %broadcast_in_dim3A = arith.constant 0.000000e+00 : f32
    %broadcast_in_dim3A_120 = vector.broadcast %broadcast_in_dim3A : f32 to vector<16xf32>
    %scan3A_121 = arith.constant 0 : i32
    %scan3A_122 = arith.constant 640 : i32
    %scan3A_123 = arith.addi %scan3A_121, %scan3A_122 : i32
    %scan3A_124 = arith.constant 1 : i32
    %scan3A_125:8 = scf.for %scan3A_176 = %scan3A_121 to %scan3A_123 step %scan3A_124 iter_args(%scan3A_177 = %broadcast_in_dim3A_120, %scan3A_178 = %broadcast_in_dim3A_120, %scan3A_179 = %broadcast_in_dim3A_120, %scan3A_180 = %broadcast_in_dim3A_120, %scan3A_181 = %broadcast_in_dim3A_120, %scan3A_182 = %broadcast_in_dim3A_120, %scan3A_183 = %broadcast_in_dim3A_120, %scan3A_184 = %broadcast_in_dim3A_120) -> (vector<16xf32>, vector<16xf32>, vector<16xf32>, vector<16xf32>, vector<16xf32>, vector<16xf32>, vector<16xf32>, vector<16xf32>)  : i32 {
      %get3A = arith.index_cast %scan3A_176 : i32 to index
      %get3A_185 = arith.constant 0 : index
      %get3A_186 = tpu.vector_load %arg7[%get3A, %get3A_185] {strides = array<i32>} : memref<640x128xf32, #tpu.memory_space<vmem>>, vector<1x16xf32>,
      %get3A_187 = vector.shape_cast %get3A_186 : vector<1x16xf32> to vector<16xf32>
      %get3A_188 = arith.index_cast %scan3A_176 : i32 to index
      %get3A_189 = arith.constant 16 : index
      %get3A_190 = tpu.vector_load %arg7[%get3A_188, %get3A_189] {strides = array<i32>} : memref<640x128xf32, #tpu.memory_space<vmem>>, vector<1x16xf32>,
      %get3A_191 = vector.shape_cast %get3A_190 : vector<1x16xf32> to vector<16xf32>
      %get3A_192 = arith.index_cast %scan3A_176 : i32 to index
      %get3A_193 = arith.constant 32 : index
      %get3A_194 = tpu.vector_load %arg7[%get3A_192, %get3A_193] {strides = array<i32>} : memref<640x128xf32, #tpu.memory_space<vmem>>, vector<1x16xf32>,
      %get3A_195 = vector.shape_cast %get3A_194 : vector<1x16xf32> to vector<16xf32>
      %get3A_196 = arith.index_cast %scan3A_176 : i32 to index
      %get3A_197 = arith.constant 48 : index
      %get3A_198 = tpu.vector_load %arg7[%get3A_196, %get3A_197] {strides = array<i32>} : memref<640x128xf32, #tpu.memory_space<vmem>>, vector<1x16xf32>,
      %get3A_199 = vector.shape_cast %get3A_198 : vector<1x16xf32> to vector<16xf32>
      %add3A_200 = arith.addf %scan3A_177, %get3A_187 : vector<16xf32>
      %add3A_201 = arith.addf %scan3A_178, %get3A_191 : vector<16xf32>
      %add3A_202 = arith.addf %scan3A_179, %get3A_195 : vector<16xf32>
      %add3A_203 = arith.addf %scan3A_180, %get3A_199 : vector<16xf32>
      %mul3A_204 = arith.mulf %get3A_187, %get3A_187 : vector<16xf32>
      %add3A_205 = arith.addf %scan3A_181, %mul3A_204 : vector<16xf32>
      %mul3A_206 = arith.mulf %get3A_191, %get3A_191 : vector<16xf32>
      %add3A_207 = arith.addf %scan3A_182, %mul3A_206 : vector<16xf32>
      %mul3A_208 = arith.mulf %get3A_195, %get3A_195 : vector<16xf32>
      %add3A_209 = arith.addf %scan3A_183, %mul3A_208 : vector<16xf32>
      %mul3A_210 = arith.mulf %get3A_199, %get3A_199 : vector<16xf32>
      %add3A_211 = arith.addf %scan3A_184, %mul3A_210 : vector<16xf32>
      scf.yield %add3A_200, %add3A_201, %add3A_202, %add3A_203, %add3A_205, %add3A_207, %add3A_209, %add3A_211 : vector<16xf32>, vector<16xf32>, vector<16xf32>, vector<16xf32>, vector<16xf32>, vector<16xf32>, vector<16xf32>, vector<16xf32>
    }
    %scan3A_126 = arith.constant 640 : i32
    %swap3A = arith.constant 0 : i32
    %swap3A_127 = arith.index_cast %swap3A : i32 to index
    %swap3A_128 = arith.constant 0 : index
    %swap3A_129 = tpu.vector_load %arg8[%swap3A_127, %swap3A_128] {strides = array<i32>} : memref<2x64xf32, #tpu.memory_space<vmem>>, vector<1x16xf32>,
    %swap3A_130 = vector.shape_cast %swap3A_129 : vector<1x16xf32> to vector<16xf32>
    %swap3A_131 = vector.shape_cast %scan3A_125#0 : vector<16xf32> to vector<1x16xf32>
    tpu.vector_store %arg8[%swap3A_127, %swap3A_128], %swap3A_131 {strides = array<i32>} : memref<2x64xf32, #tpu.memory_space<vmem>>, vector<1x16xf32>,
    %swap3A_132 = arith.constant 1 : i32
    %swap3A_133 = arith.index_cast %swap3A_132 : i32 to index
    %swap3A_134 = arith.constant 0 : index
    %swap3A_135 = tpu.vector_load %arg8[%swap3A_133, %swap3A_134] {strides = array<i32>} : memref<2x64xf32, #tpu.memory_space<vmem>>, vector<1x16xf32>,
    %swap3A_136 = vector.shape_cast %swap3A_135 : vector<1x16xf32> to vector<16xf32>
    %swap3A_137 = vector.shape_cast %scan3A_125#4 : vector<16xf32> to vector<1x16xf32>
    tpu.vector_store %arg8[%swap3A_133, %swap3A_134], %swap3A_137 {strides = array<i32>} : memref<2x64xf32, #tpu.memory_space<vmem>>, vector<1x16xf32>,
    %swap3A_138 = arith.constant 0 : i32
    %swap3A_139 = arith.index_cast %swap3A_138 : i32 to index
    %swap3A_140 = arith.constant 16 : index
    %swap3A_141 = tpu.vector_load %arg8[%swap3A_139, %swap3A_140] {strides = array<i32>} : memref<2x64xf32, #tpu.memory_space<vmem>>, vector<1x16xf32>,
    %swap3A_142 = vector.shape_cast %swap3A_141 : vector<1x16xf32> to vector<16xf32>
    %swap3A_143 = vector.shape_cast %scan3A_125#1 : vector<16xf32> to vector<1x16xf32>
    tpu.vector_store %arg8[%swap3A_139, %swap3A_140], %swap3A_143 {strides = array<i32>} : memref<2x64xf32, #tpu.memory_space<vmem>>, vector<1x16xf32>,
    %swap3A_144 = arith.constant 1 : i32
    %swap3A_145 = arith.index_cast %swap3A_144 : i32 to index
    %swap3A_146 = arith.constant 16 : index
    %swap3A_147 = tpu.vector_load %arg8[%swap3A_145, %swap3A_146] {strides = array<i32>} : memref<2x64xf32, #tpu.memory_space<vmem>>, vector<1x16xf32>,
    %swap3A_148 = vector.shape_cast %swap3A_147 : vector<1x16xf32> to vector<16xf32>
    %swap3A_149 = vector.shape_cast %scan3A_125#5 : vector<16xf32> to vector<1x16xf32>
    tpu.vector_store %arg8[%swap3A_145, %swap3A_146], %swap3A_149 {strides = array<i32>} : memref<2x64xf32, #tpu.memory_space<vmem>>, vector<1x16xf32>,
    %swap3A_150 = arith.constant 0 : i32
    %swap3A_151 = arith.index_cast %swap3A_150 : i32 to index
    %swap3A_152 = arith.constant 32 : index
    %swap3A_153 = tpu.vector_load %arg8[%swap3A_151, %swap3A_152] {strides = array<i32>} : memref<2x64xf32, #tpu.memory_space<vmem>>, vector<1x16xf32>,
    %swap3A_154 = vector.shape_cast %swap3A_153 : vector<1x16xf32> to vector<16xf32>
    %swap3A_155 = vector.shape_cast %scan3A_125#2 : vector<16xf32> to vector<1x16xf32>
    tpu.vector_store %arg8[%swap3A_151, %swap3A_152], %swap3A_155 {strides = array<i32>} : memref<2x64xf32, #tpu.memory_space<vmem>>, vector<1x16xf32>,
    %swap3A_156 = arith.constant 1 : i32
    %swap3A_157 = arith.index_cast %swap3A_156 : i32 to index
    %swap3A_158 = arith.constant 32 : index
    %swap3A_159 = tpu.vector_load %arg8[%swap3A_157, %swap3A_158] {strides = array<i32>} : memref<2x64xf32, #tpu.memory_space<vmem>>, vector<1x16xf32>,
    %swap3A_160 = vector.shape_cast %swap3A_159 : vector<1x16xf32> to vector<16xf32>
    %swap3A_161 = vector.shape_cast %scan3A_125#6 : vector<16xf32> to vector<1x16xf32>
    tpu.vector_store %arg8[%swap3A_157, %swap3A_158], %swap3A_161 {strides = array<i32>} : memref<2x64xf32, #tpu.memory_space<vmem>>, vector<1x16xf32>,
    %swap3A_162 = arith.constant 0 : i32
    %swap3A_163 = arith.index_cast %swap3A_162 : i32 to index
    %swap3A_164 = arith.constant 48 : index
    %swap3A_165 = tpu.vector_load %arg8[%swap3A_163, %swap3A_164] {strides = array<i32>} : memref<2x64xf32, #tpu.memory_space<vmem>>, vector<1x16xf32>,
    %swap3A_166 = vector.shape_cast %swap3A_165 : vector<1x16xf32> to vector<16xf32>
    %swap3A_167 = vector.shape_cast %scan3A_125#3 : vector<16xf32> to vector<1x16xf32>
    tpu.vector_store %arg8[%swap3A_163, %swap3A_164], %swap3A_167 {strides = array<i32>} : memref<2x64xf32, #tpu.memory_space<vmem>>, vector<1x16xf32>,
    %swap3A_168 = arith.constant 1 : i32
    %swap3A_169 = arith.index_cast %swap3A_168 : i32 to index
    %swap3A_170 = arith.constant 48 : index
    %swap3A_171 = tpu.vector_load %arg8[%swap3A_169, %swap3A_170] {strides = array<i32>} : memref<2x64xf32, #tpu.memory_space<vmem>>, vector<1x16xf32>,
    %swap3A_172 = vector.shape_cast %swap3A_171 : vector<1x16xf32> to vector<16xf32>
    %swap3A_173 = vector.shape_cast %scan3A_125#7 : vector<16xf32> to vector<1x16xf32>
    tpu.vector_store %arg8[%swap3A_169, %swap3A_170], %swap3A_173 {strides = array<i32>} : memref<2x64xf32, #tpu.memory_space<vmem>>, vector<1x16xf32>,
    "tpu.region"() ({
      %run_scoped3A = tpu.sem_alloc : memref<!tpu.dma_semaphore, #tpu.memory_space<semaphore_mem>>
      %dma_start3A_176 = arith.constant 0 : i32
      %dma_start3A_177 = arith.constant 0 : i32
      %dma_start3A_178 = tpu.memref_slice %arg5[%add3A, %dma_start3A_176, %dma_start3A_177] : memref<32x2x64xf32, #tpu.memory_space<hbm>> -> memref<1x2x64xf32, #tpu.memory_space<hbm>>
      %dma_start3A_179 = tpu.memref_squeeze %dma_start3A_178 : memref<1x2x64xf32, #tpu.memory_space<hbm>> -> memref<2x64xf32, #tpu.memory_space<hbm>>
      %dma_start3A_180 = arith.constant 0 : i32
      %dma_start3A_181 = arith.constant 0 : i32
      %dma_start3A_182 = tpu.memref_slice %arg5[%add3A, %dma_start3A_180, %dma_start3A_181] : memref<32x2x64xf32, #tpu.memory_space<hbm>> -> memref<1x2x64xf32, #tpu.memory_space<hbm>>
      %dma_start3A_183 = tpu.memref_squeeze %dma_start3A_182 : memref<1x2x64xf32, #tpu.memory_space<hbm>> -> memref<2x64xf32, #tpu.memory_space<hbm>>
      tpu.enqueue_dma source(%arg8 : memref<2x64xf32, #tpu.memory_space<vmem>>) target(%dma_start3A_183 : memref<2x64xf32, #tpu.memory_space<hbm>>) target_semaphore(%run_scoped3A : memref<!tpu.dma_semaphore, #tpu.memory_space<semaphore_mem>>)
      %dma_wait3A_184 = arith.constant 0 : i32
      %dma_wait3A_185 = arith.constant 0 : i32
      %dma_wait3A_186 = tpu.memref_slice %arg5[%add3A, %dma_wait3A_184, %dma_wait3A_185] : memref<32x2x64xf32, #tpu.memory_space<hbm>> -> memref<1x2x64xf32, #tpu.memory_space<hbm>>
      %dma_wait3A_187 = tpu.memref_squeeze %dma_wait3A_186 : memref<1x2x64xf32, #tpu.memory_space<hbm>> -> memref<2x64xf32, #tpu.memory_space<hbm>>
      %dma_wait3A_188 = arith.constant 0 : i32
      %dma_wait3A_189 = arith.constant 0 : i32
      %dma_wait3A_190 = tpu.memref_slice %arg5[%add3A, %dma_wait3A_188, %dma_wait3A_189] : memref<32x2x64xf32, #tpu.memory_space<hbm>> -> memref<1x2x64xf32, #tpu.memory_space<hbm>>
      %dma_wait3A_191 = tpu.memref_squeeze %dma_wait3A_190 : memref<1x2x64xf32, #tpu.memory_space<hbm>> -> memref<2x64xf32, #tpu.memory_space<hbm>>
      tpu.wait_dma2 semaphore(%run_scoped3A : memref<!tpu.dma_semaphore, #tpu.memory_space<semaphore_mem>>) src(%arg8 : memref<2x64xf32, #tpu.memory_space<vmem>>) dst(%dma_wait3A_191 : memref<2x64xf32, #tpu.memory_space<hbm>>)
      tpu.yield
    }) : () -> ()
    %mul3A_174 = arith.constant 640 : i32
    %mul3A_175 = arith.muli %add3A, %mul3A_174 : i32
    "tpu.region"() ({
      %run_scoped3A = tpu.sem_alloc : memref<!tpu.dma_semaphore, #tpu.memory_space<semaphore_mem>>
      %dma_start3A_176 = arith.constant 0 : i32
      %dma_start3A_177 = tpu.memref_slice %arg4[%mul3A_175, %dma_start3A_176] : memref<20480x128xf32, #tpu.memory_space<hbm>> -> memref<640x128xf32, #tpu.memory_space<hbm>>
      %dma_start3A_178 = arith.constant 0 : i32
      %dma_start3A_179 = tpu.memref_slice %arg4[%mul3A_175, %dma_start3A_178] : memref<20480x128xf32, #tpu.memory_space<hbm>> -> memref<640x128xf32, #tpu.memory_space<hbm>>
      tpu.enqueue_dma source(%arg7 : memref<640x128xf32, #tpu.memory_space<vmem>>) target(%dma_start3A_179 : memref<640x128xf32, #tpu.memory_space<hbm>>) target_semaphore(%run_scoped3A : memref<!tpu.dma_semaphore, #tpu.memory_space<semaphore_mem>>)
      %dma_wait3A_180 = arith.constant 0 : i32
      %dma_wait3A_181 = tpu.memref_slice %arg4[%mul3A_175, %dma_wait3A_180] : memref<20480x128xf32, #tpu.memory_space<hbm>> -> memref<640x128xf32, #tpu.memory_space<hbm>>
      %dma_wait3A_182 = arith.constant 0 : i32
      %dma_wait3A_183 = tpu.memref_slice %arg4[%mul3A_175, %dma_wait3A_182] : memref<20480x128xf32, #tpu.memory_space<hbm>> -> memref<640x128xf32, #tpu.memory_space<hbm>>
      tpu.wait_dma2 semaphore(%run_scoped3A : memref<!tpu.dma_semaphore, #tpu.memory_space<semaphore_mem>>) src(%arg7 : memref<640x128xf32, #tpu.memory_space<vmem>>) dst(%dma_wait3A_183 : memref<640x128xf32, #tpu.memory_space<hbm>>)
      tpu.yield
    }) : () -> ()
    return
  }
}

#map = affine_map<(d0, d1) -> (0, 0)>
#map1 = affine_map<(d0, d1) -> (0, 0, 0)>
module attributes {stable_mosaic.version = 14 : i64} {
  func.func @_sgather_sc(%arg0: i32, %arg1: i32, %arg2: memref<20480x128xf32, #tpu.memory_space<hbm>>, %arg3: memref<32x8x128xi32, #tpu.memory_space<hbm>>, %arg4: memref<32768x128xf32, #tpu.memory_space<hbm>>, %arg5: memref<8x128xi32, #tpu.memory_space<vmem>>, %arg6: memref<512x128xf32, #tpu.memory_space<vmem>>, %arg7: memref<!tpu.dma_semaphore, #tpu.memory_space<semaphore_mem>>) attributes {dimension_semantics = [#tpu.dimension_semantics<core_parallel>, #tpu.dimension_semantics<subcore_parallel>], iteration_bounds = array<i64: 2, 16>, scalar_prefetch = 0 : i64, scratch_operands = 3 : i64, tpu.core_type = #tpu.core_type<sc_vector_subcore>, window_params = [{transform_indices = #map}, {transform_indices = #map1}, {transform_indices = #map}]} {
    %mul3A = arith.constant 2 : i32
    %mul3A_0 = arith.muli %arg1, %mul3A : i32
    %add3A = arith.addi %mul3A_0, %arg0 : i32
    "tpu.region"() ({
      %run_scoped3A = tpu.sem_alloc : memref<!tpu.dma_semaphore, #tpu.memory_space<semaphore_mem>>
      %dma_start3A_167 = arith.constant 0 : i32
      %dma_start3A_168 = arith.constant 0 : i32
      %dma_start3A_169 = tpu.memref_slice %arg3[%add3A, %dma_start3A_167, %dma_start3A_168] : memref<32x8x128xi32, #tpu.memory_space<hbm>> -> memref<1x8x128xi32, #tpu.memory_space<hbm>>
      %dma_start3A_170 = tpu.memref_squeeze %dma_start3A_169 : memref<1x8x128xi32, #tpu.memory_space<hbm>> -> memref<8x128xi32, #tpu.memory_space<hbm>>
      %dma_start3A_171 = arith.constant 0 : i32
      %dma_start3A_172 = arith.constant 0 : i32
      %dma_start3A_173 = tpu.memref_slice %arg3[%add3A, %dma_start3A_171, %dma_start3A_172] : memref<32x8x128xi32, #tpu.memory_space<hbm>> -> memref<1x8x128xi32, #tpu.memory_space<hbm>>
      %dma_start3A_174 = tpu.memref_squeeze %dma_start3A_173 : memref<1x8x128xi32, #tpu.memory_space<hbm>> -> memref<8x128xi32, #tpu.memory_space<hbm>>
      tpu.enqueue_dma source(%dma_start3A_174 : memref<8x128xi32, #tpu.memory_space<hbm>>) target(%arg5 : memref<8x128xi32, #tpu.memory_space<vmem>>) target_semaphore(%run_scoped3A : memref<!tpu.dma_semaphore, #tpu.memory_space<semaphore_mem>>)
      %dma_wait3A_175 = arith.constant 0 : i32
      %dma_wait3A_176 = arith.constant 0 : i32
      %dma_wait3A_177 = tpu.memref_slice %arg3[%add3A, %dma_wait3A_175, %dma_wait3A_176] : memref<32x8x128xi32, #tpu.memory_space<hbm>> -> memref<1x8x128xi32, #tpu.memory_space<hbm>>
      %dma_wait3A_178 = tpu.memref_squeeze %dma_wait3A_177 : memref<1x8x128xi32, #tpu.memory_space<hbm>> -> memref<8x128xi32, #tpu.memory_space<hbm>>
      %dma_wait3A_179 = arith.constant 0 : i32
      %dma_wait3A_180 = arith.constant 0 : i32
      %dma_wait3A_181 = tpu.memref_slice %arg3[%add3A, %dma_wait3A_179, %dma_wait3A_180] : memref<32x8x128xi32, #tpu.memory_space<hbm>> -> memref<1x8x128xi32, #tpu.memory_space<hbm>>
      %dma_wait3A_182 = tpu.memref_squeeze %dma_wait3A_181 : memref<1x8x128xi32, #tpu.memory_space<hbm>> -> memref<8x128xi32, #tpu.memory_space<hbm>>
      tpu.wait_dma2 semaphore(%run_scoped3A : memref<!tpu.dma_semaphore, #tpu.memory_space<semaphore_mem>>) src(%dma_wait3A_182 : memref<8x128xi32, #tpu.memory_space<hbm>>) dst(%arg5 : memref<8x128xi32, #tpu.memory_space<vmem>>)
      tpu.yield
    }) : () -> ()
    %dma_start3A = arith.constant 0 : i32
    %dma_start3A_1 = arith.constant 0 : i32
    %dma_start3A_2 = arith.constant 0 : i32
    %dma_start3A_3 = tpu.memref_slice %arg6[%dma_start3A_1, %dma_start3A_2] : memref<512x128xf32, #tpu.memory_space<vmem>> -> memref<128x128xf32, #tpu.memory_space<vmem>>
    %dma_start3A_4 = arith.constant 0 : i32
    %dma_start3A_5 = tpu.memref_slice %arg5[%dma_start3A, %dma_start3A_4] : memref<8x128xi32, #tpu.memory_space<vmem>> -> memref<1x128xi32, #tpu.memory_space<vmem>>
    %dma_start3A_6 = tpu.memref_squeeze %dma_start3A_5 : memref<1x128xi32, #tpu.memory_space<vmem>> -> memref<128xi32, #tpu.memory_space<vmem>>
    %dma_start3A_7 = arith.constant 0 : i32
    %dma_start3A_8 = arith.constant 0 : i32
    %dma_start3A_9 = tpu.memref_slice %arg2[%dma_start3A_7, %dma_start3A_8] : memref<20480x128xf32, #tpu.memory_space<hbm>> -> memref<20480x128xf32, #tpu.memory_space<hbm>>
    tpu.enqueue_indirect_dma source(%dma_start3A_9 : memref<20480x128xf32, #tpu.memory_space<hbm>>) target(%dma_start3A_3 : memref<128x128xf32, #tpu.memory_space<vmem>>) offsets(%dma_start3A_6 : memref<128xi32, #tpu.memory_space<vmem>>) semaphore(%arg7 : memref<!tpu.dma_semaphore, #tpu.memory_space<semaphore_mem>>)
    %dma_start3A_10 = arith.constant 1 : i32
    %dma_start3A_11 = arith.constant 128 : i32
    %dma_start3A_12 = arith.constant 0 : i32
    %dma_start3A_13 = tpu.memref_slice %arg6[%dma_start3A_11, %dma_start3A_12] : memref<512x128xf32, #tpu.memory_space<vmem>> -> memref<128x128xf32, #tpu.memory_space<vmem>>
    %dma_start3A_14 = arith.constant 0 : i32
    %dma_start3A_15 = tpu.memref_slice %arg5[%dma_start3A_10, %dma_start3A_14] : memref<8x128xi32, #tpu.memory_space<vmem>> -> memref<1x128xi32, #tpu.memory_space<vmem>>
    %dma_start3A_16 = tpu.memref_squeeze %dma_start3A_15 : memref<1x128xi32, #tpu.memory_space<vmem>> -> memref<128xi32, #tpu.memory_space<vmem>>
    %dma_start3A_17 = arith.constant 0 : i32
    %dma_start3A_18 = arith.constant 0 : i32
    %dma_start3A_19 = tpu.memref_slice %arg2[%dma_start3A_17, %dma_start3A_18] : memref<20480x128xf32, #tpu.memory_space<hbm>> -> memref<20480x128xf32, #tpu.memory_space<hbm>>
    tpu.enqueue_indirect_dma source(%dma_start3A_19 : memref<20480x128xf32, #tpu.memory_space<hbm>>) target(%dma_start3A_13 : memref<128x128xf32, #tpu.memory_space<vmem>>) offsets(%dma_start3A_16 : memref<128xi32, #tpu.memory_space<vmem>>) semaphore(%arg7 : memref<!tpu.dma_semaphore, #tpu.memory_space<semaphore_mem>>)
    %dma_start3A_20 = arith.constant 2 : i32
    %dma_start3A_21 = arith.constant 256 : i32
    %dma_start3A_22 = arith.constant 0 : i32
    %dma_start3A_23 = tpu.memref_slice %arg6[%dma_start3A_21, %dma_start3A_22] : memref<512x128xf32, #tpu.memory_space<vmem>> -> memref<128x128xf32, #tpu.memory_space<vmem>>
    %dma_start3A_24 = arith.constant 0 : i32
    %dma_start3A_25 = tpu.memref_slice %arg5[%dma_start3A_20, %dma_start3A_24] : memref<8x128xi32, #tpu.memory_space<vmem>> -> memref<1x128xi32, #tpu.memory_space<vmem>>
    %dma_start3A_26 = tpu.memref_squeeze %dma_start3A_25 : memref<1x128xi32, #tpu.memory_space<vmem>> -> memref<128xi32, #tpu.memory_space<vmem>>
    %dma_start3A_27 = arith.constant 0 : i32
    %dma_start3A_28 = arith.constant 0 : i32
    %dma_start3A_29 = tpu.memref_slice %arg2[%dma_start3A_27, %dma_start3A_28] : memref<20480x128xf32, #tpu.memory_space<hbm>> -> memref<20480x128xf32, #tpu.memory_space<hbm>>
    tpu.enqueue_indirect_dma source(%dma_start3A_29 : memref<20480x128xf32, #tpu.memory_space<hbm>>) target(%dma_start3A_23 : memref<128x128xf32, #tpu.memory_space<vmem>>) offsets(%dma_start3A_26 : memref<128xi32, #tpu.memory_space<vmem>>) semaphore(%arg7 : memref<!tpu.dma_semaphore, #tpu.memory_space<semaphore_mem>>)
    %dma_start3A_30 = arith.constant 3 : i32
    %dma_start3A_31 = arith.constant 384 : i32
    %dma_start3A_32 = arith.constant 0 : i32
    %dma_start3A_33 = tpu.memref_slice %arg6[%dma_start3A_31, %dma_start3A_32] : memref<512x128xf32, #tpu.memory_space<vmem>> -> memref<128x128xf32, #tpu.memory_space<vmem>>
    %dma_start3A_34 = arith.constant 0 : i32
    %dma_start3A_35 = tpu.memref_slice %arg5[%dma_start3A_30, %dma_start3A_34] : memref<8x128xi32, #tpu.memory_space<vmem>> -> memref<1x128xi32, #tpu.memory_space<vmem>>
    %dma_start3A_36 = tpu.memref_squeeze %dma_start3A_35 : memref<1x128xi32, #tpu.memory_space<vmem>> -> memref<128xi32, #tpu.memory_space<vmem>>
    %dma_start3A_37 = arith.constant 0 : i32
    %dma_start3A_38 = arith.constant 0 : i32
    %dma_start3A_39 = tpu.memref_slice %arg2[%dma_start3A_37, %dma_start3A_38] : memref<20480x128xf32, #tpu.memory_space<hbm>> -> memref<20480x128xf32, #tpu.memory_space<hbm>>
    tpu.enqueue_indirect_dma source(%dma_start3A_39 : memref<20480x128xf32, #tpu.memory_space<hbm>>) target(%dma_start3A_33 : memref<128x128xf32, #tpu.memory_space<vmem>>) offsets(%dma_start3A_36 : memref<128xi32, #tpu.memory_space<vmem>>) semaphore(%arg7 : memref<!tpu.dma_semaphore, #tpu.memory_space<semaphore_mem>>)
    %dma_wait3A = arith.constant 0 : i32
    %dma_wait3A_40 = arith.constant 0 : i32
    %dma_wait3A_41 = arith.constant 0 : i32
    %dma_wait3A_42 = tpu.memref_slice %arg6[%dma_wait3A_40, %dma_wait3A_41] : memref<512x128xf32, #tpu.memory_space<vmem>> -> memref<128x128xf32, #tpu.memory_space<vmem>>
    %dma_wait3A_43 = arith.constant 0 : i32
    %dma_wait3A_44 = tpu.memref_slice %arg5[%dma_wait3A, %dma_wait3A_43] : memref<8x128xi32, #tpu.memory_space<vmem>> -> memref<1x128xi32, #tpu.memory_space<vmem>>
    %dma_wait3A_45 = tpu.memref_squeeze %dma_wait3A_44 : memref<1x128xi32, #tpu.memory_space<vmem>> -> memref<128xi32, #tpu.memory_space<vmem>>
    %dma_wait3A_46 = arith.constant 0 : i32
    %dma_wait3A_47 = arith.constant 0 : i32
    %dma_wait3A_48 = tpu.memref_slice %arg2[%dma_wait3A_46, %dma_wait3A_47] : memref<20480x128xf32, #tpu.memory_space<hbm>> -> memref<20480x128xf32, #tpu.memory_space<hbm>>
    tpu.wait_indirect_dma semaphore(%arg7 : memref<!tpu.dma_semaphore, #tpu.memory_space<semaphore_mem>>) src(%dma_wait3A_48 : memref<20480x128xf32, #tpu.memory_space<hbm>>) dst(%dma_wait3A_42 : memref<128x128xf32, #tpu.memory_space<vmem>>)
    %dma_wait3A_49 = arith.constant 1 : i32
    %dma_wait3A_50 = arith.constant 128 : i32
    %dma_wait3A_51 = arith.constant 0 : i32
    %dma_wait3A_52 = tpu.memref_slice %arg6[%dma_wait3A_50, %dma_wait3A_51] : memref<512x128xf32, #tpu.memory_space<vmem>> -> memref<128x128xf32, #tpu.memory_space<vmem>>
    %dma_wait3A_53 = arith.constant 0 : i32
    %dma_wait3A_54 = tpu.memref_slice %arg5[%dma_wait3A_49, %dma_wait3A_53] : memref<8x128xi32, #tpu.memory_space<vmem>> -> memref<1x128xi32, #tpu.memory_space<vmem>>
    %dma_wait3A_55 = tpu.memref_squeeze %dma_wait3A_54 : memref<1x128xi32, #tpu.memory_space<vmem>> -> memref<128xi32, #tpu.memory_space<vmem>>
    %dma_wait3A_56 = arith.constant 0 : i32
    %dma_wait3A_57 = arith.constant 0 : i32
    %dma_wait3A_58 = tpu.memref_slice %arg2[%dma_wait3A_56, %dma_wait3A_57] : memref<20480x128xf32, #tpu.memory_space<hbm>> -> memref<20480x128xf32, #tpu.memory_space<hbm>>
    tpu.wait_indirect_dma semaphore(%arg7 : memref<!tpu.dma_semaphore, #tpu.memory_space<semaphore_mem>>) src(%dma_wait3A_58 : memref<20480x128xf32, #tpu.memory_space<hbm>>) dst(%dma_wait3A_52 : memref<128x128xf32, #tpu.memory_space<vmem>>)
    %dma_wait3A_59 = arith.constant 2 : i32
    %dma_wait3A_60 = arith.constant 256 : i32
    %dma_wait3A_61 = arith.constant 0 : i32
    %dma_wait3A_62 = tpu.memref_slice %arg6[%dma_wait3A_60, %dma_wait3A_61] : memref<512x128xf32, #tpu.memory_space<vmem>> -> memref<128x128xf32, #tpu.memory_space<vmem>>
    %dma_wait3A_63 = arith.constant 0 : i32
    %dma_wait3A_64 = tpu.memref_slice %arg5[%dma_wait3A_59, %dma_wait3A_63] : memref<8x128xi32, #tpu.memory_space<vmem>> -> memref<1x128xi32, #tpu.memory_space<vmem>>
    %dma_wait3A_65 = tpu.memref_squeeze %dma_wait3A_64 : memref<1x128xi32, #tpu.memory_space<vmem>> -> memref<128xi32, #tpu.memory_space<vmem>>
    %dma_wait3A_66 = arith.constant 0 : i32
    %dma_wait3A_67 = arith.constant 0 : i32
    %dma_wait3A_68 = tpu.memref_slice %arg2[%dma_wait3A_66, %dma_wait3A_67] : memref<20480x128xf32, #tpu.memory_space<hbm>> -> memref<20480x128xf32, #tpu.memory_space<hbm>>
    tpu.wait_indirect_dma semaphore(%arg7 : memref<!tpu.dma_semaphore, #tpu.memory_space<semaphore_mem>>) src(%dma_wait3A_68 : memref<20480x128xf32, #tpu.memory_space<hbm>>) dst(%dma_wait3A_62 : memref<128x128xf32, #tpu.memory_space<vmem>>)
    %dma_wait3A_69 = arith.constant 3 : i32
    %dma_wait3A_70 = arith.constant 384 : i32
    %dma_wait3A_71 = arith.constant 0 : i32
    %dma_wait3A_72 = tpu.memref_slice %arg6[%dma_wait3A_70, %dma_wait3A_71] : memref<512x128xf32, #tpu.memory_space<vmem>> -> memref<128x128xf32, #tpu.memory_space<vmem>>
    %dma_wait3A_73 = arith.constant 0 : i32
    %dma_wait3A_74 = tpu.memref_slice %arg5[%dma_wait3A_69, %dma_wait3A_73] : memref<8x128xi32, #tpu.memory_space<vmem>> -> memref<1x128xi32, #tpu.memory_space<vmem>>
    %dma_wait3A_75 = tpu.memref_squeeze %dma_wait3A_74 : memref<1x128xi32, #tpu.memory_space<vmem>> -> memref<128xi32, #tpu.memory_space<vmem>>
    %dma_wait3A_76 = arith.constant 0 : i32
    %dma_wait3A_77 = arith.constant 0 : i32
    %dma_wait3A_78 = tpu.memref_slice %arg2[%dma_wait3A_76, %dma_wait3A_77] : memref<20480x128xf32, #tpu.memory_space<hbm>> -> memref<20480x128xf32, #tpu.memory_space<hbm>>
    tpu.wait_indirect_dma semaphore(%arg7 : memref<!tpu.dma_semaphore, #tpu.memory_space<semaphore_mem>>) src(%dma_wait3A_78 : memref<20480x128xf32, #tpu.memory_space<hbm>>) dst(%dma_wait3A_72 : memref<128x128xf32, #tpu.memory_space<vmem>>)
    %mul3A_79 = arith.constant 1024 : i32
    %mul3A_80 = arith.muli %add3A, %mul3A_79 : i32
    %add3A_81 = arith.constant 0 : i32
    %add3A_82 = arith.addi %mul3A_80, %add3A_81 : i32
    "tpu.region"() ({
      %run_scoped3A = tpu.sem_alloc : memref<!tpu.dma_semaphore, #tpu.memory_space<semaphore_mem>>
      %dma_start3A_167 = arith.constant 0 : i32
      %dma_start3A_168 = tpu.memref_slice %arg4[%add3A_82, %dma_start3A_167] : memref<32768x128xf32, #tpu.memory_space<hbm>> -> memref<512x128xf32, #tpu.memory_space<hbm>>
      %dma_start3A_169 = arith.constant 0 : i32
      %dma_start3A_170 = tpu.memref_slice %arg4[%add3A_82, %dma_start3A_169] : memref<32768x128xf32, #tpu.memory_space<hbm>> -> memref<512x128xf32, #tpu.memory_space<hbm>>
      tpu.enqueue_dma source(%arg6 : memref<512x128xf32, #tpu.memory_space<vmem>>) target(%dma_start3A_170 : memref<512x128xf32, #tpu.memory_space<hbm>>) target_semaphore(%run_scoped3A : memref<!tpu.dma_semaphore, #tpu.memory_space<semaphore_mem>>)
      %dma_wait3A_171 = arith.constant 0 : i32
      %dma_wait3A_172 = tpu.memref_slice %arg4[%add3A_82, %dma_wait3A_171] : memref<32768x128xf32, #tpu.memory_space<hbm>> -> memref<512x128xf32, #tpu.memory_space<hbm>>
      %dma_wait3A_173 = arith.constant 0 : i32
      %dma_wait3A_174 = tpu.memref_slice %arg4[%add3A_82, %dma_wait3A_173] : memref<32768x128xf32, #tpu.memory_space<hbm>> -> memref<512x128xf32, #tpu.memory_space<hbm>>
      tpu.wait_dma2 semaphore(%run_scoped3A : memref<!tpu.dma_semaphore, #tpu.memory_space<semaphore_mem>>) src(%arg6 : memref<512x128xf32, #tpu.memory_space<vmem>>) dst(%dma_wait3A_174 : memref<512x128xf32, #tpu.memory_space<hbm>>)
      tpu.yield
    }) : () -> ()
    %dma_start3A_83 = arith.constant 4 : i32
    %dma_start3A_84 = arith.constant 0 : i32
    %dma_start3A_85 = arith.constant 0 : i32
    %dma_start3A_86 = tpu.memref_slice %arg6[%dma_start3A_84, %dma_start3A_85] : memref<512x128xf32, #tpu.memory_space<vmem>> -> memref<128x128xf32, #tpu.memory_space<vmem>>
    %dma_start3A_87 = arith.constant 0 : i32
    %dma_start3A_88 = tpu.memref_slice %arg5[%dma_start3A_83, %dma_start3A_87] : memref<8x128xi32, #tpu.memory_space<vmem>> -> memref<1x128xi32, #tpu.memory_space<vmem>>
    %dma_start3A_89 = tpu.memref_squeeze %dma_start3A_88 : memref<1x128xi32, #tpu.memory_space<vmem>> -> memref<128xi32, #tpu.memory_space<vmem>>
    %dma_start3A_90 = arith.constant 0 : i32
    %dma_start3A_91 = arith.constant 0 : i32
    %dma_start3A_92 = tpu.memref_slice %arg2[%dma_start3A_90, %dma_start3A_91] : memref<20480x128xf32, #tpu.memory_space<hbm>> -> memref<20480x128xf32, #tpu.memory_space<hbm>>
    tpu.enqueue_indirect_dma source(%dma_start3A_92 : memref<20480x128xf32, #tpu.memory_space<hbm>>) target(%dma_start3A_86 : memref<128x128xf32, #tpu.memory_space<vmem>>) offsets(%dma_start3A_89 : memref<128xi32, #tpu.memory_space<vmem>>) semaphore(%arg7 : memref<!tpu.dma_semaphore, #tpu.memory_space<semaphore_mem>>)
    %dma_start3A_93 = arith.constant 5 : i32
    %dma_start3A_94 = arith.constant 128 : i32
    %dma_start3A_95 = arith.constant 0 : i32
    %dma_start3A_96 = tpu.memref_slice %arg6[%dma_start3A_94, %dma_start3A_95] : memref<512x128xf32, #tpu.memory_space<vmem>> -> memref<128x128xf32, #tpu.memory_space<vmem>>
    %dma_start3A_97 = arith.constant 0 : i32
    %dma_start3A_98 = tpu.memref_slice %arg5[%dma_start3A_93, %dma_start3A_97] : memref<8x128xi32, #tpu.memory_space<vmem>> -> memref<1x128xi32, #tpu.memory_space<vmem>>
    %dma_start3A_99 = tpu.memref_squeeze %dma_start3A_98 : memref<1x128xi32, #tpu.memory_space<vmem>> -> memref<128xi32, #tpu.memory_space<vmem>>
    %dma_start3A_100 = arith.constant 0 : i32
    %dma_start3A_101 = arith.constant 0 : i32
    %dma_start3A_102 = tpu.memref_slice %arg2[%dma_start3A_100, %dma_start3A_101] : memref<20480x128xf32, #tpu.memory_space<hbm>> -> memref<20480x128xf32, #tpu.memory_space<hbm>>
    tpu.enqueue_indirect_dma source(%dma_start3A_102 : memref<20480x128xf32, #tpu.memory_space<hbm>>) target(%dma_start3A_96 : memref<128x128xf32, #tpu.memory_space<vmem>>) offsets(%dma_start3A_99 : memref<128xi32, #tpu.memory_space<vmem>>) semaphore(%arg7 : memref<!tpu.dma_semaphore, #tpu.memory_space<semaphore_mem>>)
    %dma_start3A_103 = arith.constant 6 : i32
    %dma_start3A_104 = arith.constant 256 : i32
    %dma_start3A_105 = arith.constant 0 : i32
    %dma_start3A_106 = tpu.memref_slice %arg6[%dma_start3A_104, %dma_start3A_105] : memref<512x128xf32, #tpu.memory_space<vmem>> -> memref<128x128xf32, #tpu.memory_space<vmem>>
    %dma_start3A_107 = arith.constant 0 : i32
    %dma_start3A_108 = tpu.memref_slice %arg5[%dma_start3A_103, %dma_start3A_107] : memref<8x128xi32, #tpu.memory_space<vmem>> -> memref<1x128xi32, #tpu.memory_space<vmem>>
    %dma_start3A_109 = tpu.memref_squeeze %dma_start3A_108 : memref<1x128xi32, #tpu.memory_space<vmem>> -> memref<128xi32, #tpu.memory_space<vmem>>
    %dma_start3A_110 = arith.constant 0 : i32
    %dma_start3A_111 = arith.constant 0 : i32
    %dma_start3A_112 = tpu.memref_slice %arg2[%dma_start3A_110, %dma_start3A_111] : memref<20480x128xf32, #tpu.memory_space<hbm>> -> memref<20480x128xf32, #tpu.memory_space<hbm>>
    tpu.enqueue_indirect_dma source(%dma_start3A_112 : memref<20480x128xf32, #tpu.memory_space<hbm>>) target(%dma_start3A_106 : memref<128x128xf32, #tpu.memory_space<vmem>>) offsets(%dma_start3A_109 : memref<128xi32, #tpu.memory_space<vmem>>) semaphore(%arg7 : memref<!tpu.dma_semaphore, #tpu.memory_space<semaphore_mem>>)
    %dma_start3A_113 = arith.constant 7 : i32
    %dma_start3A_114 = arith.constant 384 : i32
    %dma_start3A_115 = arith.constant 0 : i32
    %dma_start3A_116 = tpu.memref_slice %arg6[%dma_start3A_114, %dma_start3A_115] : memref<512x128xf32, #tpu.memory_space<vmem>> -> memref<128x128xf32, #tpu.memory_space<vmem>>
    %dma_start3A_117 = arith.constant 0 : i32
    %dma_start3A_118 = tpu.memref_slice %arg5[%dma_start3A_113, %dma_start3A_117] : memref<8x128xi32, #tpu.memory_space<vmem>> -> memref<1x128xi32, #tpu.memory_space<vmem>>
    %dma_start3A_119 = tpu.memref_squeeze %dma_start3A_118 : memref<1x128xi32, #tpu.memory_space<vmem>> -> memref<128xi32, #tpu.memory_space<vmem>>
    %dma_start3A_120 = arith.constant 0 : i32
    %dma_start3A_121 = arith.constant 0 : i32
    %dma_start3A_122 = tpu.memref_slice %arg2[%dma_start3A_120, %dma_start3A_121] : memref<20480x128xf32, #tpu.memory_space<hbm>> -> memref<20480x128xf32, #tpu.memory_space<hbm>>
    tpu.enqueue_indirect_dma source(%dma_start3A_122 : memref<20480x128xf32, #tpu.memory_space<hbm>>) target(%dma_start3A_116 : memref<128x128xf32, #tpu.memory_space<vmem>>) offsets(%dma_start3A_119 : memref<128xi32, #tpu.memory_space<vmem>>) semaphore(%arg7 : memref<!tpu.dma_semaphore, #tpu.memory_space<semaphore_mem>>)
    %dma_wait3A_123 = arith.constant 4 : i32
    %dma_wait3A_124 = arith.constant 0 : i32
    %dma_wait3A_125 = arith.constant 0 : i32
    %dma_wait3A_126 = tpu.memref_slice %arg6[%dma_wait3A_124, %dma_wait3A_125] : memref<512x128xf32, #tpu.memory_space<vmem>> -> memref<128x128xf32, #tpu.memory_space<vmem>>
    %dma_wait3A_127 = arith.constant 0 : i32
    %dma_wait3A_128 = tpu.memref_slice %arg5[%dma_wait3A_123, %dma_wait3A_127] : memref<8x128xi32, #tpu.memory_space<vmem>> -> memref<1x128xi32, #tpu.memory_space<vmem>>
    %dma_wait3A_129 = tpu.memref_squeeze %dma_wait3A_128 : memref<1x128xi32, #tpu.memory_space<vmem>> -> memref<128xi32, #tpu.memory_space<vmem>>
    %dma_wait3A_130 = arith.constant 0 : i32
    %dma_wait3A_131 = arith.constant 0 : i32
    %dma_wait3A_132 = tpu.memref_slice %arg2[%dma_wait3A_130, %dma_wait3A_131] : memref<20480x128xf32, #tpu.memory_space<hbm>> -> memref<20480x128xf32, #tpu.memory_space<hbm>>
    tpu.wait_indirect_dma semaphore(%arg7 : memref<!tpu.dma_semaphore, #tpu.memory_space<semaphore_mem>>) src(%dma_wait3A_132 : memref<20480x128xf32, #tpu.memory_space<hbm>>) dst(%dma_wait3A_126 : memref<128x128xf32, #tpu.memory_space<vmem>>)
    %dma_wait3A_133 = arith.constant 5 : i32
    %dma_wait3A_134 = arith.constant 128 : i32
    %dma_wait3A_135 = arith.constant 0 : i32
    %dma_wait3A_136 = tpu.memref_slice %arg6[%dma_wait3A_134, %dma_wait3A_135] : memref<512x128xf32, #tpu.memory_space<vmem>> -> memref<128x128xf32, #tpu.memory_space<vmem>>
    %dma_wait3A_137 = arith.constant 0 : i32
    %dma_wait3A_138 = tpu.memref_slice %arg5[%dma_wait3A_133, %dma_wait3A_137] : memref<8x128xi32, #tpu.memory_space<vmem>> -> memref<1x128xi32, #tpu.memory_space<vmem>>
    %dma_wait3A_139 = tpu.memref_squeeze %dma_wait3A_138 : memref<1x128xi32, #tpu.memory_space<vmem>> -> memref<128xi32, #tpu.memory_space<vmem>>
    %dma_wait3A_140 = arith.constant 0 : i32
    %dma_wait3A_141 = arith.constant 0 : i32
    %dma_wait3A_142 = tpu.memref_slice %arg2[%dma_wait3A_140, %dma_wait3A_141] : memref<20480x128xf32, #tpu.memory_space<hbm>> -> memref<20480x128xf32, #tpu.memory_space<hbm>>
    tpu.wait_indirect_dma semaphore(%arg7 : memref<!tpu.dma_semaphore, #tpu.memory_space<semaphore_mem>>) src(%dma_wait3A_142 : memref<20480x128xf32, #tpu.memory_space<hbm>>) dst(%dma_wait3A_136 : memref<128x128xf32, #tpu.memory_space<vmem>>)
    %dma_wait3A_143 = arith.constant 6 : i32
    %dma_wait3A_144 = arith.constant 256 : i32
    %dma_wait3A_145 = arith.constant 0 : i32
    %dma_wait3A_146 = tpu.memref_slice %arg6[%dma_wait3A_144, %dma_wait3A_145] : memref<512x128xf32, #tpu.memory_space<vmem>> -> memref<128x128xf32, #tpu.memory_space<vmem>>
    %dma_wait3A_147 = arith.constant 0 : i32
    %dma_wait3A_148 = tpu.memref_slice %arg5[%dma_wait3A_143, %dma_wait3A_147] : memref<8x128xi32, #tpu.memory_space<vmem>> -> memref<1x128xi32, #tpu.memory_space<vmem>>
    %dma_wait3A_149 = tpu.memref_squeeze %dma_wait3A_148 : memref<1x128xi32, #tpu.memory_space<vmem>> -> memref<128xi32, #tpu.memory_space<vmem>>
    %dma_wait3A_150 = arith.constant 0 : i32
    %dma_wait3A_151 = arith.constant 0 : i32
    %dma_wait3A_152 = tpu.memref_slice %arg2[%dma_wait3A_150, %dma_wait3A_151] : memref<20480x128xf32, #tpu.memory_space<hbm>> -> memref<20480x128xf32, #tpu.memory_space<hbm>>
    tpu.wait_indirect_dma semaphore(%arg7 : memref<!tpu.dma_semaphore, #tpu.memory_space<semaphore_mem>>) src(%dma_wait3A_152 : memref<20480x128xf32, #tpu.memory_space<hbm>>) dst(%dma_wait3A_146 : memref<128x128xf32, #tpu.memory_space<vmem>>)
    %dma_wait3A_153 = arith.constant 7 : i32
    %dma_wait3A_154 = arith.constant 384 : i32
    %dma_wait3A_155 = arith.constant 0 : i32
    %dma_wait3A_156 = tpu.memref_slice %arg6[%dma_wait3A_154, %dma_wait3A_155] : memref<512x128xf32, #tpu.memory_space<vmem>> -> memref<128x128xf32, #tpu.memory_space<vmem>>
    %dma_wait3A_157 = arith.constant 0 : i32
    %dma_wait3A_158 = tpu.memref_slice %arg5[%dma_wait3A_153, %dma_wait3A_157] : memref<8x128xi32, #tpu.memory_space<vmem>> -> memref<1x128xi32, #tpu.memory_space<vmem>>
    %dma_wait3A_159 = tpu.memref_squeeze %dma_wait3A_158 : memref<1x128xi32, #tpu.memory_space<vmem>> -> memref<128xi32, #tpu.memory_space<vmem>>
    %dma_wait3A_160 = arith.constant 0 : i32
    %dma_wait3A_161 = arith.constant 0 : i32
    %dma_wait3A_162 = tpu.memref_slice %arg2[%dma_wait3A_160, %dma_wait3A_161] : memref<20480x128xf32, #tpu.memory_space<hbm>> -> memref<20480x128xf32, #tpu.memory_space<hbm>>
    tpu.wait_indirect_dma semaphore(%arg7 : memref<!tpu.dma_semaphore, #tpu.memory_space<semaphore_mem>>) src(%dma_wait3A_162 : memref<20480x128xf32, #tpu.memory_space<hbm>>) dst(%dma_wait3A_156 : memref<128x128xf32, #tpu.memory_space<vmem>>)
    %mul3A_163 = arith.constant 1024 : i32
    %mul3A_164 = arith.muli %add3A, %mul3A_163 : i32
    %add3A_165 = arith.constant 512 : i32
    %add3A_166 = arith.addi %mul3A_164, %add3A_165 : i32
    "tpu.region"() ({
      %run_scoped3A = tpu.sem_alloc : memref<!tpu.dma_semaphore, #tpu.memory_space<semaphore_mem>>
      %dma_start3A_167 = arith.constant 0 : i32
      %dma_start3A_168 = tpu.memref_slice %arg4[%add3A_166, %dma_start3A_167] : memref<32768x128xf32, #tpu.memory_space<hbm>> -> memref<512x128xf32, #tpu.memory_space<hbm>>
      %dma_start3A_169 = arith.constant 0 : i32
      %dma_start3A_170 = tpu.memref_slice %arg4[%add3A_166, %dma_start3A_169] : memref<32768x128xf32, #tpu.memory_space<hbm>> -> memref<512x128xf32, #tpu.memory_space<hbm>>
      tpu.enqueue_dma source(%arg6 : memref<512x128xf32, #tpu.memory_space<vmem>>) target(%dma_start3A_170 : memref<512x128xf32, #tpu.memory_space<hbm>>) target_semaphore(%run_scoped3A : memref<!tpu.dma_semaphore, #tpu.memory_space<semaphore_mem>>)
      %dma_wait3A_171 = arith.constant 0 : i32
      %dma_wait3A_172 = tpu.memref_slice %arg4[%add3A_166, %dma_wait3A_171] : memref<32768x128xf32, #tpu.memory_space<hbm>> -> memref<512x128xf32, #tpu.memory_space<hbm>>
      %dma_wait3A_173 = arith.constant 0 : i32
      %dma_wait3A_174 = tpu.memref_slice %arg4[%add3A_166, %dma_wait3A_173] : memref<32768x128xf32, #tpu.memory_space<hbm>> -> memref<512x128xf32, #tpu.memory_space<hbm>>
      tpu.wait_dma2 semaphore(%run_scoped3A : memref<!tpu.dma_semaphore, #tpu.memory_space<semaphore_mem>>) src(%arg6 : memref<512x128xf32, #tpu.memory_space<vmem>>) dst(%dma_wait3A_174 : memref<512x128xf32, #tpu.memory_space<hbm>>)
      tpu.yield
    }) : () -> ()
    return
  }
}

module attributes {stable_mosaic.version = 14 : i64} {
  func.func @_p1_body(%arg0: i32, %arg1: i32, %arg2: memref<2560x64xf32, #tpu.memory_space<vmem>>, %arg3: memref<1x128x128xf32, #tpu.memory_space<vmem>>, %arg4: memref<1x2560x128xf32, #tpu.memory_space<vmem>>) attributes {dimension_semantics = [#tpu.dimension_semantics<arbitrary>, #tpu.dimension_semantics<arbitrary>], iteration_bounds = array<i64: 27, 8>, scalar_prefetch = 0 : i64, scratch_operands = 0 : i64, tpu.core_type = #tpu.core_type<tc>, window_params = [{transform_indices = @transform_0, window_bounds = array<i64: 2560, 64>}, {transform_indices = @transform_1, window_bounds = array<i64: 1, 128, 128>}, {transform_indices = @transform_2, window_bounds = array<i64: 1, 2560, 128>}]} {
    %mul3A = arith.constant 2560 : i32
    %mul3A_0 = arith.muli %arg1, %mul3A : i32
    %iota3A = tpu.iota {dimensions = array<i32: 0>} : vector<2560x64xi32>
    %add3A = vector.broadcast %mul3A_0 : i32 to vector<2560x64xi32>
    %add3A_1 = arith.addi %add3A, %iota3A : vector<2560x64xi32>
    %lt3A = arith.constant 20000 : i32
    %lt3A_2 = vector.broadcast %lt3A : i32 to vector<2560x64xi32>
    %lt3A_3 = arith.cmpi slt, %add3A_1, %lt3A_2 : vector<2560x64xi32>
    %get3A = arith.constant 0 : index
    %get3A_4 = arith.constant 0 : index
    %get3A_5 = vector.load %arg2[%get3A, %get3A_4] : memref<2560x64xf32, #tpu.memory_space<vmem>>, vector<2560x64xf32>
    %jit3A = arith.constant 0.000000e+00 : f32
    %broadcast_in_dim3A = vector.broadcast %jit3A : f32 to vector<2560x64xf32>
    %select_n3A = arith.select %lt3A_3, %get3A_5, %broadcast_in_dim3A : vector<2560x64xi1>, vector<2560x64xf32>
    %broadcast_in_dim3A_6 = arith.constant 0.000000e+00 : f32
    %broadcast_in_dim3A_7 = vector.broadcast %broadcast_in_dim3A_6 : f32 to vector<2560x64xf32>
    %concatenate3A = tpu.concatenate %select_n3A, %broadcast_in_dim3A_7 in 1 : vector<2560x64xf32>, vector<2560x64xf32> -> vector<2560x128xf32>
    %get3A_8 = arith.constant 0 : index
    %get3A_9 = arith.constant 0 : index
    %get3A_10 = arith.constant 0 : index
    %get3A_11 = vector.load %arg3[%get3A_8, %get3A_9, %get3A_10] : memref<1x128x128xf32, #tpu.memory_space<vmem>>, vector<1x128x128xf32>
    %get3A_12 = vector.shape_cast %get3A_11 : vector<1x128x128xf32> to vector<128x128xf32>
    %dot_general3A = arith.constant dense<0.000000e+00> : vector<2560x128xf32>
    %dot_general3A_13 = tpu.matmul %concatenate3A, %get3A_12, %dot_general3A {dimension_numbers = #tpu.dot_dimension_numbers<[1], [0], [0], [1], [0, 0, 1, 1], [], []>, transpose_lhs_hint = false} : vector<2560x128xf32>, vector<128x128xf32>, vector<2560x128xf32> -> vector<2560x128xf32>
    %swap3A = arith.constant 0 : index
    %swap3A_14 = arith.constant 0 : index
    %swap3A_15 = arith.constant 0 : index
    %swap3A_16 = vector.load %arg4[%swap3A, %swap3A_14, %swap3A_15] : memref<1x2560x128xf32, #tpu.memory_space<vmem>>, vector<1x2560x128xf32>
    %swap3A_17 = vector.shape_cast %swap3A_16 : vector<1x2560x128xf32> to vector<2560x128xf32>
    %swap3A_18 = vector.shape_cast %dot_general3A_13 : vector<2560x128xf32> to vector<1x2560x128xf32>
    tpu.vector_store %arg4[%swap3A, %swap3A_14, %swap3A_15], %swap3A_18 {strides = array<i32>} : memref<1x2560x128xf32, #tpu.memory_space<vmem>>, vector<1x2560x128xf32>,
    return
  }
  func.func @transform_0(%arg0: i32, %arg1: i32) -> (i32, i32) {
    %c0_i32 = arith.constant 0 : i32
    %c0_i32_0 = arith.constant 0 : i32
    return %arg1, %c0_i32 : i32, i32
  }
  func.func @transform_1(%arg0: i32, %arg1: i32) -> (i32, i32, i32) {
    %c0_i32 = arith.constant 0 : i32
    %c0_i32_0 = arith.constant 0 : i32
    %c0_i32_1 = arith.constant 0 : i32
    return %arg0, %c0_i32, %c0_i32_0 : i32, i32, i32
  }
  func.func @transform_2(%arg0: i32, %arg1: i32) -> (i32, i32, i32) {
    %c0_i32 = arith.constant 0 : i32
    %c0_i32_0 = arith.constant 0 : i32
    return %arg0, %arg1, %c0_i32 : i32, i32, i32
  }
}

module attributes {stable_mosaic.version = 14 : i64} {
  func.func @_p2_body(%arg0: i32, %arg1: i32, %arg2: memref<2560x128xf32, #tpu.memory_space<vmem>>, %arg3: memref<32x2x64xf32, #tpu.memory_space<vmem>>, %arg4: memref<1x64xf32, #tpu.memory_space<vmem>>, %arg5: memref<1x64xf32, #tpu.memory_space<vmem>>, %arg6: memref<1x128x128xf32, #tpu.memory_space<vmem>>, %arg7: memref<1x2560x128xf32, #tpu.memory_space<vmem>>) attributes {dimension_semantics = [#tpu.dimension_semantics<arbitrary>, #tpu.dimension_semantics<arbitrary>], iteration_bounds = array<i64: 27, 8>, scalar_prefetch = 0 : i64, scratch_operands = 0 : i64, tpu.core_type = #tpu.core_type<tc>, window_params = [{transform_indices = @transform_0, window_bounds = array<i64: 2560, 128>}, {pipeline_mode = #tpu.pipeline_mode<synchronous>, transform_indices = @transform_1, window_bounds = array<i64: 32, 2, 64>}, {pipeline_mode = #tpu.pipeline_mode<synchronous>, transform_indices = @transform_2, window_bounds = array<i64: 1, 64>}, {pipeline_mode = #tpu.pipeline_mode<synchronous>, transform_indices = @transform_3, window_bounds = array<i64: 1, 64>}, {transform_indices = @transform_4, window_bounds = array<i64: 1, 128, 128>}, {transform_indices = @transform_5, window_bounds = array<i64: 1, 2560, 128>}]} {
    %get3A = arith.constant 0 : index
    %get3A_0 = arith.constant 0 : index
    %get3A_1 = arith.constant 0 : index
    %get3A_2 = vector.load %arg3[%get3A, %get3A_0, %get3A_1] : memref<32x2x64xf32, #tpu.memory_space<vmem>>, vector<32x2x64xf32>
    %reduce_sum3A = arith.constant dense<0.000000e+00> : vector<2x64xf32>
    %reduce_sum3A_3 = vector.multi_reduction <add>, %get3A_2, %reduce_sum3A [0] : vector<32x2x64xf32> to vector<2x64xf32>
    %slice3A = vector.extract_strided_slice %reduce_sum3A_3 {offsets = [0, 0], sizes = [1, 64], strides = [1, 1]} : vector<2x64xf32> to vector<1x64xf32>
    %mul3A = arith.constant 5.000000e-05 : f32
    %mul3A_4 = vector.broadcast %mul3A : f32 to vector<1x64xf32>
    %mul3A_5 = arith.mulf %slice3A, %mul3A_4 : vector<1x64xf32>
    %slice3A_6 = vector.extract_strided_slice %reduce_sum3A_3 {offsets = [1, 0], sizes = [1, 64], strides = [1, 1]} : vector<2x64xf32> to vector<1x64xf32>
    %mul3A_7 = arith.constant 5.000000e-05 : f32
    %mul3A_8 = vector.broadcast %mul3A_7 : f32 to vector<1x64xf32>
    %mul3A_9 = arith.mulf %slice3A_6, %mul3A_8 : vector<1x64xf32>
    %mul3A_10 = arith.mulf %mul3A_5, %mul3A_5 : vector<1x64xf32>
    %sub3A = arith.subf %mul3A_9, %mul3A_10 : vector<1x64xf32>
    %get3A_11 = arith.constant 0 : index
    %get3A_12 = arith.constant 0 : index
    %get3A_13 = vector.load %arg4[%get3A_11, %get3A_12] : memref<1x64xf32, #tpu.memory_space<vmem>>, vector<1x64xf32>
    %add3A = arith.constant 9.99999974E-6 : f32
    %add3A_14 = vector.broadcast %add3A : f32 to vector<1x64xf32>
    %add3A_15 = arith.addf %sub3A, %add3A_14 : vector<1x64xf32>
    %rsqrt3A = math.rsqrt %add3A_15 : vector<1x64xf32>
    %mul3A_16 = arith.mulf %get3A_13, %rsqrt3A : vector<1x64xf32>
    %get3A_17 = arith.constant 0 : index
    %get3A_18 = arith.constant 0 : index
    %get3A_19 = vector.load %arg5[%get3A_17, %get3A_18] : memref<1x64xf32, #tpu.memory_space<vmem>>, vector<1x64xf32>
    %mul3A_20 = arith.mulf %mul3A_5, %mul3A_16 : vector<1x64xf32>
    %sub3A_21 = arith.subf %get3A_19, %mul3A_20 : vector<1x64xf32>
    %broadcast_in_dim3A = arith.constant 0.000000e+00 : f32
    %broadcast_in_dim3A_22 = vector.broadcast %broadcast_in_dim3A : f32 to vector<1x64xf32>
    %concatenate3A = tpu.concatenate %mul3A_16, %broadcast_in_dim3A_22 in 1 : vector<1x64xf32>, vector<1x64xf32> -> vector<1x128xf32>
    %concatenate3A_23 = tpu.concatenate %sub3A_21, %broadcast_in_dim3A_22 in 1 : vector<1x64xf32>, vector<1x64xf32> -> vector<1x128xf32>
    %get3A_24 = arith.constant 0 : index
    %get3A_25 = arith.constant 0 : index
    %get3A_26 = vector.load %arg2[%get3A_24, %get3A_25] : memref<2560x128xf32, #tpu.memory_space<vmem>>, vector<2560x128xf32>
    %mul3A_27 = vector.broadcast %concatenate3A : vector<1x128xf32> to vector<2560x128xf32>
    %mul3A_28 = arith.mulf %get3A_26, %mul3A_27 : vector<2560x128xf32>
    %add3A_29 = vector.broadcast %concatenate3A_23 : vector<1x128xf32> to vector<2560x128xf32>
    %add3A_30 = arith.addf %mul3A_28, %add3A_29 : vector<2560x128xf32>
    %max3A = arith.constant 0.000000e+00 : f32
    %max3A_31 = vector.broadcast %max3A : f32 to vector<2560x128xf32>
    %max3A_32 = arith.maximumf %add3A_30, %max3A_31 : vector<2560x128xf32>
    %mul3A_33 = arith.constant 2560 : i32
    %mul3A_34 = arith.muli %arg1, %mul3A_33 : i32
    %iota3A = tpu.iota {dimensions = array<i32: 0>} : vector<2560x128xi32>
    %add3A_35 = vector.broadcast %mul3A_34 : i32 to vector<2560x128xi32>
    %add3A_36 = arith.addi %add3A_35, %iota3A : vector<2560x128xi32>
    %lt3A = arith.constant 20000 : i32
    %lt3A_37 = vector.broadcast %lt3A : i32 to vector<2560x128xi32>
    %lt3A_38 = arith.cmpi slt, %add3A_36, %lt3A_37 : vector<2560x128xi32>
    %jit3A = arith.constant 0.000000e+00 : f32
    %broadcast_in_dim3A_39 = vector.broadcast %jit3A : f32 to vector<2560x128xf32>
    %select_n3A = arith.select %lt3A_38, %max3A_32, %broadcast_in_dim3A_39 : vector<2560x128xi1>, vector<2560x128xf32>
    %get3A_40 = arith.constant 0 : index
    %get3A_41 = arith.constant 0 : index
    %get3A_42 = arith.constant 0 : index
    %get3A_43 = vector.load %arg6[%get3A_40, %get3A_41, %get3A_42] : memref<1x128x128xf32, #tpu.memory_space<vmem>>, vector<1x128x128xf32>
    %get3A_44 = vector.shape_cast %get3A_43 : vector<1x128x128xf32> to vector<128x128xf32>
    %dot_general3A = arith.constant dense<0.000000e+00> : vector<2560x128xf32>
    %dot_general3A_45 = tpu.matmul %select_n3A, %get3A_44, %dot_general3A {dimension_numbers = #tpu.dot_dimension_numbers<[1], [0], [0], [1], [0, 0, 1, 1], [], []>, transpose_lhs_hint = false} : vector<2560x128xf32>, vector<128x128xf32>, vector<2560x128xf32> -> vector<2560x128xf32>
    %swap3A = arith.constant 0 : index
    %swap3A_46 = arith.constant 0 : index
    %swap3A_47 = arith.constant 0 : index
    %swap3A_48 = vector.load %arg7[%swap3A, %swap3A_46, %swap3A_47] : memref<1x2560x128xf32, #tpu.memory_space<vmem>>, vector<1x2560x128xf32>
    %swap3A_49 = vector.shape_cast %swap3A_48 : vector<1x2560x128xf32> to vector<2560x128xf32>
    %swap3A_50 = vector.shape_cast %dot_general3A_45 : vector<2560x128xf32> to vector<1x2560x128xf32>
    tpu.vector_store %arg7[%swap3A, %swap3A_46, %swap3A_47], %swap3A_50 {strides = array<i32>} : memref<1x2560x128xf32, #tpu.memory_space<vmem>>, vector<1x2560x128xf32>,
    return
  }
  func.func @transform_0(%arg0: i32, %arg1: i32) -> (i32, i32) {
    %c0_i32 = arith.constant 0 : i32
    %c0_i32_0 = arith.constant 0 : i32
    return %arg1, %c0_i32 : i32, i32
  }
  func.func @transform_1(%arg0: i32, %arg1: i32) -> (i32, i32, i32) {
    %c0_i32 = arith.constant 0 : i32
    %c0_i32_0 = arith.constant 0 : i32
    %c0_i32_1 = arith.constant 0 : i32
    %c0_i32_2 = arith.constant 0 : i32
    return %c0_i32, %c0_i32_0, %c0_i32_1 : i32, i32, i32
  }
  func.func @transform_2(%arg0: i32, %arg1: i32) -> (i32, i32) {
    %c0_i32 = arith.constant 0 : i32
    %c0_i32_0 = arith.constant 0 : i32
    %c0_i32_1 = arith.constant 0 : i32
    return %c0_i32, %c0_i32_0 : i32, i32
  }
  func.func @transform_3(%arg0: i32, %arg1: i32) -> (i32, i32) {
    %c0_i32 = arith.constant 0 : i32
    %c0_i32_0 = arith.constant 0 : i32
    %c0_i32_1 = arith.constant 0 : i32
    return %c0_i32, %c0_i32_0 : i32, i32
  }
  func.func @transform_4(%arg0: i32, %arg1: i32) -> (i32, i32, i32) {
    %c0_i32 = arith.constant 0 : i32
    %c0_i32_0 = arith.constant 0 : i32
    %c0_i32_1 = arith.constant 0 : i32
    return %arg0, %c0_i32, %c0_i32_0 : i32, i32, i32
  }
  func.func @transform_5(%arg0: i32, %arg1: i32) -> (i32, i32, i32) {
    %c0_i32 = arith.constant 0 : i32
    %c0_i32_0 = arith.constant 0 : i32
    return %arg0, %arg1, %c0_i32 : i32, i32, i32
  }
}

module attributes {stable_mosaic.version = 14 : i64} {
  func.func @_final_body(%arg0: memref<8x4096x128xf32, #tpu.memory_space<vmem>>, %arg1: memref<8x4096xf32, #tpu.memory_space<vmem>>, %arg2: memref<1x128xf32, #tpu.memory_space<vmem>>, %arg3: memref<32x2x64xf32, #tpu.memory_space<vmem>>, %arg4: memref<1x64xf32, #tpu.memory_space<vmem>>, %arg5: memref<1x64xf32, #tpu.memory_space<vmem>>, %arg6: memref<4096x64xf32, #tpu.memory_space<vmem>>, %arg7: memref<64x64xf32, #tpu.memory_space<vmem>>, %arg8: memref<1x64xf32, #tpu.memory_space<vmem>>, %arg9: memref<4096x64xf32, #tpu.memory_space<vmem>>) attributes {dimension_semantics = [], scalar_prefetch = 0 : i64, scratch_operands = 0 : i64, tpu.core_type = #tpu.core_type<tc>} {
    %get3A = arith.constant 0 : index
    %get3A_0 = arith.constant 0 : index
    %get3A_1 = arith.constant 0 : index
    %get3A_2 = vector.load %arg3[%get3A, %get3A_0, %get3A_1] : memref<32x2x64xf32, #tpu.memory_space<vmem>>, vector<32x2x64xf32>
    %reduce_sum3A = arith.constant dense<0.000000e+00> : vector<2x64xf32>
    %reduce_sum3A_3 = vector.multi_reduction <add>, %get3A_2, %reduce_sum3A [0] : vector<32x2x64xf32> to vector<2x64xf32>
    %slice3A = vector.extract_strided_slice %reduce_sum3A_3 {offsets = [0, 0], sizes = [1, 64], strides = [1, 1]} : vector<2x64xf32> to vector<1x64xf32>
    %mul3A = arith.constant 5.000000e-05 : f32
    %mul3A_4 = vector.broadcast %mul3A : f32 to vector<1x64xf32>
    %mul3A_5 = arith.mulf %slice3A, %mul3A_4 : vector<1x64xf32>
    %slice3A_6 = vector.extract_strided_slice %reduce_sum3A_3 {offsets = [1, 0], sizes = [1, 64], strides = [1, 1]} : vector<2x64xf32> to vector<1x64xf32>
    %mul3A_7 = arith.constant 5.000000e-05 : f32
    %mul3A_8 = vector.broadcast %mul3A_7 : f32 to vector<1x64xf32>
    %mul3A_9 = arith.mulf %slice3A_6, %mul3A_8 : vector<1x64xf32>
    %mul3A_10 = arith.mulf %mul3A_5, %mul3A_5 : vector<1x64xf32>
    %sub3A = arith.subf %mul3A_9, %mul3A_10 : vector<1x64xf32>
    %get3A_11 = arith.constant 0 : index
    %get3A_12 = arith.constant 0 : index
    %get3A_13 = vector.load %arg4[%get3A_11, %get3A_12] : memref<1x64xf32, #tpu.memory_space<vmem>>, vector<1x64xf32>
    %add3A = arith.constant 9.99999974E-6 : f32
    %add3A_14 = vector.broadcast %add3A : f32 to vector<1x64xf32>
    %add3A_15 = arith.addf %sub3A, %add3A_14 : vector<1x64xf32>
    %rsqrt3A = math.rsqrt %add3A_15 : vector<1x64xf32>
    %mul3A_16 = arith.mulf %get3A_13, %rsqrt3A : vector<1x64xf32>
    %get3A_17 = arith.constant 0 : index
    %get3A_18 = arith.constant 0 : index
    %get3A_19 = vector.load %arg5[%get3A_17, %get3A_18] : memref<1x64xf32, #tpu.memory_space<vmem>>, vector<1x64xf32>
    %mul3A_20 = arith.mulf %mul3A_5, %mul3A_16 : vector<1x64xf32>
    %sub3A_21 = arith.subf %get3A_19, %mul3A_20 : vector<1x64xf32>
    %broadcast_in_dim3A = arith.constant 0.000000e+00 : f32
    %broadcast_in_dim3A_22 = vector.broadcast %broadcast_in_dim3A : f32 to vector<1x64xf32>
    %concatenate3A = tpu.concatenate %mul3A_16, %broadcast_in_dim3A_22 in 1 : vector<1x64xf32>, vector<1x64xf32> -> vector<1x128xf32>
    %concatenate3A_23 = tpu.concatenate %sub3A_21, %broadcast_in_dim3A_22 in 1 : vector<1x64xf32>, vector<1x64xf32> -> vector<1x128xf32>
    %broadcast_in_dim3A_24 = arith.constant 0.000000e+00 : f32
    %broadcast_in_dim3A_25 = vector.broadcast %broadcast_in_dim3A_24 : f32 to vector<4096x128xf32>
    %get3A_26 = arith.constant 0 : index
    %get3A_27 = arith.constant 0 : index
    %get3A_28 = arith.constant 0 : index
    %get3A_29 = vector.load %arg0[%get3A_26, %get3A_27, %get3A_28] : memref<8x4096x128xf32, #tpu.memory_space<vmem>>, vector<1x4096x128xf32>
    %get3A_30 = vector.shape_cast %get3A_29 : vector<1x4096x128xf32> to vector<4096x128xf32>
    %get3A_31 = arith.constant 0 : index
    %get3A_32 = arith.constant 0 : index
    %get3A_33 = vector.load %arg1[%get3A_31, %get3A_32] : memref<8x4096xf32, #tpu.memory_space<vmem>>, vector<1x4096xf32>
    %get3A_34 = vector.shape_cast %get3A_33 : vector<1x4096xf32> to vector<4096xf32>
    %broadcast_in_dim3A_35 = vector.shape_cast %get3A_34 : vector<4096xf32> to vector<4096x1xf32>
    %get3A_36 = arith.constant 0 : index
    %get3A_37 = arith.constant 0 : index
    %get3A_38 = vector.load %arg2[%get3A_36, %get3A_37] : memref<1x128xf32, #tpu.memory_space<vmem>>, vector<1x128xf32>
    %mul3A_39 = vector.broadcast %broadcast_in_dim3A_35 : vector<4096x1xf32> to vector<4096x128xf32>
    %mul3A_40 = vector.broadcast %get3A_38 : vector<1x128xf32> to vector<4096x128xf32>
    %mul3A_41 = arith.mulf %mul3A_39, %mul3A_40 : vector<4096x128xf32>
    %add3A_42 = arith.addf %get3A_30, %mul3A_41 : vector<4096x128xf32>
    %mul3A_43 = vector.broadcast %concatenate3A : vector<1x128xf32> to vector<4096x128xf32>
    %mul3A_44 = arith.mulf %add3A_42, %mul3A_43 : vector<4096x128xf32>
    %add3A_45 = vector.broadcast %concatenate3A_23 : vector<1x128xf32> to vector<4096x128xf32>
    %add3A_46 = arith.addf %mul3A_44, %add3A_45 : vector<4096x128xf32>
    %max3A = arith.constant 0.000000e+00 : f32
    %max3A_47 = vector.broadcast %max3A : f32 to vector<4096x128xf32>
    %max3A_48 = arith.maximumf %add3A_46, %max3A_47 : vector<4096x128xf32>
    %add3A_49 = arith.addf %broadcast_in_dim3A_25, %max3A_48 : vector<4096x128xf32>
    %get3A_50 = arith.constant 1 : index
    %get3A_51 = arith.constant 0 : index
    %get3A_52 = arith.constant 0 : index
    %get3A_53 = vector.load %arg0[%get3A_50, %get3A_51, %get3A_52] : memref<8x4096x128xf32, #tpu.memory_space<vmem>>, vector<1x4096x128xf32>
    %get3A_54 = vector.shape_cast %get3A_53 : vector<1x4096x128xf32> to vector<4096x128xf32>
    %get3A_55 = arith.constant 1 : index
    %get3A_56 = arith.constant 0 : index
    %get3A_57 = vector.load %arg1[%get3A_55, %get3A_56] : memref<8x4096xf32, #tpu.memory_space<vmem>>, vector<1x4096xf32>
    %get3A_58 = vector.shape_cast %get3A_57 : vector<1x4096xf32> to vector<4096xf32>
    %broadcast_in_dim3A_59 = vector.shape_cast %get3A_58 : vector<4096xf32> to vector<4096x1xf32>
    %get3A_60 = arith.constant 0 : index
    %get3A_61 = arith.constant 0 : index
    %get3A_62 = vector.load %arg2[%get3A_60, %get3A_61] : memref<1x128xf32, #tpu.memory_space<vmem>>, vector<1x128xf32>
    %mul3A_63 = vector.broadcast %broadcast_in_dim3A_59 : vector<4096x1xf32> to vector<4096x128xf32>
    %mul3A_64 = vector.broadcast %get3A_62 : vector<1x128xf32> to vector<4096x128xf32>
    %mul3A_65 = arith.mulf %mul3A_63, %mul3A_64 : vector<4096x128xf32>
    %add3A_66 = arith.addf %get3A_54, %mul3A_65 : vector<4096x128xf32>
    %mul3A_67 = vector.broadcast %concatenate3A : vector<1x128xf32> to vector<4096x128xf32>
    %mul3A_68 = arith.mulf %add3A_66, %mul3A_67 : vector<4096x128xf32>
    %add3A_69 = vector.broadcast %concatenate3A_23 : vector<1x128xf32> to vector<4096x128xf32>
    %add3A_70 = arith.addf %mul3A_68, %add3A_69 : vector<4096x128xf32>
    %max3A_71 = arith.constant 0.000000e+00 : f32
    %max3A_72 = vector.broadcast %max3A_71 : f32 to vector<4096x128xf32>
    %max3A_73 = arith.maximumf %add3A_70, %max3A_72 : vector<4096x128xf32>
    %add3A_74 = arith.addf %add3A_49, %max3A_73 : vector<4096x128xf32>
    %get3A_75 = arith.constant 2 : index
    %get3A_76 = arith.constant 0 : index
    %get3A_77 = arith.constant 0 : index
    %get3A_78 = vector.load %arg0[%get3A_75, %get3A_76, %get3A_77] : memref<8x4096x128xf32, #tpu.memory_space<vmem>>, vector<1x4096x128xf32>
    %get3A_79 = vector.shape_cast %get3A_78 : vector<1x4096x128xf32> to vector<4096x128xf32>
    %get3A_80 = arith.constant 2 : index
    %get3A_81 = arith.constant 0 : index
    %get3A_82 = vector.load %arg1[%get3A_80, %get3A_81] : memref<8x4096xf32, #tpu.memory_space<vmem>>, vector<1x4096xf32>
    %get3A_83 = vector.shape_cast %get3A_82 : vector<1x4096xf32> to vector<4096xf32>
    %broadcast_in_dim3A_84 = vector.shape_cast %get3A_83 : vector<4096xf32> to vector<4096x1xf32>
    %get3A_85 = arith.constant 0 : index
    %get3A_86 = arith.constant 0 : index
    %get3A_87 = vector.load %arg2[%get3A_85, %get3A_86] : memref<1x128xf32, #tpu.memory_space<vmem>>, vector<1x128xf32>
    %mul3A_88 = vector.broadcast %broadcast_in_dim3A_84 : vector<4096x1xf32> to vector<4096x128xf32>
    %mul3A_89 = vector.broadcast %get3A_87 : vector<1x128xf32> to vector<4096x128xf32>
    %mul3A_90 = arith.mulf %mul3A_88, %mul3A_89 : vector<4096x128xf32>
    %add3A_91 = arith.addf %get3A_79, %mul3A_90 : vector<4096x128xf32>
    %mul3A_92 = vector.broadcast %concatenate3A : vector<1x128xf32> to vector<4096x128xf32>
    %mul3A_93 = arith.mulf %add3A_91, %mul3A_92 : vector<4096x128xf32>
    %add3A_94 = vector.broadcast %concatenate3A_23 : vector<1x128xf32> to vector<4096x128xf32>
    %add3A_95 = arith.addf %mul3A_93, %add3A_94 : vector<4096x128xf32>
    %max3A_96 = arith.constant 0.000000e+00 : f32
    %max3A_97 = vector.broadcast %max3A_96 : f32 to vector<4096x128xf32>
    %max3A_98 = arith.maximumf %add3A_95, %max3A_97 : vector<4096x128xf32>
    %add3A_99 = arith.addf %add3A_74, %max3A_98 : vector<4096x128xf32>
    %get3A_100 = arith.constant 3 : index
    %get3A_101 = arith.constant 0 : index
    %get3A_102 = arith.constant 0 : index
    %get3A_103 = vector.load %arg0[%get3A_100, %get3A_101, %get3A_102] : memref<8x4096x128xf32, #tpu.memory_space<vmem>>, vector<1x4096x128xf32>
    %get3A_104 = vector.shape_cast %get3A_103 : vector<1x4096x128xf32> to vector<4096x128xf32>
    %get3A_105 = arith.constant 3 : index
    %get3A_106 = arith.constant 0 : index
    %get3A_107 = vector.load %arg1[%get3A_105, %get3A_106] : memref<8x4096xf32, #tpu.memory_space<vmem>>, vector<1x4096xf32>
    %get3A_108 = vector.shape_cast %get3A_107 : vector<1x4096xf32> to vector<4096xf32>
    %broadcast_in_dim3A_109 = vector.shape_cast %get3A_108 : vector<4096xf32> to vector<4096x1xf32>
    %get3A_110 = arith.constant 0 : index
    %get3A_111 = arith.constant 0 : index
    %get3A_112 = vector.load %arg2[%get3A_110, %get3A_111] : memref<1x128xf32, #tpu.memory_space<vmem>>, vector<1x128xf32>
    %mul3A_113 = vector.broadcast %broadcast_in_dim3A_109 : vector<4096x1xf32> to vector<4096x128xf32>
    %mul3A_114 = vector.broadcast %get3A_112 : vector<1x128xf32> to vector<4096x128xf32>
    %mul3A_115 = arith.mulf %mul3A_113, %mul3A_114 : vector<4096x128xf32>
    %add3A_116 = arith.addf %get3A_104, %mul3A_115 : vector<4096x128xf32>
    %mul3A_117 = vector.broadcast %concatenate3A : vector<1x128xf32> to vector<4096x128xf32>
    %mul3A_118 = arith.mulf %add3A_116, %mul3A_117 : vector<4096x128xf32>
    %add3A_119 = vector.broadcast %concatenate3A_23 : vector<1x128xf32> to vector<4096x128xf32>
    %add3A_120 = arith.addf %mul3A_118, %add3A_119 : vector<4096x128xf32>
    %max3A_121 = arith.constant 0.000000e+00 : f32
    %max3A_122 = vector.broadcast %max3A_121 : f32 to vector<4096x128xf32>
    %max3A_123 = arith.maximumf %add3A_120, %max3A_122 : vector<4096x128xf32>
    %add3A_124 = arith.addf %add3A_99, %max3A_123 : vector<4096x128xf32>
    %get3A_125 = arith.constant 4 : index
    %get3A_126 = arith.constant 0 : index
    %get3A_127 = arith.constant 0 : index
    %get3A_128 = vector.load %arg0[%get3A_125, %get3A_126, %get3A_127] : memref<8x4096x128xf32, #tpu.memory_space<vmem>>, vector<1x4096x128xf32>
    %get3A_129 = vector.shape_cast %get3A_128 : vector<1x4096x128xf32> to vector<4096x128xf32>
    %get3A_130 = arith.constant 4 : index
    %get3A_131 = arith.constant 0 : index
    %get3A_132 = vector.load %arg1[%get3A_130, %get3A_131] : memref<8x4096xf32, #tpu.memory_space<vmem>>, vector<1x4096xf32>
    %get3A_133 = vector.shape_cast %get3A_132 : vector<1x4096xf32> to vector<4096xf32>
    %broadcast_in_dim3A_134 = vector.shape_cast %get3A_133 : vector<4096xf32> to vector<4096x1xf32>
    %get3A_135 = arith.constant 0 : index
    %get3A_136 = arith.constant 0 : index
    %get3A_137 = vector.load %arg2[%get3A_135, %get3A_136] : memref<1x128xf32, #tpu.memory_space<vmem>>, vector<1x128xf32>
    %mul3A_138 = vector.broadcast %broadcast_in_dim3A_134 : vector<4096x1xf32> to vector<4096x128xf32>
    %mul3A_139 = vector.broadcast %get3A_137 : vector<1x128xf32> to vector<4096x128xf32>
    %mul3A_140 = arith.mulf %mul3A_138, %mul3A_139 : vector<4096x128xf32>
    %add3A_141 = arith.addf %get3A_129, %mul3A_140 : vector<4096x128xf32>
    %mul3A_142 = vector.broadcast %concatenate3A : vector<1x128xf32> to vector<4096x128xf32>
    %mul3A_143 = arith.mulf %add3A_141, %mul3A_142 : vector<4096x128xf32>
    %add3A_144 = vector.broadcast %concatenate3A_23 : vector<1x128xf32> to vector<4096x128xf32>
    %add3A_145 = arith.addf %mul3A_143, %add3A_144 : vector<4096x128xf32>
    %max3A_146 = arith.constant 0.000000e+00 : f32
    %max3A_147 = vector.broadcast %max3A_146 : f32 to vector<4096x128xf32>
    %max3A_148 = arith.maximumf %add3A_145, %max3A_147 : vector<4096x128xf32>
    %add3A_149 = arith.addf %add3A_124, %max3A_148 : vector<4096x128xf32>
    %get3A_150 = arith.constant 5 : index
    %get3A_151 = arith.constant 0 : index
    %get3A_152 = arith.constant 0 : index
    %get3A_153 = vector.load %arg0[%get3A_150, %get3A_151, %get3A_152] : memref<8x4096x128xf32, #tpu.memory_space<vmem>>, vector<1x4096x128xf32>
    %get3A_154 = vector.shape_cast %get3A_153 : vector<1x4096x128xf32> to vector<4096x128xf32>
    %get3A_155 = arith.constant 5 : index
    %get3A_156 = arith.constant 0 : index
    %get3A_157 = vector.load %arg1[%get3A_155, %get3A_156] : memref<8x4096xf32, #tpu.memory_space<vmem>>, vector<1x4096xf32>
    %get3A_158 = vector.shape_cast %get3A_157 : vector<1x4096xf32> to vector<4096xf32>
    %broadcast_in_dim3A_159 = vector.shape_cast %get3A_158 : vector<4096xf32> to vector<4096x1xf32>
    %get3A_160 = arith.constant 0 : index
    %get3A_161 = arith.constant 0 : index
    %get3A_162 = vector.load %arg2[%get3A_160, %get3A_161] : memref<1x128xf32, #tpu.memory_space<vmem>>, vector<1x128xf32>
    %mul3A_163 = vector.broadcast %broadcast_in_dim3A_159 : vector<4096x1xf32> to vector<4096x128xf32>
    %mul3A_164 = vector.broadcast %get3A_162 : vector<1x128xf32> to vector<4096x128xf32>
    %mul3A_165 = arith.mulf %mul3A_163, %mul3A_164 : vector<4096x128xf32>
    %add3A_166 = arith.addf %get3A_154, %mul3A_165 : vector<4096x128xf32>
    %mul3A_167 = vector.broadcast %concatenate3A : vector<1x128xf32> to vector<4096x128xf32>
    %mul3A_168 = arith.mulf %add3A_166, %mul3A_167 : vector<4096x128xf32>
    %add3A_169 = vector.broadcast %concatenate3A_23 : vector<1x128xf32> to vector<4096x128xf32>
    %add3A_170 = arith.addf %mul3A_168, %add3A_169 : vector<4096x128xf32>
    %max3A_171 = arith.constant 0.000000e+00 : f32
    %max3A_172 = vector.broadcast %max3A_171 : f32 to vector<4096x128xf32>
    %max3A_173 = arith.maximumf %add3A_170, %max3A_172 : vector<4096x128xf32>
    %add3A_174 = arith.addf %add3A_149, %max3A_173 : vector<4096x128xf32>
    %get3A_175 = arith.constant 6 : index
    %get3A_176 = arith.constant 0 : index
    %get3A_177 = arith.constant 0 : index
    %get3A_178 = vector.load %arg0[%get3A_175, %get3A_176, %get3A_177] : memref<8x4096x128xf32, #tpu.memory_space<vmem>>, vector<1x4096x128xf32>
    %get3A_179 = vector.shape_cast %get3A_178 : vector<1x4096x128xf32> to vector<4096x128xf32>
    %get3A_180 = arith.constant 6 : index
    %get3A_181 = arith.constant 0 : index
    %get3A_182 = vector.load %arg1[%get3A_180, %get3A_181] : memref<8x4096xf32, #tpu.memory_space<vmem>>, vector<1x4096xf32>
    %get3A_183 = vector.shape_cast %get3A_182 : vector<1x4096xf32> to vector<4096xf32>
    %broadcast_in_dim3A_184 = vector.shape_cast %get3A_183 : vector<4096xf32> to vector<4096x1xf32>
    %get3A_185 = arith.constant 0 : index
    %get3A_186 = arith.constant 0 : index
    %get3A_187 = vector.load %arg2[%get3A_185, %get3A_186] : memref<1x128xf32, #tpu.memory_space<vmem>>, vector<1x128xf32>
    %mul3A_188 = vector.broadcast %broadcast_in_dim3A_184 : vector<4096x1xf32> to vector<4096x128xf32>
    %mul3A_189 = vector.broadcast %get3A_187 : vector<1x128xf32> to vector<4096x128xf32>
    %mul3A_190 = arith.mulf %mul3A_188, %mul3A_189 : vector<4096x128xf32>
    %add3A_191 = arith.addf %get3A_179, %mul3A_190 : vector<4096x128xf32>
    %mul3A_192 = vector.broadcast %concatenate3A : vector<1x128xf32> to vector<4096x128xf32>
    %mul3A_193 = arith.mulf %add3A_191, %mul3A_192 : vector<4096x128xf32>
    %add3A_194 = vector.broadcast %concatenate3A_23 : vector<1x128xf32> to vector<4096x128xf32>
    %add3A_195 = arith.addf %mul3A_193, %add3A_194 : vector<4096x128xf32>
    %max3A_196 = arith.constant 0.000000e+00 : f32
    %max3A_197 = vector.broadcast %max3A_196 : f32 to vector<4096x128xf32>
    %max3A_198 = arith.maximumf %add3A_195, %max3A_197 : vector<4096x128xf32>
    %add3A_199 = arith.addf %add3A_174, %max3A_198 : vector<4096x128xf32>
    %get3A_200 = arith.constant 7 : index
    %get3A_201 = arith.constant 0 : index
    %get3A_202 = arith.constant 0 : index
    %get3A_203 = vector.load %arg0[%get3A_200, %get3A_201, %get3A_202] : memref<8x4096x128xf32, #tpu.memory_space<vmem>>, vector<1x4096x128xf32>
    %get3A_204 = vector.shape_cast %get3A_203 : vector<1x4096x128xf32> to vector<4096x128xf32>
    %get3A_205 = arith.constant 7 : index
    %get3A_206 = arith.constant 0 : index
    %get3A_207 = vector.load %arg1[%get3A_205, %get3A_206] : memref<8x4096xf32, #tpu.memory_space<vmem>>, vector<1x4096xf32>
    %get3A_208 = vector.shape_cast %get3A_207 : vector<1x4096xf32> to vector<4096xf32>
    %broadcast_in_dim3A_209 = vector.shape_cast %get3A_208 : vector<4096xf32> to vector<4096x1xf32>
    %get3A_210 = arith.constant 0 : index
    %get3A_211 = arith.constant 0 : index
    %get3A_212 = vector.load %arg2[%get3A_210, %get3A_211] : memref<1x128xf32, #tpu.memory_space<vmem>>, vector<1x128xf32>
    %mul3A_213 = vector.broadcast %broadcast_in_dim3A_209 : vector<4096x1xf32> to vector<4096x128xf32>
    %mul3A_214 = vector.broadcast %get3A_212 : vector<1x128xf32> to vector<4096x128xf32>
    %mul3A_215 = arith.mulf %mul3A_213, %mul3A_214 : vector<4096x128xf32>
    %add3A_216 = arith.addf %get3A_204, %mul3A_215 : vector<4096x128xf32>
    %mul3A_217 = vector.broadcast %concatenate3A : vector<1x128xf32> to vector<4096x128xf32>
    %mul3A_218 = arith.mulf %add3A_216, %mul3A_217 : vector<4096x128xf32>
    %add3A_219 = vector.broadcast %concatenate3A_23 : vector<1x128xf32> to vector<4096x128xf32>
    %add3A_220 = arith.addf %mul3A_218, %add3A_219 : vector<4096x128xf32>
    %max3A_221 = arith.constant 0.000000e+00 : f32
    %max3A_222 = vector.broadcast %max3A_221 : f32 to vector<4096x128xf32>
    %max3A_223 = arith.maximumf %add3A_220, %max3A_222 : vector<4096x128xf32>
    %add3A_224 = arith.addf %add3A_199, %max3A_223 : vector<4096x128xf32>
    %slice3A_225 = vector.extract_strided_slice %add3A_224 {offsets = [0, 0], sizes = [4096, 64], strides = [1, 1]} : vector<4096x128xf32> to vector<4096x64xf32>
    %mul3A_226 = arith.constant 1.250000e-01 : f32
    %mul3A_227 = vector.broadcast %mul3A_226 : f32 to vector<4096x64xf32>
    %mul3A_228 = arith.mulf %slice3A_225, %mul3A_227 : vector<4096x64xf32>
    %get3A_229 = arith.constant 0 : index
    %get3A_230 = arith.constant 0 : index
    %get3A_231 = vector.load %arg6[%get3A_229, %get3A_230] : memref<4096x64xf32, #tpu.memory_space<vmem>>, vector<4096x64xf32>
    %add3A_232 = arith.addf %mul3A_228, %get3A_231 : vector<4096x64xf32>
    %get3A_233 = arith.constant 0 : index
    %get3A_234 = arith.constant 0 : index
    %get3A_235 = vector.load %arg7[%get3A_233, %get3A_234] : memref<64x64xf32, #tpu.memory_space<vmem>>, vector<64x64xf32>
    %dot_general3A = arith.constant dense<0.000000e+00> : vector<4096x64xf32>
    %dot_general3A_236 = tpu.matmul %add3A_232, %get3A_235, %dot_general3A {dimension_numbers = #tpu.dot_dimension_numbers<[1], [0], [0], [1], [0, 0, 1, 1], [], []>, transpose_lhs_hint = false} : vector<4096x64xf32>, vector<64x64xf32>, vector<4096x64xf32> -> vector<4096x64xf32>
    %get3A_237 = arith.constant 0 : index
    %get3A_238 = arith.constant 0 : index
    %get3A_239 = vector.load %arg8[%get3A_237, %get3A_238] : memref<1x64xf32, #tpu.memory_space<vmem>>, vector<1x64xf32>
    %add3A_240 = vector.broadcast %get3A_239 : vector<1x64xf32> to vector<4096x64xf32>
    %add3A_241 = arith.addf %dot_general3A_236, %add3A_240 : vector<4096x64xf32>
    %swap3A = arith.constant 0 : index
    %swap3A_242 = arith.constant 0 : index
    %swap3A_243 = vector.load %arg9[%swap3A, %swap3A_242] : memref<4096x64xf32, #tpu.memory_space<vmem>>, vector<4096x64xf32>
    tpu.vector_store %arg9[%swap3A, %swap3A_242], %add3A_241 {strides = array<i32>} : memref<4096x64xf32, #tpu.memory_space<vmem>>, vector<4096x64xf32>,
    return
  }
}

</mosaic_0001>

<sc_bundles>
// kernel: gather_offload_async_start.1
scs
__scs_entry_jumppad:
0x0: {  	(pc) =	sbr.rel $0x88, $3  }
0x1: {  	(tag) =	ssettag $0x0;
	lr =	simm.s32 $0x1  }
0x2: {  	[smem:$0x3F95] =	sst lr;
	_ =	strace $0xD0000000  }
0x3: {  	_ = 	snop  }
0x4: {  	_ = 	snop  }
0x5: {  	_ = 	snop  }
0x6: {  	_ = 	snop  }
0x7: {  	_ = 	snop  }
__scs_overlays_trampoline_lowered:
0x8: {  	[smem:$0x3FA4] =	sst s0  }
0x9: {  	[smem:$0x3FA5] =	sst s1  }
0xa: {  	[smem:$0x3FA6] =	sst s2  }
0xb: {  	[smem:$0x3FA7] =	sst s3  }
0xc: {  	[smem:$0x3FA8] =	sst s4  }
0xd: {  	[smem:$0x3FA9] =	sst s5  }
0xe: {  	[smem:$0x3FAA] =	sst s6  }
0xf: {  	[smem:$0x3FAB] =	sst s7  }
0x10: {  	[smem:$0x3FAC] =	sst s8  }
0x11: {  	[smem:$0x3FAD] =	sst s9;
	s0 =	simm.s32 @!p0 $0x0  }
0x12: {  	s1 =	sld [smem:$0x3F93];
	s0 =	simm.s32 @p0 $0x1  }
0x13: {  	[smem:$0x3FAE] =	sst s0;
	s0 =	simm.s32 @!p1 $0x0  }
0x14: {  	s2 =	sld [smem:$0x3F92];
	s0 =	simm.s32 @p1 $0x1  }
0x15: {  	[smem:$0x3FAF] =	sst s0;
	s0 =	simm.s32 @!p2 $0x0  }
0x16: {  	s3 =	sld [smem:$0x3FDB];
	s0 =	simm.s32 @p2 $0x1  }
0x17: {  	s4 =	simm.s32 $0x1BF5;
	[smem:$0x3FB1] =	sst s0  }
0x18: {  	s0 =	sld [smem:$0x3F94];
	_ =	swait.ge [sflag:s4], $0x0  }
0x19: {  	s7 =	sld [smem:$0x3F95]  }
0x1a: {  	s8 =	sadd.s32 $0xFFFFE003, lr  }
0x1b: {  	s9 =	sadd.s32 $0xFFFFFEF7, lr;
	s5 =	simm.s32 $0xFFFFFFFF;
	p2 =	slt.u32 s8, $0xFFFFF086  }
0x1c: {  	p1 =	slt.u32 s9, $0xF7A;
	s5 =	simm.s32 @!p2 $0x0  }
0x1d: {  	s5 =	simm.s32 @p1 $0x1;
	p0 =	seq.s32 s7, s2  }
0x1e: {  	s7 =	smul.u32 @!p0 $0xF7A, s2;
	p2 =	seq.s32 @!p0 s5, $0x0  }
0x1f: {  	s9 =	smul.u32 $0xF7A, s1;
	s8 =	simm.s32 @!p0 $0x1BF5;
	p2 =	por !p2, p0  }
0x20: {  	[sflag:s8] =	ssyncset.s32 @!p0 $0xFFFFF086;
	s6 =	sadd.s32 @!p0 s3, s7;
	s7 =	simm.s32 @!p0 $0x108  }
0x21: {  	s3 =	sadd.s32 s3, s9;
	s6 =	sadd.s32 @!p0 $0x88, s6;
	s7 =	simm.s32 @p2 $0x1082  }
0x22: {  	[simem:s7], [sflag:s8] =	dma.local @!p0 [hbm:s6], $0xF7A  }
0x23: {  	s9 =	sor.u32 $0xD0000000, s2;
	s6 =	simm.s32 $0x108;
	_ =	swait.ge @!p0 [sflag:s8], $0x0  }
0x24: {  	s3 =	sadd.s32 $0x88, s3;
	s6 =	simm.s32 @!p1 $0x1082;
	[sflag:s4] =	ssyncset.s32 $0xFFFFF086  }
0x25: {  	[simem:s6], [sflag:s4] =	dma.local [hbm:s3], $0xF7A  }
0x26: {  	[smem:$0x3F95] =	sst s1;
	(tag) =	ssettag s2;
	_ =	strace s9  }
0x27: {  	s1 =	sld [smem:$0x3FA5]  }
0x28: {  	s2 =	sld [smem:$0x3FA6]  }
0x29: {  	s4 =	sld [smem:$0x3FA8]  }
0x2a: {  	p0 =	seq.s32 s5, $0x0;
	s5 =	sld [smem:$0x3FA9]  }
0x2b: {  	s6 =	sld [smem:$0x3FAA]  }
0x2c: {  	s7 =	sld [smem:$0x3FAB]  }
0x2d: {  	s3 =	simm.s32 $0x108;
	s8 =	sld [smem:$0x3FAC]  }
0x2e: {  	s3 =	simm.s32 @!p0 $0x1082;
	s9 =	sld [smem:$0x3FAD]  }
0x2f: {  	lr =	sadd.s32 s0, s3;
	s0 =	sld [smem:$0x3FA4]  }
0x30: {  	s3 =	sld [smem:$0x3FA7]  }
0x31: {  	[smem:$0x3FB0] =	sst s10  }
0x32: {  	s10 =	sld [smem:$0x3FAE];
	_ =	sdelay $0x3  }
0x33: {  	p0 =	seq.s32 s10, $0x1;
	s10 =	sld [smem:$0x3FB0];
	_ =	sdelay $0x3  }
0x34: {  	[smem:$0x3FB0] =	sst s10  }
0x35: {  	s10 =	sld [smem:$0x3FAF];
	_ =	sdelay $0x3  }
0x36: {  	p1 =	seq.s32 s10, $0x1;
	s10 =	sld [smem:$0x3FB0];
	_ =	sdelay $0x3  }
0x37: {  	[smem:$0x3FB0] =	sst s10  }
0x38: {  	s10 =	sld [smem:$0x3FB1]  }
0x39: {  	_ = 	snop;
	(pc) =	sbr.ind lr, $3  }
0x3a: {  	_ = 	snop  }
0x3b: {  	_ = 	snop  }
0x3c: {  	p2 =	seq.s32 s10, $0x1;
	s10 =	sld [smem:$0x3FB0]  }
0x3d: {  	_ =	shalt  }
0x3e: {  	_ =	shalt  }
0x3f: {  	_ =	shalt  }
0x40: {  	_ =	shalt  }
0x41: {  	_ =	shalt  }
0x42: {  	_ =	shalt  }
0x43: {  	_ =	shalt  }
0x44: {  	_ =	shalt  }
0x45: {  	_ =	shalt  }
0x46: {  	_ =	shalt  }
0x47: {  	_ =	shalt  }
0x48: {  	_ =	shalt  }
0x49: {  	_ =	shalt  }
0x4a: {  	_ =	shalt  }
0x4b: {  	_ =	shalt  }
0x4c: {  	_ =	shalt  }
0x4d: {  	_ =	shalt  }
0x4e: {  	_ =	shalt  }
0x4f: {  	_ =	shalt  }
0x50: {  	_ =	shalt  }
0x51: {  	_ =	shalt  }
0x52: {  	_ =	shalt  }
0x53: {  	_ =	shalt  }
0x54: {  	_ =	shalt  }
0x55: {  	_ =	shalt  }
0x56: {  	_ =	shalt  }
0x57: {  	_ =	shalt  }
0x58: {  	_ =	shalt  }
0x59: {  	_ =	shalt  }
0x5a: {  	_ =	shalt  }
0x5b: {  	_ =	shalt  }
0x5c: {  	_ =	shalt  }
0x5d: {  	_ =	shalt  }
0x5e: {  	_ =	shalt  }
0x5f: {  	_ =	shalt  }
0x60: {  	_ =	shalt  }
0x61: {  	_ =	shalt  }
0x62: {  	_ =	shalt  }
0x63: {  	_ =	shalt  }
0x64: {  	_ =	shalt  }
0x65: {  	_ =	shalt  }
0x66: {  	_ =	shalt  }
0x67: {  	_ =	shalt  }
0x68: {  	_ =	shalt  }
0x69: {  	_ =	shalt  }
0x6a: {  	_ =	shalt  }
0x6b: {  	_ =	shalt  }
0x6c: {  	_ =	shalt  }
0x6d: {  	_ =	shalt  }
0x6e: {  	_ =	shalt  }
0x6f: {  	_ =	shalt  }
0x70: {  	_ =	shalt  }
0x71: {  	_ =	shalt  }
0x72: {  	_ =	shalt  }
0x73: {  	_ =	shalt  }
0x74: {  	_ =	shalt  }
0x75: {  	_ =	shalt  }
0x76: {  	_ =	shalt  }
0x77: {  	_ =	shalt  }
0x78: {  	_ =	shalt  }
0x79: {  	_ =	shalt  }
0x7a: {  	_ =	shalt  }
0x7b: {  	_ =	shalt  }
0x7c: {  	_ =	shalt  }
0x7d: {  	_ =	shalt  }
0x7e: {  	_ =	shalt  }
0x7f: {  	_ =	shalt  }
0x80: {  	_ =	shalt  }
0x81: {  	_ =	shalt  }
0x82: {  	_ =	shalt  }
0x83: {  	_ =	shalt  }
0x84: {  	_ =	shalt  }
0x85: {  	_ =	shalt  }
0x86: {  	_ =	shalt  }
0x87: {  	_ =	shalt  }
.Lfunc_end0:
.L_simem_size_0:
called_computation.1_lowered:
.L_overlay_start_0:
0x88: {  	s2 =	sld [smem:$0x3FD9]  }
0x89: {  	s3 =	sld [smem:$0x3FFE];
	_ =	sdelay $0x1  }
0x8a: {  	s1 =	srdreg.scid  }
0x8b: {  	s0 =	sand.u32 $0x1, s1  }
0x8c: {  	s14 =	sshll.u32 s0, $0xA;
	s2 =	sadd.s32 s3, s2  }
0x8d: {  	s2 =	sadd.s32 s2, s14  }
0x8e: {  	[smem:$0x3FBC] =	sst s2  }
0x8f: {  	_ = 	snop  }
0x90: {  	s2 =	sld [smem:$0x3FD0];
	_ =	sdelay $0x2  }
0x91: {  	s15 =	simm.s32 $0xB;
	s4 =	simm.s32 $0x10  }
0x92: {  	[smem:s4], [sflag:s15] =	dma.local [hbm:s2], $0x1  }
0x93: {  	_ =	swait.eq [sflag:s15], $0x1  }
0x94: {  	[sflag:s15] =	ssyncset.done $0x0  }
0x95: {  	[sflag:s15] =	ssyncadd.s32 $0xFFFFFFFF  }
0x96: {  	s16 =	sld [smem:$0x10];
	(tm) =	ssettm $0x1  }
0x97: {  	s17 =	sld [smem:$0x3FFB];
	_ =	sdelay $0x3  }
0x98: {  	_ =	strace s17  }
0x99: {  	s3 =	sld [smem:$0x3FFC];
	_ =	sdelay $0x3  }
0x9a: {  	_ =	strace s3  }
0x9b: {  	s3 =	sld [smem:$0x3FFD];
	_ =	sdelay $0x3  }
0x9c: {  	_ =	strace s3  }
0x9d: {  	_ =	strace $0x8FFFFFFF  }
0x9e: {  	s18 =	sld [smem:$0x3FDB];
	_ =	sdelay $0x1  }
0x9f: {  	s19 =	simm.s32 $_scs_section_size  }
0xa0: {  	s5 =	simm.s32 $_size__tile_overlayer_lowered;
	s6 =	simm.s32 $_tile_overlayer_lowered  }
0xa1: {  	s22 =	simm.s32 $0x1BFF;
	s21 =	sshll.u32 s6, $0x1;
	s3 =	sadd.s32 s19, s18  }
0xa2: {  	s7 =	simm.s32 $0x0;
	s20 =	sshll.u32 s5, $0x1;
	s5 =	sadd.s32 s21, s3  }
0xa3: {  	[timem:s7], [sflag:s22] =	dma.local [hbm:s5], s20  }
0xa4: {  	_ =	swait.ge [sflag:s22], s20  }
0xa5: {  	s4 =	ssub.s32 $0x0, s20;
	[sflag:s22] =	ssyncset.done $0x0  }
0xa6: {  	[sflag:s22] =	ssyncadd.s32 s4;
	_ =	sdelay $0x1  }
0xa7: {  	s23 =	simm.s32 $0x1B8B  }
0xa8: {  	_ =	swait.ge [sflag:s23], $0x1  }
0xa9: {  	[sflag:s23] =	ssyncset.done $0x0  }
0xaa: {  	s25 =	simm.s32 $0x1B8E;
	s24 =	sld [smem:$0x3FFE];
	[sflag:s23] =	ssyncadd.s32 $0xFFFFFFFF  }
0xab: {  	s26 =	simm.s32 $execute0_lowered;
	[smem:$0x3FD2] =	sst s25  }
0xac: {  	s5 =	sshll.u32 s26, $0x1;
	_ =	strace $0x8000004C;
	[dreg:$0x1] =	wrdreg $0xFFFFFFFF  }
0xad: {  	s28 =	simm.s32 $_size_execute0_lowered;
	s3 =	sadd.s32 s3, s5;
	[dreg:$0x0] =	wrdreg $0x0  }
0xae: {  	s5 =	sshll.u32 s28, $0x1;
	[dreg:$0x2] =	wrdreg s3  }
0xaf: {  	[dreg:$0x3] =	wrdreg s5  }
0xb0: {  	[dreg:$0x4] =	wrdreg $0xC0  }
0xb1: {  	_ =	task [dreg:s7], $0x5FFFF  }
0xb2: {  	[dreg:$0x1] =	wrdreg $0xFFFFFFFF  }
0xb3: {  	[dreg:$0x0] =	wrdreg $0x60  }
0xb4: {  	[dreg:$0x2] =	wrdreg s24  }
0xb5: {  	[dreg:$0x3] =	wrdreg s16  }
0xb6: {  	[dreg:$0x4] =	wrdreg $0x9  }
0xb7: {  	_ =	task.clear_ibuf [dreg:s7], $0x5FFFF;
	_ =	strace $0x9000004C  }
0xb8: {  	s29 =	simm.s32 $0x9;
	_ =	strace $0x8000004E  }
0xb9: {  	_ =	swait.ge [sflag:s29], $0x1  }
0xba: {  	[sflag:s29] =	ssyncadd.s32 $0xFFFFFFFF  }
0xbb: {  	_ =	strace $0x9000004E  }
0xbc: {  	_ =	sfence  }
0xbd: {  	s30 =	sld [smem:$0x0];
	_ =	sdelay $0x2  }
0xbe: {  	s31 =	sshll.u32 s1, $0xD;
	s1 =	sshrl.u32 s1, $0x2  }
0xbf: {  	s3 =	sand.u32 $0x4000, s31;
	s1 =	sadd.s32 s1, s30  }
0xc0: {  	s0 =	sor.u32 s3, s0;
	s1 =	sshll.u32 s1, $0x11  }
0xc1: {  	s0 =	sor.u32 s1, s0  }
0xc2: {  	s0 =	sadd.s32 $0x8F2B, s0  }
0xc3: {  	[sflag:s0] =	ssyncadd.remote.s32 $0x1  }
0xc4: {  	_ =	sfence.sel $0xFFFF  }
0xc5: {  	[dreg:$0x0] =	wrdreg $0xFFFFFFFF;
	(pc) =	sbr.abs _section_cstart, $3  }
0xc6: {  	[dreg:$0x1] =	wrdreg $0xFFFFFFFF  }
0xc7: {  	_ =	task.clear_ibuf [dreg:s7], $0x2FFFF;
	_ =	strace $0x9FFFFFFF  }
0xc8: {  	(tm) =	ssettm $0x7FFFFFFF  }
0xc9: {  	_ =	shalt  }
tec
execute0_lowered:
.L_overlay_start_1:
0x0: {  	(tag) =	ssettag $0x1  }
0x1: {  	s1 =	srdreg.scid;
	s5 =	rddreg [dreg:$0x0]  }
0x2: {  	s0 =	stileid.u32;
	s2 =	rddreg [dreg:$0x1];
	s6 =	simm.s32 $0x1  }
0x3: {  	s9 =	simm.s32 $0x1;
	s10 =	simm.s32 $0x3;
	s1 =	sshll.u32 s1, $0x9  }
0x4: {  	s13 =	simm.s32 $0x0;
	s3 =	sshll.u32 s0, $0xA;
	s4 =	sand.u32 $0x200, s1  }
0x5: {  	s12 =	simm.s32 $0x0;
	s1 =	rddreg [dreg:$0x2];
	s3 =	sor.u32 s3, s4  }
0x6: {  	_ =	strace $0x8000004D;
	s4 =	sadd.s32 $0x3000, s5;
	s8 =	ssub.s32 $0x8000, s3  }
.Ltmp0:
0x7: {  	s5 =	sadd.s32 $0x8A0A00, s5;
	s7 =	sand.u32 $0x3E00, s8;
	(pc) =	sbr.rel .LBB2_1-.Ltmp0, $4  }
0x8: {  	[sflag:s6] =	ssyncpa.u1 $0x0;
	s11 =	smov.u32 s3;
	p0 =	sne.s32 s7, $0x0  }
0x9: {  	s8 =	sshrl.u32 s8, $0xE;
	s7 =	simm.s32 $0x2;
	s9 =	simm.s32 @!p0 $0x0  }
0xa: {  	[sflag:s7] =	ssyncpa.u1 $0x0;
	p0 =	por $0x0, $0x0;
	s8 =	sadd.s32 s9, s8  }
0xb: {  	vm0 =	vmmov $0xffff;
	[sflag:s10] =	ssyncpa.u1 $0x0;
	s10 =	simm.s32 $0x0;
	s9 =	sadd.s32 $0x1, s8  }
.LBB2_4:
0xc: {  	v2 =	vnsel vm1, $0x0, v2  }
0xd: {  	vm1 =	vgt.s32 v0, $0x0;
	v2 =	vmin.u32 v2, $0x9488F  }
0xe: {  	v0 =	vnsel vm1, $0x0, v0  }
0xf: {  	v0 =	vmin.u32 v0, $0x9488F  }
0x10: {  	[tilespmem:s15], [sflag:$0x1] =	stream.indirect_vreg.gather [hbm4b:s4+s10], $0x1, v1, vm0, $0x4038;
	[tilespmem:$0x800] =	vst v63  }
0x11: {  	(ifvalue) =	ssetifvalue $0x7FFFFFFF  }
0x12: {  	[tilespmem:s16], [sflag:$0x1] =	stream.indirect_vreg.gather [hbm4b:s4+s10], $0x1, v2, vm0, $0x4038;
	[tilespmem:$0x800] =	vst v63  }
0x13: {  	s29 =	sadd.s32 $0x10, s16;
	(ifvalue) =	ssetifvalue $0x7FFFFFFF  }
0x14: {  	[tilespmem:s29], [sflag:$0x1] =	stream.indirect_vreg.gather [hbm4b:s4+s10], $0x1, v0, vm0, $0x4038;
	[tilespmem:$0x800] =	vst v63  }
0x15: {  	_ =	swait.ge [sflag:s6], $0x200  }
0x16: {  	s30 =	sshrl.u32 s13, $0x3;
	[sflag:s6] =	ssyncset.done $0x0  }
0x17: {  	s31 =	sand.u32 $0x7, s13;
	s15 =	sadd.s32 s5, s30;
	[sflag:s6] =	ssyncadd.s32 $0xFFFFFE00  }
0x18: {  	[hbm4b:s15+s31] =	stream.linear.scatter [tilespmem:s14], [sflag:$0x3], $0x200, $0x38;
	[tilespmem:$0x800] =	vst v63  }
.LBB2_5:
0x19: {  	s15 =	sadd.s32 $0x4000, s11  }
0x1a: {  	p2 =	sgt.s32 s15, $0x7FFF  }
0x1b: {  	s15 =	smov.u32 @p2 s3;
	p2 =	sne.s32 s12, s9  }
.Ltmp1:
0x1c: {  	p1 =	slt.u32 s12, $0x2;
	(pc) =	sbr.rel @!p2 .LBB2_6-.Ltmp1, $4  }
0x1d: {  	s14 =	simm.s32 @!p1 $0x3  }
0x1e: {  	s16 =	sadd.s32 $0x1, s12;
	_ =	swait.ge @!p1 [sflag:s14], $0x200  }
0x1f: {  	s13 =	smov.u32 s11;
	p0 =	por !p0, !p0;
	[sflag:s14] =	ssyncset.done @!p1 $0x0  }
0x20: {  	s12 =	smov.u32 s16;
	s11 =	smov.u32 s15;
	[sflag:s14] =	ssyncadd.s32 @!p1 $0xFFFFFE00  }
.LBB2_1:
0x21: {  	p1 =	sge.u32 s12, s8  }
0x22: {  	s14 =	sxor.u32 @!p1 $0xFFFFFFFF, s12  }
0x23: {  	s31 =	sadd.s32 $0xFFFFFFFF, s12;
	s15 =	sshrl.u32 @!p1 s11, $0x3;
	s14 =	sshll.u32 @!p1 s14, $0x9  }
0x24: {  	s16 =	sand.u32 @!p1 $0x7, s11;
	s15 =	sadd.s32 @!p1 s2, s15;
	s14 =	sand.u32 @!p1 $0x200, s14  }
0x25: {  	[tilespmem:s14], [sflag:$0x2] =	stream.linear.gather @!p1 [hbm4b:s15+s16], $0x200, $0x38;
	[tilespmem:$0x800] =	vst v63  }
0x26: {  	p1 =	sge.u32 s31, s8  }
.Ltmp2:
0x27: {  	_ = 	snop;
	(pc) =	sbr.rel @p1 .LBB2_5-.Ltmp2, $1  }
0x28: {  	_ =	sdelay $0x3  }
0x29: {  	s14 =	simm.s32 $0x1  }
0x2a: {  	_ =	swait.ge [sflag:s7], $0x200;
	s14 =	simm.s32 @!p0 $0x0  }
0x2b: {  	[sflag:s7] =	ssyncset.done $0x0;
	s14 =	sshll.u32 s14, $0x9  }
0x2c: {  	[sflag:s7] =	ssyncadd.s32 $0xFFFFFE00;
	(ifvalue) =	ssetifvalue $0x7FFFFFFF;
	v0 =	vld.msk [tilespmem:s14+$0x0 ss:$0x1], $0xffff;
	_ =	sdelay $0x4  }
0x2d: {  	s15 =	sadd.s32 $0x10, s14;
	vm1 =	vgt.s32 v0, $0x0  }
0x2e: {  	v2 =	vld.msk [tilespmem:s15+$0x0 ss:$0x1], $0xffff;
	v1 =	vnsel vm1, $0x0, v0  }
0x2f: {  	v1 =	vmin.u32 v1, $0x9488F;
	_ =	sdelay $0x1  }
0x30: {  	s16 =	sshll.u32 s12, $0x9;
	s18 =	simm.s32 $0x20  }
0x31: {  	s16 =	sand.u32 $0x200, s16;
	s17 =	sadd.s32 $0x10, s15;
	s15 =	sor.u32 $0x400, s14  }
0x32: {  	s14 =	sor.u32 $0x400, s16;
	s16 =	sadd.s32 $0x10, s15;
	v0 =	vld.msk [tilespmem:s17+$0x0 ss:$0x1], $0xffff;
	vm1 =	vgt.s32 v2, $0x0;
	(ifvalue) =	ssetifvalue $0x7FFFFFFF  }
.LBB2_3:
0x33: {  	[tilespmem:s15], [sflag:$0x1] =	stream.indirect_vreg.gather [hbm4b:s4+s10], $0x1, v1, vm0, $0x4038;
	[tilespmem:$0x800] =	vst v63  }
0x34: {  	s18 =	sadd.s32 $0x10, s18  }
0x35: {  	v2 =	vnsel vm1, $0x0, v2;
	p1 =	slt.u32 s18, $0x1F0  }
.Ltmp3:
0x36: {  	s15 =	smov.u32 s16;
	v1 =	vmin.u32 v2, $0x9488F;
	(pc) =	sbr.rel @p1 .LBB2_3-.Ltmp3, $3  }
0x37: {  	_ =	sdelay $0x1  }
0x38: {  	s17 =	sadd.s32 $0x10, s17  }
0x39: {  	vm1 =	vgt.s32 v0, $0x0;
	s16 =	sadd.s32 $0x10, s16;
	v2 =	vmov v0;
	(ifvalue) =	ssetifvalue $0x7FFFFFFF;
	v0 =	vld.msk [tilespmem:s17+$0x0 ss:$0x1], $0xffff  }
.Ltmp4:
0x3a: {  	_ = 	snop;
	(pc) =	sbr.rel .LBB2_4-.Ltmp4, $1  }
0x3b: {  	_ =	sdelay $0x3  }
.LBB2_6:
0x3c: {  	_ =	sfence.sel $0x180000  }
0x3d: {  	s2 =	simm.s32 $0x2;
	[bflag:$0x0] =	sbarrier.arrive $0xFFFF  }
0x3e: {  	s30 =	simm.s32 $0x3;
	[sflag:s2] =	ssyncpa.u1 $0x1  }
0x3f: {  	s31 =	simm.s32 $0x1;
	[sflag:s30] =	ssyncpa.u1 $0x1  }
0x40: {  	[sflag:s31] =	ssyncpa.u1 $0x1  }
0x41: {  	p0 =	sne.s32 s0, $0x0;
	_ =	strace $0x9000004D  }
0x42: {  	s0 =	sadd.s32 @!p0 $0x100000, s1;
	[bflag:$0x2] =	sbarrier.arrive $0xFFFF  }
0x43: {  	[sflag:s0] =	ssyncadd.tile.s32 @!p0 $0x1;
	_ =	shalt  }
.Lfunc_end2:
_tile_overlayer_lowered:
.L_overlay_start_2:
0x44: {  	(tag) =	ssettag $0x2  }
0x45: {  	s0 =	rddreg [dreg:$0x0];
	s2 =	stileid.u32  }
0x46: {  	s1 =	rddreg [dreg:$0x1];
	p0 =	sne.s32 s2, $0x0  }
0x47: {  	s3 =	rddreg [dreg:$0x2];
	[bflag:$0x3] =	sbarrier.arrive $0xFFFF;
	s2 =	simm.s32 @!p0 $0x1C01  }
0x48: {  	[timem:s3], [sflag:s2] =	dma.local @!p0 [hbm:s0], s1  }
0x49: {  	s0 =	simm.s32 @!p0 $0x1  }
0x4a: {  	_ =	swait.ge @!p0 [sflag:s0], s1  }
0x4b: {  	s1 =	ssub.s32 @!p0 $0x0, s1;
	[sflag:s0] =	ssyncset.done @!p0 $0x0  }
0x4c: {  	[sflag:s0] =	ssyncadd.s32 @!p0 s1  }
0x4d: {  	[bflag:$0x3] =	sbarrier.arrive $0xFFFF  }
0x4e: {  	_ =	shalt  }

// kernel: gather_offload_async_start
scs
__scs_entry_jumppad:
0x0: {  	(pc) =	sbr.rel $0x88, $3  }
0x1: {  	(tag) =	ssettag $0x0;
	lr =	simm.s32 $0x1  }
0x2: {  	[smem:$0x3F95] =	sst lr;
	_ =	strace $0xD0000000  }
0x3: {  	_ = 	snop  }
0x4: {  	_ = 	snop  }
0x5: {  	_ = 	snop  }
0x6: {  	_ = 	snop  }
0x7: {  	_ = 	snop  }
__scs_overlays_trampoline_lowered:
0x8: {  	[smem:$0x3FA4] =	sst s0  }
0x9: {  	[smem:$0x3FA5] =	sst s1  }
0xa: {  	[smem:$0x3FA6] =	sst s2  }
0xb: {  	[smem:$0x3FA7] =	sst s3  }
0xc: {  	[smem:$0x3FA8] =	sst s4  }
0xd: {  	[smem:$0x3FA9] =	sst s5  }
0xe: {  	[smem:$0x3FAA] =	sst s6  }
0xf: {  	[smem:$0x3FAB] =	sst s7  }
0x10: {  	[smem:$0x3FAC] =	sst s8  }
0x11: {  	[smem:$0x3FAD] =	sst s9;
	s0 =	simm.s32 @!p0 $0x0  }
0x12: {  	s1 =	sld [smem:$0x3F93];
	s0 =	simm.s32 @p0 $0x1  }
0x13: {  	[smem:$0x3FAE] =	sst s0;
	s0 =	simm.s32 @!p1 $0x0  }
0x14: {  	s2 =	sld [smem:$0x3F92];
	s0 =	simm.s32 @p1 $0x1  }
0x15: {  	[smem:$0x3FAF] =	sst s0;
	s0 =	simm.s32 @!p2 $0x0  }
0x16: {  	s3 =	sld [smem:$0x3FDB];
	s0 =	simm.s32 @p2 $0x1  }
0x17: {  	s4 =	simm.s32 $0x1BF5;
	[smem:$0x3FB1] =	sst s0  }
0x18: {  	s0 =	sld [smem:$0x3F94];
	_ =	swait.ge [sflag:s4], $0x0  }
0x19: {  	s7 =	sld [smem:$0x3F95]  }
0x1a: {  	s8 =	sadd.s32 $0xFFFFE003, lr  }
0x1b: {  	s9 =	sadd.s32 $0xFFFFFEF7, lr;
	s5 =	simm.s32 $0xFFFFFFFF;
	p2 =	slt.u32 s8, $0xFFFFF086  }
0x1c: {  	p1 =	slt.u32 s9, $0xF7A;
	s5 =	simm.s32 @!p2 $0x0  }
0x1d: {  	s5 =	simm.s32 @p1 $0x1;
	p0 =	seq.s32 s7, s2  }
0x1e: {  	s7 =	smul.u32 @!p0 $0xF7A, s2;
	p2 =	seq.s32 @!p0 s5, $0x0  }
0x1f: {  	s9 =	smul.u32 $0xF7A, s1;
	s8 =	simm.s32 @!p0 $0x1BF5;
	p2 =	por !p2, p0  }
0x20: {  	[sflag:s8] =	ssyncset.s32 @!p0 $0xFFFFF086;
	s6 =	sadd.s32 @!p0 s3, s7;
	s7 =	simm.s32 @!p0 $0x108  }
0x21: {  	s3 =	sadd.s32 s3, s9;
	s6 =	sadd.s32 @!p0 $0x88, s6;
	s7 =	simm.s32 @p2 $0x1082  }
0x22: {  	[simem:s7], [sflag:s8] =	dma.local @!p0 [hbm:s6], $0xF7A  }
0x23: {  	s9 =	sor.u32 $0xD0000000, s2;
	s6 =	simm.s32 $0x108;
	_ =	swait.ge @!p0 [sflag:s8], $0x0  }
0x24: {  	s3 =	sadd.s32 $0x88, s3;
	s6 =	simm.s32 @!p1 $0x1082;
	[sflag:s4] =	ssyncset.s32 $0xFFFFF086  }
0x25: {  	[simem:s6], [sflag:s4] =	dma.local [hbm:s3], $0xF7A  }
0x26: {  	[smem:$0x3F95] =	sst s1;
	(tag) =	ssettag s2;
	_ =	strace s9  }
0x27: {  	s1 =	sld [smem:$0x3FA5]  }
0x28: {  	s2 =	sld [smem:$0x3FA6]  }
0x29: {  	s4 =	sld [smem:$0x3FA8]  }
0x2a: {  	p0 =	seq.s32 s5, $0x0;
	s5 =	sld [smem:$0x3FA9]  }
0x2b: {  	s6 =	sld [smem:$0x3FAA]  }
0x2c: {  	s7 =	sld [smem:$0x3FAB]  }
0x2d: {  	s3 =	simm.s32 $0x108;
	s8 =	sld [smem:$0x3FAC]  }
0x2e: {  	s3 =	simm.s32 @!p0 $0x1082;
	s9 =	sld [smem:$0x3FAD]  }
0x2f: {  	lr =	sadd.s32 s0, s3;
	s0 =	sld [smem:$0x3FA4]  }
0x30: {  	s3 =	sld [smem:$0x3FA7]  }
0x31: {  	[smem:$0x3FB0] =	sst s10  }
0x32: {  	s10 =	sld [smem:$0x3FAE];
	_ =	sdelay $0x3  }
0x33: {  	p0 =	seq.s32 s10, $0x1;
	s10 =	sld [smem:$0x3FB0];
	_ =	sdelay $0x3  }
0x34: {  	[smem:$0x3FB0] =	sst s10  }
0x35: {  	s10 =	sld [smem:$0x3FAF];
	_ =	sdelay $0x3  }
0x36: {  	p1 =	seq.s32 s10, $0x1;
	s10 =	sld [smem:$0x3FB0];
	_ =	sdelay $0x3  }
0x37: {  	[smem:$0x3FB0] =	sst s10  }
0x38: {  	s10 =	sld [smem:$0x3FB1]  }
0x39: {  	_ = 	snop;
	(pc) =	sbr.ind lr, $3  }
0x3a: {  	_ = 	snop  }
0x3b: {  	_ = 	snop  }
0x3c: {  	p2 =	seq.s32 s10, $0x1;
	s10 =	sld [smem:$0x3FB0]  }
0x3d: {  	_ =	shalt  }
0x3e: {  	_ =	shalt  }
0x3f: {  	_ =	shalt  }
0x40: {  	_ =	shalt  }
0x41: {  	_ =	shalt  }
0x42: {  	_ =	shalt  }
0x43: {  	_ =	shalt  }
0x44: {  	_ =	shalt  }
0x45: {  	_ =	shalt  }
0x46: {  	_ =	shalt  }
0x47: {  	_ =	shalt  }
0x48: {  	_ =	shalt  }
0x49: {  	_ =	shalt  }
0x4a: {  	_ =	shalt  }
0x4b: {  	_ =	shalt  }
0x4c: {  	_ =	shalt  }
0x4d: {  	_ =	shalt  }
0x4e: {  	_ =	shalt  }
0x4f: {  	_ =	shalt  }
0x50: {  	_ =	shalt  }
0x51: {  	_ =	shalt  }
0x52: {  	_ =	shalt  }
0x53: {  	_ =	shalt  }
0x54: {  	_ =	shalt  }
0x55: {  	_ =	shalt  }
0x56: {  	_ =	shalt  }
0x57: {  	_ =	shalt  }
0x58: {  	_ =	shalt  }
0x59: {  	_ =	shalt  }
0x5a: {  	_ =	shalt  }
0x5b: {  	_ =	shalt  }
0x5c: {  	_ =	shalt  }
0x5d: {  	_ =	shalt  }
0x5e: {  	_ =	shalt  }
0x5f: {  	_ =	shalt  }
0x60: {  	_ =	shalt  }
0x61: {  	_ =	shalt  }
0x62: {  	_ =	shalt  }
0x63: {  	_ =	shalt  }
0x64: {  	_ =	shalt  }
0x65: {  	_ =	shalt  }
0x66: {  	_ =	shalt  }
0x67: {  	_ =	shalt  }
0x68: {  	_ =	shalt  }
0x69: {  	_ =	shalt  }
0x6a: {  	_ =	shalt  }
0x6b: {  	_ =	shalt  }
0x6c: {  	_ =	shalt  }
0x6d: {  	_ =	shalt  }
0x6e: {  	_ =	shalt  }
0x6f: {  	_ =	shalt  }
0x70: {  	_ =	shalt  }
0x71: {  	_ =	shalt  }
0x72: {  	_ =	shalt  }
0x73: {  	_ =	shalt  }
0x74: {  	_ =	shalt  }
0x75: {  	_ =	shalt  }
0x76: {  	_ =	shalt  }
0x77: {  	_ =	shalt  }
0x78: {  	_ =	shalt  }
0x79: {  	_ =	shalt  }
0x7a: {  	_ =	shalt  }
0x7b: {  	_ =	shalt  }
0x7c: {  	_ =	shalt  }
0x7d: {  	_ =	shalt  }
0x7e: {  	_ =	shalt  }
0x7f: {  	_ =	shalt  }
0x80: {  	_ =	shalt  }
0x81: {  	_ =	shalt  }
0x82: {  	_ =	shalt  }
0x83: {  	_ =	shalt  }
0x84: {  	_ =	shalt  }
0x85: {  	_ =	shalt  }
0x86: {  	_ =	shalt  }
0x87: {  	_ =	shalt  }
.Lfunc_end0:
.L_simem_size_0:
called_computation_lowered:
.L_overlay_start_0:
0x88: {  	s2 =	sld [smem:$0x3FD9]  }
0x89: {  	s3 =	sld [smem:$0x3FFE];
	_ =	sdelay $0x1  }
0x8a: {  	s1 =	srdreg.scid  }
0x8b: {  	s0 =	sand.u32 $0x1, s1  }
0x8c: {  	s16 =	sshll.u32 s0, $0xA;
	s2 =	sadd.s32 s3, s2  }
0x8d: {  	s2 =	sadd.s32 s2, s16  }
0x8e: {  	[smem:$0x3FBC] =	sst s2  }
0x8f: {  	_ = 	snop  }
0x90: {  	(tm) =	ssettm $0x1  }
0x91: {  	s17 =	sld [smem:$0x3FFB];
	_ =	sdelay $0x3  }
0x92: {  	_ =	strace s17  }
0x93: {  	s2 =	sld [smem:$0x3FFC];
	_ =	sdelay $0x3  }
0x94: {  	_ =	strace s2  }
0x95: {  	s2 =	sld [smem:$0x3FFD];
	_ =	sdelay $0x3  }
0x96: {  	_ =	strace s2  }
0x97: {  	_ =	strace $0x8FFFFFFF  }
0x98: {  	s18 =	sld [smem:$0x3FDB];
	_ =	sdelay $0x1  }
0x99: {  	s19 =	simm.s32 $_scs_section_size  }
0x9a: {  	s4 =	simm.s32 $_size__tile_overlayer_lowered;
	s5 =	simm.s32 $_tile_overlayer_lowered  }
0x9b: {  	s22 =	simm.s32 $0x1BFF;
	s21 =	sshll.u32 s5, $0x1;
	s2 =	sadd.s32 s19, s18  }
0x9c: {  	s6 =	simm.s32 $0x0;
	s20 =	sshll.u32 s4, $0x1;
	s4 =	sadd.s32 s21, s2  }
0x9d: {  	[timem:s6], [sflag:s22] =	dma.local [hbm:s4], s20  }
0x9e: {  	_ =	swait.ge [sflag:s22], s20  }
0x9f: {  	s3 =	ssub.s32 $0x0, s20;
	[sflag:s22] =	ssyncset.done $0x0  }
0xa0: {  	[sflag:s22] =	ssyncadd.s32 s3;
	_ =	sdelay $0x1  }
0xa1: {  	s23 =	simm.s32 $0x1B8B  }
0xa2: {  	_ =	swait.ge [sflag:s23], $0x1  }
0xa3: {  	[sflag:s23] =	ssyncset.done $0x0  }
0xa4: {  	s25 =	simm.s32 $0x1B8E;
	s24 =	sld [smem:$0x3FFE];
	[sflag:s23] =	ssyncadd.s32 $0xFFFFFFFF  }
0xa5: {  	s26 =	simm.s32 $execute0_lowered;
	[smem:$0x3FD2] =	sst s25  }
0xa6: {  	s4 =	sshll.u32 s26, $0x1;
	_ =	strace $0x80000046;
	[dreg:$0x1] =	wrdreg $0xFFFFFFFF  }
0xa7: {  	s28 =	simm.s32 $_size_execute0_lowered;
	s2 =	sadd.s32 s2, s4;
	[dreg:$0x0] =	wrdreg $0x0  }
0xa8: {  	s4 =	sshll.u32 s28, $0x1;
	[dreg:$0x2] =	wrdreg s2  }
0xa9: {  	[dreg:$0x3] =	wrdreg s4  }
0xaa: {  	[dreg:$0x4] =	wrdreg $0xC0  }
0xab: {  	_ =	task [dreg:s6], $0x5FFFF  }
0xac: {  	[dreg:$0x1] =	wrdreg $0xFFFFFFFF  }
0xad: {  	[dreg:$0x0] =	wrdreg $0x60  }
0xae: {  	[dreg:$0x2] =	wrdreg s24  }
0xaf: {  	[dreg:$0x3] =	wrdreg $0x9  }
0xb0: {  	_ =	task.clear_ibuf [dreg:s6], $0x4FFFF;
	_ =	strace $0x90000046  }
0xb1: {  	s29 =	simm.s32 $0x9;
	_ =	strace $0x80000048  }
0xb2: {  	_ =	swait.ge [sflag:s29], $0x1  }
0xb3: {  	[sflag:s29] =	ssyncadd.s32 $0xFFFFFFFF  }
0xb4: {  	_ =	strace $0x90000048  }
0xb5: {  	_ =	sfence  }
0xb6: {  	s30 =	sld [smem:$0x0];
	_ =	sdelay $0x2  }
0xb7: {  	s31 =	sshll.u32 s1, $0xD;
	s1 =	sshrl.u32 s1, $0x2  }
0xb8: {  	s3 =	sand.u32 $0x4000, s31;
	s1 =	sadd.s32 s1, s30  }
0xb9: {  	s0 =	sor.u32 s3, s0;
	s1 =	sshll.u32 s1, $0x11  }
0xba: {  	s0 =	sor.u32 s1, s0  }
0xbb: {  	s0 =	sadd.s32 $0x8F2B, s0  }
0xbc: {  	[sflag:s0] =	ssyncadd.remote.s32 $0x1  }
0xbd: {  	_ =	sfence.sel $0xFFFF  }
0xbe: {  	[dreg:$0x0] =	wrdreg $0xFFFFFFFF;
	(pc) =	sbr.abs _section_cstart, $3  }
0xbf: {  	[dreg:$0x1] =	wrdreg $0xFFFFFFFF  }
0xc0: {  	_ =	task.clear_ibuf [dreg:s6], $0x2FFFF;
	_ =	strace $0x9FFFFFFF  }
0xc1: {  	(tm) =	ssettm $0x7FFFFFFF  }
tec
execute0_lowered:
.L_overlay_start_1:
0x0: {  	(tag) =	ssettag $0x1  }
0x1: {  	s8 =	rddreg [dreg:$0x0]  }
0x2: {  	s0 =	rddreg [dreg:$0x1];
	_ =	strace $0x80000047;
	s1 =	stileid.u32  }
0x3: {  	s3 =	srdreg.scid;
	s4 =	simm.s32 $0x1;
	s7 =	simm.s32 $0x1  }
0x4: {  	s9 =	simm.s32 $0x1;
	s10 =	simm.s32 $0x3;
	s13 =	simm.s32 $0x0  }
0x5: {  	s12 =	simm.s32 $0x0;
	s5 =	sand.u32 $0x1, s3;
	s6 =	sshll.u32 s1, $0x1  }
0x6: {  	s2 =	sadd.s32 $0x3000, s8;
	s3 =	sadd.s32 $0x15A00, s8;
	s5 =	sor.u32 s6, s5  }
.Ltmp0:
0x7: {  	[sflag:s4] =	ssyncpa.u1 $0x0;
	p0 =	slt.u32 s5, $0x13;
	(pc) =	sbr.rel .LBB2_1-.Ltmp0, $4  }
0x8: {  	s6 =	simm.s32 $0x2;
	s7 =	simm.s32 @!p0 $0x0;
	p0 =	sne.s32 s5, $0x12  }
0x9: {  	[sflag:s6] =	ssyncpa.u1 $0x0;
	s5 =	smul.u32 $0x2A30, s5;
	s9 =	simm.s32 @!p0 $0x0  }
0xa: {  	s8 =	sadd.s32 $0x95C00, s8;
	[sflag:s10] =	ssyncpa.u1 $0x0;
	s7 =	sadd.s32 s9, s7  }
0xb: {  	vm0 =	vmmov $0xffff;
	s10 =	simm.s32 $0x0;
	s11 =	smov.u32 s5;
	s9 =	sadd.s32 $0x1, s7  }
.LBB2_4:
0xc: {  	v2 =	vnsel vm1, $0x0, v2  }
0xd: {  	vm1 =	vgt.s32 v0, $0x0;
	v2 =	vmin.u32 v2, $0x9488F  }
0xe: {  	v0 =	vnsel vm1, $0x0, v0  }
0xf: {  	v0 =	vmin.u32 v0, $0x9488F  }
0x10: {  	[tilespmem:s18], [sflag:$0x1] =	stream.indirect_vreg.gather [hbm4b:s2+s10], $0x1, v1, vm0, $0x4038;
	[tilespmem:$0xA8C0] =	vst v63  }
0x11: {  	(ifvalue) =	ssetifvalue $0x7FFFFFFF  }
0x12: {  	[tilespmem:s15], [sflag:$0x1] =	stream.indirect_vreg.gather [hbm4b:s2+s10], $0x1, v2, vm0, $0x4038;
	[tilespmem:$0xA8C0] =	vst v63  }
0x13: {  	s29 =	sadd.s32 $0x10, s15;
	(ifvalue) =	ssetifvalue $0x7FFFFFFF  }
0x14: {  	[tilespmem:s29], [sflag:$0x1] =	stream.indirect_vreg.gather [hbm4b:s2+s10], $0x1, v0, vm0, $0x4038;
	[tilespmem:$0xA8C0] =	vst v63  }
0x15: {  	_ =	swait.ge [sflag:s4], $0x2A30  }
0x16: {  	s30 =	sshrl.u32 s13, $0x3;
	[sflag:s4] =	ssyncset.done $0x0  }
0x17: {  	s31 =	sand.u32 $0x7, s13;
	s15 =	sadd.s32 s8, s30;
	[sflag:s4] =	ssyncadd.s32 $0xFFFFD5D0  }
0x18: {  	[hbm4b:s15+s31] =	stream.linear.scatter [tilespmem:s14], [sflag:$0x3], $0x2A30, $0x38;
	[tilespmem:$0xA8C0] =	vst v63  }
.LBB2_5:
0x19: {  	s15 =	sadd.s32 $0x54600, s11  }
0x1a: {  	p1 =	sgt.s32 s15, $0x83D5F  }
0x1b: {  	s15 =	smov.u32 @p1 s5;
	p1 =	sne.s32 s12, s9  }
.Ltmp1:
0x1c: {  	p0 =	slt.u32 s12, $0x2;
	(pc) =	sbr.rel @!p1 .LBB2_6-.Ltmp1, $4  }
0x1d: {  	s14 =	simm.s32 @!p0 $0x3  }
0x1e: {  	_ =	swait.ge @!p0 [sflag:s14], $0x2A30  }
0x1f: {  	s16 =	sadd.s32 $0x1, s12;
	s13 =	smov.u32 s11;
	[sflag:s14] =	ssyncset.done @!p0 $0x0  }
0x20: {  	s12 =	smov.u32 s16;
	s11 =	smov.u32 s15;
	[sflag:s14] =	ssyncadd.s32 @!p0 $0xFFFFD5D0  }
.LBB2_1:
0x21: {  	p0 =	sge.u32 s12, s7  }
0x22: {  	s14 =	sxor.u32 @!p0 $0x1, s12  }
0x23: {  	s14 =	smul.u32 @!p0 $0xA8C0, s14  }
0x24: {  	s31 =	sadd.s32 $0xFFFFFFFF, s12;
	s15 =	sshrl.u32 @!p0 s11, $0x3  }
0x25: {  	s16 =	sand.u32 @!p0 $0x7, s11;
	s15 =	sadd.s32 @!p0 s3, s15;
	s14 =	sshra.s32 @!p0 s14, $0x2  }
0x26: {  	[tilespmem:s14], [sflag:$0x2] =	stream.linear.gather @!p0 [hbm4b:s15+s16], $0x2A30, $0x38;
	[tilespmem:$0xA8C0] =	vst v63  }
0x27: {  	p0 =	sge.u32 s31, s7  }
.Ltmp2:
0x28: {  	_ = 	snop;
	(pc) =	sbr.rel @p0 .LBB2_5-.Ltmp2, $1  }
0x29: {  	_ =	sdelay $0x3  }
0x2a: {  	s14 =	sand.u32 $0x1, s12  }
0x2b: {  	_ =	swait.ge [sflag:s6], $0x2A30;
	p0 =	seq.s32 s14, $0x1;
	s14 =	simm.s32 $0x2A30  }
0x2c: {  	[sflag:s6] =	ssyncset.done $0x0;
	s14 =	simm.s32 @!p0 $0x0  }
0x2d: {  	[sflag:s6] =	ssyncadd.s32 $0xFFFFD5D0;
	(ifvalue) =	ssetifvalue $0x7FFFFFFF;
	v0 =	vld.msk [tilespmem:s14+$0x0 ss:$0x1], $0xffff;
	_ =	sdelay $0x4  }
0x2e: {  	s15 =	sadd.s32 $0x10, s14;
	vm1 =	vgt.s32 v0, $0x0  }
0x2f: {  	v2 =	vld.msk [tilespmem:s15+$0x0 ss:$0x1], $0xffff;
	v1 =	vnsel vm1, $0x0, v0  }
0x30: {  	v1 =	vmin.u32 v1, $0x9488F;
	_ =	sdelay $0x2  }
0x31: {  	s17 =	simm.s32 $0x20;
	s14 =	sadd.s32 $0x5460, s14;
	s16 =	sadd.s32 $0x10, s15  }
0x32: {  	s15 =	sadd.s32 $0x10, s14;
	s18 =	smov.u32 s14;
	v0 =	vld.msk [tilespmem:s16+$0x0 ss:$0x1], $0xffff;
	vm1 =	vgt.s32 v2, $0x0;
	(ifvalue) =	ssetifvalue $0x7FFFFFFF  }
.LBB2_3:
0x33: {  	[tilespmem:s18], [sflag:$0x1] =	stream.indirect_vreg.gather [hbm4b:s2+s10], $0x1, v1, vm0, $0x4038;
	[tilespmem:$0xA8C0] =	vst v63  }
0x34: {  	s17 =	sadd.s32 $0x10, s17  }
0x35: {  	v2 =	vnsel vm1, $0x0, v2;
	p0 =	slt.u32 s17, $0x2A20  }
.Ltmp3:
0x36: {  	s18 =	smov.u32 s15;
	v1 =	vmin.u32 v2, $0x9488F;
	(pc) =	sbr.rel @p0 .LBB2_3-.Ltmp3, $3  }
0x37: {  	_ =	sdelay $0x1  }
0x38: {  	s16 =	sadd.s32 $0x10, s16  }
0x39: {  	vm1 =	vgt.s32 v0, $0x0;
	s15 =	sadd.s32 $0x10, s15;
	v2 =	vmov v0;
	(ifvalue) =	ssetifvalue $0x7FFFFFFF;
	v0 =	vld.msk [tilespmem:s16+$0x0 ss:$0x1], $0xffff  }
.Ltmp4:
0x3a: {  	_ = 	snop;
	(pc) =	sbr.rel .LBB2_4-.Ltmp4, $1  }
0x3b: {  	_ =	sdelay $0x3  }
.LBB2_6:
0x3c: {  	_ =	sfence.sel $0x180000  }
0x3d: {  	s2 =	simm.s32 $0x2;
	[bflag:$0x0] =	sbarrier.arrive $0xFFFF  }
0x3e: {  	s30 =	simm.s32 $0x3;
	[sflag:s2] =	ssyncpa.u1 $0x1  }
0x3f: {  	s31 =	simm.s32 $0x1;
	[sflag:s30] =	ssyncpa.u1 $0x1  }
0x40: {  	[sflag:s31] =	ssyncpa.u1 $0x1  }
0x41: {  	p0 =	sne.s32 s1, $0x0;
	_ =	strace $0x90000047  }
0x42: {  	s0 =	sadd.s32 @!p0 $0x100000, s0;
	[bflag:$0x2] =	sbarrier.arrive $0xFFFF  }
0x43: {  	[sflag:s0] =	ssyncadd.tile.s32 @!p0 $0x1;
	_ =	shalt  }
.Lfunc_end2:
_tile_overlayer_lowered:
.L_overlay_start_2:
0x44: {  	(tag) =	ssettag $0x2  }
0x45: {  	s0 =	rddreg [dreg:$0x0];
	s2 =	stileid.u32  }
0x46: {  	s1 =	rddreg [dreg:$0x1];
	p0 =	sne.s32 s2, $0x0  }
0x47: {  	s3 =	rddreg [dreg:$0x2];
	[bflag:$0x3] =	sbarrier.arrive $0xFFFF;
	s2 =	simm.s32 @!p0 $0x1C01  }
0x48: {  	[timem:s3], [sflag:s2] =	dma.local @!p0 [hbm:s0], s1  }
0x49: {  	s0 =	simm.s32 @!p0 $0x1  }
0x4a: {  	_ =	swait.ge @!p0 [sflag:s0], s1  }
0x4b: {  	s1 =	ssub.s32 @!p0 $0x0, s1;
	[sflag:s0] =	ssyncset.done @!p0 $0x0  }
0x4c: {  	[sflag:s0] =	ssyncadd.s32 @!p0 s1  }
0x4d: {  	[bflag:$0x3] =	sbarrier.arrive $0xFFFF  }
0x4e: {  	_ =	shalt  }

// kernel: kernel.11.cloned.1.call-start
scs
__scs_entry_jumppad:
0x0: {  	(pc) =	sbr.rel $0x88, $3  }
0x1: {  	(tag) =	ssettag $0x0;
	lr =	simm.s32 $0x1  }
0x2: {  	[smem:$0x3F95] =	sst lr;
	_ =	strace $0xD0000000  }
0x3: {  	_ = 	snop  }
0x4: {  	_ = 	snop  }
0x5: {  	_ = 	snop  }
0x6: {  	_ = 	snop  }
0x7: {  	_ = 	snop  }
__scs_overlays_trampoline_lowered:
0x8: {  	[smem:$0x3FA4] =	sst s0  }
0x9: {  	[smem:$0x3FA5] =	sst s1  }
0xa: {  	[smem:$0x3FA6] =	sst s2  }
0xb: {  	[smem:$0x3FA7] =	sst s3  }
0xc: {  	[smem:$0x3FA8] =	sst s4  }
0xd: {  	[smem:$0x3FA9] =	sst s5  }
0xe: {  	[smem:$0x3FAA] =	sst s6  }
0xf: {  	[smem:$0x3FAB] =	sst s7  }
0x10: {  	[smem:$0x3FAC] =	sst s8  }
0x11: {  	[smem:$0x3FAD] =	sst s9;
	s0 =	simm.s32 @!p0 $0x0  }
0x12: {  	s1 =	sld [smem:$0x3F93];
	s0 =	simm.s32 @p0 $0x1  }
0x13: {  	[smem:$0x3FAE] =	sst s0;
	s0 =	simm.s32 @!p1 $0x0  }
0x14: {  	s2 =	sld [smem:$0x3F92];
	s0 =	simm.s32 @p1 $0x1  }
0x15: {  	[smem:$0x3FAF] =	sst s0;
	s0 =	simm.s32 @!p2 $0x0  }
0x16: {  	s3 =	sld [smem:$0x3FDB];
	s0 =	simm.s32 @p2 $0x1  }
0x17: {  	s4 =	simm.s32 $0x1BF5;
	[smem:$0x3FB1] =	sst s0  }
0x18: {  	s0 =	sld [smem:$0x3F94];
	_ =	swait.ge [sflag:s4], $0x0  }
0x19: {  	s7 =	sld [smem:$0x3F95]  }
0x1a: {  	s8 =	sadd.s32 $0xFFFFE003, lr  }
0x1b: {  	s9 =	sadd.s32 $0xFFFFFEF7, lr;
	s5 =	simm.s32 $0xFFFFFFFF;
	p2 =	slt.u32 s8, $0xFFFFF086  }
0x1c: {  	p1 =	slt.u32 s9, $0xF7A;
	s5 =	simm.s32 @!p2 $0x0  }
0x1d: {  	s5 =	simm.s32 @p1 $0x1;
	p0 =	seq.s32 s7, s2  }
0x1e: {  	s7 =	smul.u32 @!p0 $0xF7A, s2;
	p2 =	seq.s32 @!p0 s5, $0x0  }
0x1f: {  	s9 =	smul.u32 $0xF7A, s1;
	s8 =	simm.s32 @!p0 $0x1BF5;
	p2 =	por !p2, p0  }
0x20: {  	[sflag:s8] =	ssyncset.s32 @!p0 $0xFFFFF086;
	s6 =	sadd.s32 @!p0 s3, s7;
	s7 =	simm.s32 @!p0 $0x108  }
0x21: {  	s3 =	sadd.s32 s3, s9;
	s6 =	sadd.s32 @!p0 $0x88, s6;
	s7 =	simm.s32 @p2 $0x1082  }
0x22: {  	[simem:s7], [sflag:s8] =	dma.local @!p0 [hbm:s6], $0xF7A  }
0x23: {  	s9 =	sor.u32 $0xD0000000, s2;
	s6 =	simm.s32 $0x108;
	_ =	swait.ge @!p0 [sflag:s8], $0x0  }
0x24: {  	s3 =	sadd.s32 $0x88, s3;
	s6 =	simm.s32 @!p1 $0x1082;
	[sflag:s4] =	ssyncset.s32 $0xFFFFF086  }
0x25: {  	[simem:s6], [sflag:s4] =	dma.local [hbm:s3], $0xF7A  }
0x26: {  	[smem:$0x3F95] =	sst s1;
	(tag) =	ssettag s2;
	_ =	strace s9  }
0x27: {  	s1 =	sld [smem:$0x3FA5]  }
0x28: {  	s2 =	sld [smem:$0x3FA6]  }
0x29: {  	s4 =	sld [smem:$0x3FA8]  }
0x2a: {  	p0 =	seq.s32 s5, $0x0;
	s5 =	sld [smem:$0x3FA9]  }
0x2b: {  	s6 =	sld [smem:$0x3FAA]  }
0x2c: {  	s7 =	sld [smem:$0x3FAB]  }
0x2d: {  	s3 =	simm.s32 $0x108;
	s8 =	sld [smem:$0x3FAC]  }
0x2e: {  	s3 =	simm.s32 @!p0 $0x1082;
	s9 =	sld [smem:$0x3FAD]  }
0x2f: {  	lr =	sadd.s32 s0, s3;
	s0 =	sld [smem:$0x3FA4]  }
0x30: {  	s3 =	sld [smem:$0x3FA7]  }
0x31: {  	[smem:$0x3FB0] =	sst s10  }
0x32: {  	s10 =	sld [smem:$0x3FAE];
	_ =	sdelay $0x3  }
0x33: {  	p0 =	seq.s32 s10, $0x1;
	s10 =	sld [smem:$0x3FB0];
	_ =	sdelay $0x3  }
0x34: {  	[smem:$0x3FB0] =	sst s10  }
0x35: {  	s10 =	sld [smem:$0x3FAF];
	_ =	sdelay $0x3  }
0x36: {  	p1 =	seq.s32 s10, $0x1;
	s10 =	sld [smem:$0x3FB0];
	_ =	sdelay $0x3  }
0x37: {  	[smem:$0x3FB0] =	sst s10  }
0x38: {  	s10 =	sld [smem:$0x3FB1]  }
0x39: {  	_ = 	snop;
	(pc) =	sbr.ind lr, $3  }
0x3a: {  	_ = 	snop  }
0x3b: {  	_ = 	snop  }
0x3c: {  	p2 =	seq.s32 s10, $0x1;
	s10 =	sld [smem:$0x3FB0]  }
0x3d: {  	_ =	shalt  }
0x3e: {  	_ =	shalt  }
0x3f: {  	_ =	shalt  }
0x40: {  	_ =	shalt  }
0x41: {  	_ =	shalt  }
0x42: {  	_ =	shalt  }
0x43: {  	_ =	shalt  }
0x44: {  	_ =	shalt  }
0x45: {  	_ =	shalt  }
0x46: {  	_ =	shalt  }
0x47: {  	_ =	shalt  }
0x48: {  	_ =	shalt  }
0x49: {  	_ =	shalt  }
0x4a: {  	_ =	shalt  }
0x4b: {  	_ =	shalt  }
0x4c: {  	_ =	shalt  }
0x4d: {  	_ =	shalt  }
0x4e: {  	_ =	shalt  }
0x4f: {  	_ =	shalt  }
0x50: {  	_ =	shalt  }
0x51: {  	_ =	shalt  }
0x52: {  	_ =	shalt  }
0x53: {  	_ =	shalt  }
0x54: {  	_ =	shalt  }
0x55: {  	_ =	shalt  }
0x56: {  	_ =	shalt  }
0x57: {  	_ =	shalt  }
0x58: {  	_ =	shalt  }
0x59: {  	_ =	shalt  }
0x5a: {  	_ =	shalt  }
0x5b: {  	_ =	shalt  }
0x5c: {  	_ =	shalt  }
0x5d: {  	_ =	shalt  }
0x5e: {  	_ =	shalt  }
0x5f: {  	_ =	shalt  }
0x60: {  	_ =	shalt  }
0x61: {  	_ =	shalt  }
0x62: {  	_ =	shalt  }
0x63: {  	_ =	shalt  }
0x64: {  	_ =	shalt  }
0x65: {  	_ =	shalt  }
0x66: {  	_ =	shalt  }
0x67: {  	_ =	shalt  }
0x68: {  	_ =	shalt  }
0x69: {  	_ =	shalt  }
0x6a: {  	_ =	shalt  }
0x6b: {  	_ =	shalt  }
0x6c: {  	_ =	shalt  }
0x6d: {  	_ =	shalt  }
0x6e: {  	_ =	shalt  }
0x6f: {  	_ =	shalt  }
0x70: {  	_ =	shalt  }
0x71: {  	_ =	shalt  }
0x72: {  	_ =	shalt  }
0x73: {  	_ =	shalt  }
0x74: {  	_ =	shalt  }
0x75: {  	_ =	shalt  }
0x76: {  	_ =	shalt  }
0x77: {  	_ =	shalt  }
0x78: {  	_ =	shalt  }
0x79: {  	_ =	shalt  }
0x7a: {  	_ =	shalt  }
0x7b: {  	_ =	shalt  }
0x7c: {  	_ =	shalt  }
0x7d: {  	_ =	shalt  }
0x7e: {  	_ =	shalt  }
0x7f: {  	_ =	shalt  }
0x80: {  	_ =	shalt  }
0x81: {  	_ =	shalt  }
0x82: {  	_ =	shalt  }
0x83: {  	_ =	shalt  }
0x84: {  	_ =	shalt  }
0x85: {  	_ =	shalt  }
0x86: {  	_ =	shalt  }
0x87: {  	_ =	shalt  }
.Lfunc_end0:
.L_simem_size_0:
called_computation.3_lowered:
.L_overlay_start_0:
0x88: {  	s2 =	sld [smem:$0x3FD9]  }
0x89: {  	s3 =	sld [smem:$0x3FFE];
	_ =	sdelay $0x1  }
0x8a: {  	s1 =	srdreg.scid  }
0x8b: {  	s0 =	sand.u32 $0x1, s1  }
0x8c: {  	s17 =	sshll.u32 s0, $0xA;
	s2 =	sadd.s32 s3, s2  }
0x8d: {  	s2 =	sadd.s32 s2, s17  }
0x8e: {  	[smem:$0x3FBC] =	sst s2  }
0x8f: {  	_ = 	snop  }
0x90: {  	(tm) =	ssettm $0x1  }
0x91: {  	s18 =	sld [smem:$0x3FFB];
	_ =	sdelay $0x3  }
0x92: {  	_ =	strace s18  }
0x93: {  	s2 =	sld [smem:$0x3FFC];
	_ =	sdelay $0x3  }
0x94: {  	_ =	strace s2  }
0x95: {  	s2 =	sld [smem:$0x3FFD];
	_ =	sdelay $0x3  }
0x96: {  	_ =	strace s2  }
0x97: {  	_ =	strace $0x8FFFFFFF  }
0x98: {  	s19 =	sld [smem:$0x3FDB];
	_ =	sdelay $0x1  }
0x99: {  	s20 =	simm.s32 $_scs_section_size  }
0x9a: {  	s4 =	simm.s32 $_size__tile_overlayer_lowered;
	s5 =	simm.s32 $_tile_overlayer_lowered  }
0x9b: {  	s6 =	simm.s32 $0x1BFF;
	s21 =	sshll.u32 s5, $0x1;
	s3 =	sadd.s32 s20, s19  }
0x9c: {  	s22 =	simm.s32 $0x0;
	s4 =	sshll.u32 s4, $0x1;
	s5 =	sadd.s32 s21, s3  }
0x9d: {  	[timem:s22], [sflag:s6] =	dma.local [hbm:s5], s4  }
0x9e: {  	_ =	swait.ge [sflag:s6], s4  }
0x9f: {  	s4 =	ssub.s32 $0x0, s4;
	[sflag:s6] =	ssyncset.done $0x0  }
0xa0: {  	[sflag:s6] =	ssyncadd.s32 s4;
	_ =	sdelay $0x1  }
0xa1: {  	s23 =	simm.s32 $0x1B8B  }
0xa2: {  	_ =	swait.ge [sflag:s23], $0x1  }
0xa3: {  	[sflag:s23] =	ssyncset.done $0x0  }
0xa4: {  	[sflag:s23] =	ssyncadd.s32 $0xFFFFFFFF  }
0xa5: {  	s4 =	sld [smem:$0x0]  }
0xa6: {  	s5 =	sand.u32 $0xFFFFFFFE, s1  }
0xa7: {  	p0 =	sne.s32 s1, s5  }
0xa8: {  	s5 =	sshll.u32 @p0 s5, $0xE  }
0xa9: {  	s5 =	sadd.s32 @p0 $0x11B8D, s5;
	s6 =	sshll.u32 @p0 s4, $0x11  }
0xaa: {  	s5 =	sor.u32 @p0 s6, s5  }
0xab: {  	[sflag:s5] =	ssyncadd.remote.s32 @p0 $0x1;
	_ =	sdelay $0x1  }
0xac: {  	s5 =	simm.s32 @p0 $0x1B8D  }
0xad: {  	_ =	swait.eq @p0 [sflag:s5], $0x1  }
0xae: {  	[sflag:s5] =	ssyncadd.s32 @p0 $0xFFFFFFFF  }
0xaf: {  	s6 =	sshll.u32 @!p0 s1, $0xE  }
0xb0: {  	s6 =	sor.u32 @!p0 $0x4000, s6;
	s5 =	simm.s32 @!p0 $0x1B8D  }
0xb1: {  	s4 =	sshll.u32 @!p0 s4, $0x11;
	s6 =	sadd.s32 @!p0 $0x11B8D, s6;
	_ =	swait.eq @!p0 [sflag:s5], $0x1  }
0xb2: {  	s4 =	sor.u32 @!p0 s4, s6;
	[sflag:s5] =	ssyncadd.s32 @!p0 $0xFFFFFFFF  }
0xb3: {  	s25 =	simm.s32 $0x1B8E;
	s24 =	sld [smem:$0x3FFE];
	[sflag:s4] =	ssyncadd.remote.s32 @!p0 $0x1  }
0xb4: {  	s26 =	simm.s32 $execute0_lowered;
	[smem:$0x3FD2] =	sst s25  }
0xb5: {  	s5 =	sshll.u32 s26, $0x1;
	_ =	strace $0x8000004F;
	[dreg:$0x1] =	wrdreg $0xFFFFFFFF  }
0xb6: {  	s28 =	simm.s32 $_size_execute0_lowered;
	s3 =	sadd.s32 s3, s5;
	[dreg:$0x0] =	wrdreg $0x0  }
0xb7: {  	s5 =	sshll.u32 s28, $0x1;
	[dreg:$0x2] =	wrdreg s3  }
0xb8: {  	[dreg:$0x3] =	wrdreg s5  }
0xb9: {  	[dreg:$0x4] =	wrdreg $0xC0  }
0xba: {  	_ =	task [dreg:s22], $0x5FFFF  }
0xbb: {  	[dreg:$0x1] =	wrdreg $0xFFFFFFFF  }
0xbc: {  	[dreg:$0x0] =	wrdreg $0x60  }
0xbd: {  	[dreg:$0x2] =	wrdreg s24  }
0xbe: {  	[dreg:$0x3] =	wrdreg $0xA  }
0xbf: {  	_ =	task.clear_ibuf [dreg:s22], $0x4FFFF;
	_ =	strace $0x9000004F  }
0xc0: {  	s29 =	simm.s32 $0xA;
	_ =	strace $0x80000051  }
0xc1: {  	_ =	swait.ge [sflag:s29], $0x1  }
0xc2: {  	[sflag:s29] =	ssyncadd.s32 $0xFFFFFFFF  }
0xc3: {  	_ =	strace $0x90000051  }
0xc4: {  	_ =	sfence  }
0xc5: {  	s30 =	sld [smem:$0x0];
	_ =	sdelay $0x2  }
0xc6: {  	s31 =	sshll.u32 s1, $0xD;
	s1 =	sshrl.u32 s1, $0x2  }
0xc7: {  	s4 =	sand.u32 $0x4000, s31;
	s1 =	sadd.s32 s1, s30  }
0xc8: {  	s0 =	sor.u32 s4, s0;
	s1 =	sshll.u32 s1, $0x11  }
0xc9: {  	s0 =	sor.u32 s1, s0  }
0xca: {  	s0 =	sadd.s32 $0x8F2B, s0  }
0xcb: {  	[sflag:s0] =	ssyncadd.remote.s32 $0x1  }
0xcc: {  	_ =	sfence.sel $0xFFFF  }
0xcd: {  	[dreg:$0x0] =	wrdreg $0xFFFFFFFF;
	(pc) =	sbr.abs _section_cstart, $3  }
0xce: {  	[dreg:$0x1] =	wrdreg $0xFFFFFFFF  }
0xcf: {  	_ =	task.clear_ibuf [dreg:s22], $0x2FFFF;
	_ =	strace $0x9FFFFFFF  }
0xd0: {  	(tm) =	ssettm $0x7FFFFFFF  }
0xd1: {  	_ =	shalt  }
tec
execute0_lowered:
.L_overlay_start_1:
0x0: {  	(tag) =	ssettag $0x1  }
0x1: {  	s1 =	srdreg.scid  }
0x2: {  	s0 =	stileid.u32;
	s4 =	rddreg [dreg:$0x0];
	s2 =	simm.s32 $0x0  }
0x3: {  	s10 =	simm.s32 $0x6C00;
	s11 =	simm.s32 $0xAC00;
	s12 =	simm.s32 $0x100  }
0x4: {  	s13 =	simm.s32 $0xEC00;
	s14 =	simm.s32 $0x180;
	s15 =	simm.s32 $0x12C00  }
0x5: {  	s16 =	simm.s32 $0x200;
	s17 =	simm.s32 $0x16C00;
	s18 =	simm.s32 $0x1  }
0x6: {  	s19 =	simm.s32 $0x1AC00;
	s5 =	sand.u32 $0x1, s1;
	s3 =	sshll.u32 s0, $0x1  }
0x7: {  	s20 =	simm.s32 $0x0;
	s1 =	rddreg [dreg:$0x1];
	s6 =	sor.u32 s5, s3  }
0x8: {  	[smem:$0x7FF] =	sst s2;
	s5 =	ssub.s32 $0x2, s5;
	s7 =	smul.u32 $0xD80, s6  }
0x9: {  	s8 =	smul.u32 $0x2800, s6;
	s6 =	sshll.u32 s6, $0x5;
	s31 =	sshrl.u32 s5, $0x1  }
0xa: {  	_ =	strace $0x80000050;
	s6 =	sadd.s32 s6, s4;
	s9 =	ssub.s32 s5, s31  }
0xb: {  	s7 =	sadd.s32 s7, s4;
	s8 =	sadd.s32 s8, s4;
	s5 =	sadd.s32 $0x8F1A00, s6  }
0xc: {  	s3 =	sadd.s32 $0x30A00, s4;
	s4 =	sadd.s32 $0x15A00, s7;
	s6 =	sadd.s32 $0x8A1A00, s8  }
0xd: {  	s7 =	smax.u32 s9, $0x1;
	s8 =	simm.s32 $0x2;
	s9 =	simm.s32 $0x80  }
.LBB2_1:
0xe: {  	s21 =	simm.s32 $0x80  }
0xf: {  	s24 =	sadd.s32 $0x0, s4;
	s22 =	simm.s32 $0x400;
	s23 =	simm.s32 $0x0  }
.LBB2_2:
0x10: {  	[tilespmem:s23], [sflag:$0x2] =	stream.linear.gather [hbm4b:s24+s2], $0x280, $0x38;
	[tilespmem:$0x1AD00] =	vst v63  }
0x11: {  	s24 =	smov.u32 s21;
	s23 =	smov.u32 s22;
	p0 =	sne.s32 s21, $0xD00  }
.Ltmp0:
0x12: {  	s21 =	sadd.s32 $0x80, s21;
	(pc) =	sbr.rel @p0 .LBB2_2-.Ltmp0, $2  }
0x13: {  	_ =	sdelay $0x2  }
0x14: {  	s22 =	sadd.s32 $0x400, s22;
	s24 =	sadd.s32 s24, s4  }
0x15: {  	[tilespmem:s23], [sflag:$0x2] =	stream.linear.gather [hbm4b:s24+s2], $0x280, $0x38;
	[tilespmem:$0x1AD00] =	vst v63  }
0x16: {  	_ =	swait.ge [sflag:s8], $0x4380  }
0x17: {  	[sflag:s8] =	ssyncset.done $0x0  }
0x18: {  	[sflag:s8] =	ssyncadd.s32 $0xFFFFBC80  }
0x19: {  	[tilespmem:s10], [sflag:$0x1] =	stream.indirect.gather [hbm4b:s3+s9], $0x80, s2, s9, $0xb8;
	[tilespmem:$0x1AD00] =	vst v63  }
0x1a: {  	_ = 	snop  }
0x1b: {  	[tilespmem:s11], [sflag:$0x1] =	stream.indirect.gather [hbm4b:s3+s9], $0x80, s9, s9, $0xb8;
	[tilespmem:$0x1AD00] =	vst v63  }
0x1c: {  	_ = 	snop  }
0x1d: {  	[tilespmem:s13], [sflag:$0x1] =	stream.indirect.gather [hbm4b:s3+s9], $0x80, s12, s9, $0xb8;
	[tilespmem:$0x1AD00] =	vst v63  }
0x1e: {  	_ = 	snop  }
0x1f: {  	[tilespmem:s15], [sflag:$0x1] =	stream.indirect.gather [hbm4b:s3+s9], $0x80, s14, s9, $0xb8;
	[tilespmem:$0x1AD00] =	vst v63  }
0x20: {  	_ = 	snop  }
0x21: {  	[tilespmem:s17], [sflag:$0x1] =	stream.indirect.gather [hbm4b:s3+s9], $0x80, s16, s9, $0xb8;
	[tilespmem:$0x1AD00] =	vst v63  }
0x22: {  	_ =	swait.ge [sflag:s18], $0x4000  }
0x23: {  	[sflag:s18] =	ssyncset.done $0x0  }
0x24: {  	[sflag:s18] =	ssyncadd.s32 $0xFFFFC000  }
0x25: {  	_ =	swait.ge [sflag:s18], $0x4000  }
0x26: {  	[sflag:s18] =	ssyncset.done $0x0  }
0x27: {  	[sflag:s18] =	ssyncadd.s32 $0xFFFFC000  }
0x28: {  	_ =	swait.ge [sflag:s18], $0x4000  }
0x29: {  	[sflag:s18] =	ssyncset.done $0x0  }
0x2a: {  	[sflag:s18] =	ssyncadd.s32 $0xFFFFC000  }
0x2b: {  	_ =	swait.ge [sflag:s18], $0x4000  }
0x2c: {  	[sflag:s18] =	ssyncset.done $0x0  }
0x2d: {  	[sflag:s18] =	ssyncadd.s32 $0xFFFFC000  }
0x2e: {  	_ =	swait.ge [sflag:s18], $0x4000  }
0x2f: {  	[sflag:s18] =	ssyncset.done $0x0  }
0x30: {  	s21 =	simm.s32 $0x400;
	[sflag:s18] =	ssyncadd.s32 $0xFFFFC000  }
0x31: {  	[tilespmem:s10], [sflag:$0x1] =	stream.indirect.gather.add.f32 [hbm:s3], $0x80, s21, s9, $0xb8;
	[tilespmem:$0x1AD00] =	vst v63  }
0x32: {  	s29 =	simm.s32 $0x480  }
0x33: {  	[tilespmem:s11], [sflag:$0x1] =	stream.indirect.gather.add.f32 [hbm:s3], $0x80, s29, s9, $0xb8;
	[tilespmem:$0x1AD00] =	vst v63  }
0x34: {  	s30 =	simm.s32 $0x500;
	s31 =	simm.s32 $0x580  }
0x35: {  	[tilespmem:s13], [sflag:$0x1] =	stream.indirect.gather.add.f32 [hbm:s3], $0x80, s30, s9, $0xb8;
	[tilespmem:$0x1AD00] =	vst v63  }
0x36: {  	s22 =	simm.s32 $0xFFFE8000;
	s23 =	simm.s32 $0x600;
	s21 =	simm.s32 $0xFFFF9C00  }
0x37: {  	[tilespmem:s15], [sflag:$0x1] =	stream.indirect.gather.add.f32 [hbm:s3], $0x80, s31, s9, $0xb8;
	[tilespmem:$0x1AD00] =	vst v63  }
.LBB2_4:
0x38: {  	[tilespmem:s17], [sflag:$0x1] =	stream.indirect.gather.add.f32 [hbm:s3], $0x80, s23, s9, $0xb8;
	[tilespmem:$0x1AD00] =	vst v63  }
0x39: {  	s23 =	smov.u32 s22  }
0x3a: {  	s25 =	sadd.s32 $0x1000, s22;
	s24 =	sshra.s32 s23, $0x2;
	s23 =	sadd.s32 $0x6C00, s21  }
0x3b: {  	[tilespmem:s10], [sflag:$0x1] =	stream.indirect.gather.add.f32 [hbm:s3], $0x80, s23, s9, $0xb8;
	[tilespmem:$0x1AD00] =	vst v63  }
0x3c: {  	p0 =	sne.s32 s22, $0xFFFFF000;
	s22 =	sadd.s32 $0x6C80, s21  }
0x3d: {  	[tilespmem:s11], [sflag:$0x1] =	stream.indirect.gather.add.f32 [hbm:s3], $0x80, s22, s9, $0xb8;
	[tilespmem:$0x1AD00] =	vst v63  }
.Ltmp1:
0x3e: {  	s22 =	sadd.s32 $0x6D00, s21;
	(pc) =	sbr.rel @p0 .LBB2_4-.Ltmp1, $4  }
0x3f: {  	[tilespmem:s13], [sflag:$0x1] =	stream.indirect.gather.add.f32 [hbm:s3], $0x80, s22, s9, $0xb8;
	[tilespmem:$0x1AD00] =	vst v63  }
0x40: {  	s22 =	sadd.s32 $0x6D80, s21  }
0x41: {  	[tilespmem:s15], [sflag:$0x1] =	stream.indirect.gather.add.f32 [hbm:s3], $0x80, s22, s9, $0xb8;
	[tilespmem:$0x1AD00] =	vst v63  }
0x42: {  	s23 =	sadd.s32 $0x6E00, s21;
	s21 =	smov.u32 s24;
	s22 =	smov.u32 s25  }
0x43: {  	[tilespmem:s17], [sflag:$0x1] =	stream.indirect.gather.add.f32 [hbm:s3], $0x80, s23, s9, $0xb8;
	[tilespmem:$0x1AD00] =	vst v63  }
0x44: {  	s22 =	sadd.s32 $0x6C00, s21  }
0x45: {  	[tilespmem:s10], [sflag:$0x1] =	stream.indirect.gather.add.f32 [hbm:s3], $0x80, s22, s9, $0xb8;
	[tilespmem:$0x1AD00] =	vst v63  }
0x46: {  	s28 =	sadd.s32 $0x6C80, s21  }
0x47: {  	[tilespmem:s11], [sflag:$0x1] =	stream.indirect.gather.add.f32 [hbm:s3], $0x80, s28, s9, $0xb8;
	[tilespmem:$0x1AD00] =	vst v63  }
0x48: {  	s29 =	sadd.s32 $0x6D00, s21  }
0x49: {  	[tilespmem:s13], [sflag:$0x1] =	stream.indirect.gather.add.f32 [hbm:s3], $0x80, s29, s9, $0xb8;
	[tilespmem:$0x1AD00] =	vst v63  }
0x4a: {  	s30 =	sadd.s32 $0x6D80, s21  }
0x4b: {  	[tilespmem:s15], [sflag:$0x1] =	stream.indirect.gather.add.f32 [hbm:s3], $0x80, s30, s9, $0xb8;
	[tilespmem:$0x1AD00] =	vst v63  }
0x4c: {  	s31 =	sadd.s32 $0x6E00, s21  }
0x4d: {  	[tilespmem:s17], [sflag:$0x1] =	stream.indirect.gather.add.f32 [hbm:s3], $0x80, s31, s9, $0xb8;
	[tilespmem:$0x1AD00] =	vst v63  }
0x4e: {  	_ =	swait.ge [sflag:s18], $0x4000  }
0x4f: {  	[sflag:s18] =	ssyncset.done $0x0  }
0x50: {  	[sflag:s18] =	ssyncadd.s32 $0xFFFFC000  }
0x51: {  	_ =	swait.ge [sflag:s18], $0x4000  }
0x52: {  	[sflag:s18] =	ssyncset.done $0x0  }
0x53: {  	[sflag:s18] =	ssyncadd.s32 $0xFFFFC000  }
0x54: {  	_ =	swait.ge [sflag:s18], $0x4000  }
0x55: {  	[sflag:s18] =	ssyncset.done $0x0  }
0x56: {  	[sflag:s18] =	ssyncadd.s32 $0xFFFFC000  }
0x57: {  	_ =	swait.ge [sflag:s18], $0x4000  }
0x58: {  	[sflag:s18] =	ssyncset.done $0x0  }
0x59: {  	[sflag:s18] =	ssyncadd.s32 $0xFFFFC000  }
0x5a: {  	_ =	swait.ge [sflag:s18], $0x4000  }
0x5b: {  	s21 =	simm.s32 $0x19;
	[sflag:s18] =	ssyncset.done $0x0  }
.LBB2_6:
0x5c: {  	p0 =	sne.s32 s21, $0x1;
	s21 =	sadd.s32 $0xFFFFFFFF, s21;
	[sflag:s18] =	ssyncadd.s32 $0xFFFFC000  }
0x5d: {  	_ =	swait.ge [sflag:s18], $0x4000  }
0x5e: {  	[sflag:s18] =	ssyncset.done $0x0  }
0x5f: {  	[sflag:s18] =	ssyncadd.s32 $0xFFFFC000  }
0x60: {  	_ =	swait.ge [sflag:s18], $0x4000  }
0x61: {  	[sflag:s18] =	ssyncset.done $0x0  }
0x62: {  	[sflag:s18] =	ssyncadd.s32 $0xFFFFC000  }
0x63: {  	_ =	swait.ge [sflag:s18], $0x4000  }
0x64: {  	[sflag:s18] =	ssyncset.done $0x0  }
0x65: {  	[sflag:s18] =	ssyncadd.s32 $0xFFFFC000  }
.Ltmp2:
0x66: {  	_ =	swait.ge [sflag:s18], $0x4000;
	(pc) =	sbr.rel @p0 .LBB2_6-.Ltmp2, $4  }
0x67: {  	[sflag:s18] =	ssyncset.done $0x0  }
0x68: {  	[sflag:s18] =	ssyncadd.s32 $0xFFFFC000  }
0x69: {  	_ =	swait.ge [sflag:s18], $0x4000  }
0x6a: {  	[sflag:s18] =	ssyncset.done $0x0  }
0x6b: {  	[sflag:s18] =	ssyncadd.s32 $0xFFFFC000;
	s22 =	simm.s32 $0x0  }
0x6c: {  	v1 =	vld [tilespmem:s22+$0x6C30]  }
0x6d: {  	v8 =	vld [tilespmem:s22+$0x6C00]  }
0x6e: {  	v0 =	vimm.f32 $0.0e+00;
	v6 =	vimm.f32 $0.0e+00;
	v9 =	vld [tilespmem:s22+$0x6C10]  }
0x6f: {  	v5 =	vimm.f32 $0.0e+00;
	v2 =	vimm.f32 $0.0e+00;
	v3 =	vimm.f32 $0.0e+00;
	v7 =	vld [tilespmem:s22+$0x6C20]  }
0x70: {  	s21 =	simm.s32 $0x200;
	v11 =	vimm.f32 $0.0e+00;
	v10 =	vimm.f32 $0.0e+00;
	v4 =	vimm.f32 $0.0e+00  }
.LBB2_8:
0x71: {  	s22 =	sshra.s32 s21, $0x2;
	p0 =	sne.s32 s21, $0x4FE00;
	s21 =	sadd.s32 $0x200, s21;
	v0 =	vadd.f32 v1, v0;
	v12 =	vmul.f32 v1, v1  }
.Ltmp3:
0x72: {  	v1 =	vld [tilespmem:s22+$0x6C30];
	v6 =	vadd.f32 v8, v6;
	v13 =	vmul.f32 v8, v8;
	(pc) =	sbr.rel @p0 .LBB2_8-.Ltmp3, $4  }
0x73: {  	v8 =	vld [tilespmem:s22+$0x6C00];
	v5 =	vadd.f32 v9, v5;
	v14 =	vmul.f32 v9, v9;
	v2 =	vadd.f32 v12, v2  }
0x74: {  	v9 =	vld [tilespmem:s22+$0x6C10];
	v3 =	vadd.f32 v7, v3;
	v11 =	vadd.f32 v13, v11;
	v12 =	vmul.f32 v7, v7  }
0x75: {  	v7 =	vld [tilespmem:s22+$0x6C20];
	v10 =	vadd.f32 v14, v10  }
0x76: {  	v4 =	vadd.f32 v12, v4  }
0x77: {  	v0 =	vadd.f32 v1, v0  }
0x78: {  	v62 =	vmul.f32 v1, v1;
	v6 =	vadd.f32 v8, v6  }
0x79: {  	v12 =	vmul.f32 v8, v8;
	v5 =	vadd.f32 v9, v5;
	[tilespmem:$0x1AC30] =	vst v0  }
0x7a: {  	v63 =	vadd.f32 v62, v2;
	[tilespmem:$0x1AC00] =	vst v6  }
0x7b: {  	v59 =	vmul.f32 v9, v9;
	v58 =	vadd.f32 v12, v11;
	[tilespmem:$0x1AC10] =	vst v5  }
0x7c: {  	v60 =	vmul.f32 v7, v7;
	v3 =	vadd.f32 v7, v3;
	[tilespmem:$0x1ACB0] =	vst v63  }
0x7d: {  	v61 =	vadd.f32 v59, v10;
	[tilespmem:$0x1AC80] =	vst v58  }
0x7e: {  	v4 =	vadd.f32 v60, v4;
	[tilespmem:$0x1AC20] =	vst v3  }
0x7f: {  	[tilespmem:$0x1AC90] =	vst v61  }
0x80: {  	[tilespmem:$0x1ACA0] =	vst v4  }
0x81: {  	[hbm4b:s5+s2] =	stream.linear.scatter [tilespmem:s19], [sflag:$0x2], $0x100, $0x38;
	[tilespmem:$0x1AD00] =	vst v63  }
0x82: {  	s20 =	sadd.s32 $0x1, s20;
	_ =	swait.ge [sflag:s8], $0x100  }
0x83: {  	p0 =	sne.s32 s20, s7;
	[sflag:s8] =	ssyncset.done $0x0  }
.Ltmp4:
0x84: {  	[sflag:s8] =	ssyncadd.s32 $0xFFFFFF00;
	(pc) =	sbr.rel @p0 .LBB2_1-.Ltmp4, $4  }
0x85: {  	[hbm4b:s6+s2] =	stream.linear.scatter [tilespmem:s10], [sflag:$0x2], $0x14000, $0x38;
	[tilespmem:$0x1AD00] =	vst v63  }
0x86: {  	_ =	swait.ge [sflag:s8], $0x14000  }
0x87: {  	[sflag:s8] =	ssyncset.done $0x0  }
0x88: {  	[sflag:s8] =	ssyncadd.s32 $0xFFFEC000  }
0x89: {  	_ =	sfence.sel $0x180000  }
0x8a: {  	[bflag:$0x0] =	sbarrier.arrive $0xFFFF  }
0x8b: {  	p0 =	sne.s32 s0, $0x0;
	_ =	strace $0x90000050  }
0x8c: {  	s0 =	sadd.s32 @!p0 $0x100000, s1;
	[bflag:$0x2] =	sbarrier.arrive $0xFFFF  }
0x8d: {  	[sflag:s0] =	ssyncadd.tile.s32 @!p0 $0x1;
	_ =	shalt  }
.Lfunc_end2:
_tile_overlayer_lowered:
.L_overlay_start_2:
0x8e: {  	(tag) =	ssettag $0x2  }
0x8f: {  	s0 =	rddreg [dreg:$0x0];
	s2 =	stileid.u32  }
0x90: {  	s1 =	rddreg [dreg:$0x1];
	p0 =	sne.s32 s2, $0x0  }
0x91: {  	s3 =	rddreg [dreg:$0x2];
	[bflag:$0x3] =	sbarrier.arrive $0xFFFF;
	s2 =	simm.s32 @!p0 $0x1C02  }
0x92: {  	[timem:s3], [sflag:s2] =	dma.local @!p0 [hbm:s0], s1  }
0x93: {  	s0 =	simm.s32 @!p0 $0x2  }
0x94: {  	_ =	swait.ge @!p0 [sflag:s0], s1  }
0x95: {  	s1 =	ssub.s32 @!p0 $0x0, s1;
	[sflag:s0] =	ssyncset.done @!p0 $0x0  }
0x96: {  	[sflag:s0] =	ssyncadd.s32 @!p0 s1  }
0x97: {  	[bflag:$0x3] =	sbarrier.arrive $0xFFFF  }
0x98: {  	_ =	shalt  }

// kernel: kernel.14.cloned.1.call-start
scs
__scs_entry_jumppad:
0x0: {  	(pc) =	sbr.rel $0x88, $3  }
0x1: {  	(tag) =	ssettag $0x0;
	lr =	simm.s32 $0x1  }
0x2: {  	[smem:$0x3F95] =	sst lr;
	_ =	strace $0xD0000000  }
0x3: {  	_ = 	snop  }
0x4: {  	_ = 	snop  }
0x5: {  	_ = 	snop  }
0x6: {  	_ = 	snop  }
0x7: {  	_ = 	snop  }
__scs_overlays_trampoline_lowered:
0x8: {  	[smem:$0x3FA4] =	sst s0  }
0x9: {  	[smem:$0x3FA5] =	sst s1  }
0xa: {  	[smem:$0x3FA6] =	sst s2  }
0xb: {  	[smem:$0x3FA7] =	sst s3  }
0xc: {  	[smem:$0x3FA8] =	sst s4  }
0xd: {  	[smem:$0x3FA9] =	sst s5  }
0xe: {  	[smem:$0x3FAA] =	sst s6  }
0xf: {  	[smem:$0x3FAB] =	sst s7  }
0x10: {  	[smem:$0x3FAC] =	sst s8  }
0x11: {  	[smem:$0x3FAD] =	sst s9;
	s0 =	simm.s32 @!p0 $0x0  }
0x12: {  	s1 =	sld [smem:$0x3F93];
	s0 =	simm.s32 @p0 $0x1  }
0x13: {  	[smem:$0x3FAE] =	sst s0;
	s0 =	simm.s32 @!p1 $0x0  }
0x14: {  	s2 =	sld [smem:$0x3F92];
	s0 =	simm.s32 @p1 $0x1  }
0x15: {  	[smem:$0x3FAF] =	sst s0;
	s0 =	simm.s32 @!p2 $0x0  }
0x16: {  	s3 =	sld [smem:$0x3FDB];
	s0 =	simm.s32 @p2 $0x1  }
0x17: {  	s4 =	simm.s32 $0x1BF5;
	[smem:$0x3FB1] =	sst s0  }
0x18: {  	s0 =	sld [smem:$0x3F94];
	_ =	swait.ge [sflag:s4], $0x0  }
0x19: {  	s7 =	sld [smem:$0x3F95]  }
0x1a: {  	s8 =	sadd.s32 $0xFFFFE003, lr  }
0x1b: {  	s9 =	sadd.s32 $0xFFFFFEF7, lr;
	s5 =	simm.s32 $0xFFFFFFFF;
	p2 =	slt.u32 s8, $0xFFFFF086  }
0x1c: {  	p1 =	slt.u32 s9, $0xF7A;
	s5 =	simm.s32 @!p2 $0x0  }
0x1d: {  	s5 =	simm.s32 @p1 $0x1;
	p0 =	seq.s32 s7, s2  }
0x1e: {  	s7 =	smul.u32 @!p0 $0xF7A, s2;
	p2 =	seq.s32 @!p0 s5, $0x0  }
0x1f: {  	s9 =	smul.u32 $0xF7A, s1;
	s8 =	simm.s32 @!p0 $0x1BF5;
	p2 =	por !p2, p0  }
0x20: {  	[sflag:s8] =	ssyncset.s32 @!p0 $0xFFFFF086;
	s6 =	sadd.s32 @!p0 s3, s7;
	s7 =	simm.s32 @!p0 $0x108  }
0x21: {  	s3 =	sadd.s32 s3, s9;
	s6 =	sadd.s32 @!p0 $0x88, s6;
	s7 =	simm.s32 @p2 $0x1082  }
0x22: {  	[simem:s7], [sflag:s8] =	dma.local @!p0 [hbm:s6], $0xF7A  }
0x23: {  	s9 =	sor.u32 $0xD0000000, s2;
	s6 =	simm.s32 $0x108;
	_ =	swait.ge @!p0 [sflag:s8], $0x0  }
0x24: {  	s3 =	sadd.s32 $0x88, s3;
	s6 =	simm.s32 @!p1 $0x1082;
	[sflag:s4] =	ssyncset.s32 $0xFFFFF086  }
0x25: {  	[simem:s6], [sflag:s4] =	dma.local [hbm:s3], $0xF7A  }
0x26: {  	[smem:$0x3F95] =	sst s1;
	(tag) =	ssettag s2;
	_ =	strace s9  }
0x27: {  	s1 =	sld [smem:$0x3FA5]  }
0x28: {  	s2 =	sld [smem:$0x3FA6]  }
0x29: {  	s4 =	sld [smem:$0x3FA8]  }
0x2a: {  	p0 =	seq.s32 s5, $0x0;
	s5 =	sld [smem:$0x3FA9]  }
0x2b: {  	s6 =	sld [smem:$0x3FAA]  }
0x2c: {  	s7 =	sld [smem:$0x3FAB]  }
0x2d: {  	s3 =	simm.s32 $0x108;
	s8 =	sld [smem:$0x3FAC]  }
0x2e: {  	s3 =	simm.s32 @!p0 $0x1082;
	s9 =	sld [smem:$0x3FAD]  }
0x2f: {  	lr =	sadd.s32 s0, s3;
	s0 =	sld [smem:$0x3FA4]  }
0x30: {  	s3 =	sld [smem:$0x3FA7]  }
0x31: {  	[smem:$0x3FB0] =	sst s10  }
0x32: {  	s10 =	sld [smem:$0x3FAE];
	_ =	sdelay $0x3  }
0x33: {  	p0 =	seq.s32 s10, $0x1;
	s10 =	sld [smem:$0x3FB0];
	_ =	sdelay $0x3  }
0x34: {  	[smem:$0x3FB0] =	sst s10  }
0x35: {  	s10 =	sld [smem:$0x3FAF];
	_ =	sdelay $0x3  }
0x36: {  	p1 =	seq.s32 s10, $0x1;
	s10 =	sld [smem:$0x3FB0];
	_ =	sdelay $0x3  }
0x37: {  	[smem:$0x3FB0] =	sst s10  }
0x38: {  	s10 =	sld [smem:$0x3FB1]  }
0x39: {  	_ = 	snop;
	(pc) =	sbr.ind lr, $3  }
0x3a: {  	_ = 	snop  }
0x3b: {  	_ = 	snop  }
0x3c: {  	p2 =	seq.s32 s10, $0x1;
	s10 =	sld [smem:$0x3FB0]  }
0x3d: {  	_ =	shalt  }
0x3e: {  	_ =	shalt  }
0x3f: {  	_ =	shalt  }
0x40: {  	_ =	shalt  }
0x41: {  	_ =	shalt  }
0x42: {  	_ =	shalt  }
0x43: {  	_ =	shalt  }
0x44: {  	_ =	shalt  }
0x45: {  	_ =	shalt  }
0x46: {  	_ =	shalt  }
0x47: {  	_ =	shalt  }
0x48: {  	_ =	shalt  }
0x49: {  	_ =	shalt  }
0x4a: {  	_ =	shalt  }
0x4b: {  	_ =	shalt  }
0x4c: {  	_ =	shalt  }
0x4d: {  	_ =	shalt  }
0x4e: {  	_ =	shalt  }
0x4f: {  	_ =	shalt  }
0x50: {  	_ =	shalt  }
0x51: {  	_ =	shalt  }
0x52: {  	_ =	shalt  }
0x53: {  	_ =	shalt  }
0x54: {  	_ =	shalt  }
0x55: {  	_ =	shalt  }
0x56: {  	_ =	shalt  }
0x57: {  	_ =	shalt  }
0x58: {  	_ =	shalt  }
0x59: {  	_ =	shalt  }
0x5a: {  	_ =	shalt  }
0x5b: {  	_ =	shalt  }
0x5c: {  	_ =	shalt  }
0x5d: {  	_ =	shalt  }
0x5e: {  	_ =	shalt  }
0x5f: {  	_ =	shalt  }
0x60: {  	_ =	shalt  }
0x61: {  	_ =	shalt  }
0x62: {  	_ =	shalt  }
0x63: {  	_ =	shalt  }
0x64: {  	_ =	shalt  }
0x65: {  	_ =	shalt  }
0x66: {  	_ =	shalt  }
0x67: {  	_ =	shalt  }
0x68: {  	_ =	shalt  }
0x69: {  	_ =	shalt  }
0x6a: {  	_ =	shalt  }
0x6b: {  	_ =	shalt  }
0x6c: {  	_ =	shalt  }
0x6d: {  	_ =	shalt  }
0x6e: {  	_ =	shalt  }
0x6f: {  	_ =	shalt  }
0x70: {  	_ =	shalt  }
0x71: {  	_ =	shalt  }
0x72: {  	_ =	shalt  }
0x73: {  	_ =	shalt  }
0x74: {  	_ =	shalt  }
0x75: {  	_ =	shalt  }
0x76: {  	_ =	shalt  }
0x77: {  	_ =	shalt  }
0x78: {  	_ =	shalt  }
0x79: {  	_ =	shalt  }
0x7a: {  	_ =	shalt  }
0x7b: {  	_ =	shalt  }
0x7c: {  	_ =	shalt  }
0x7d: {  	_ =	shalt  }
0x7e: {  	_ =	shalt  }
0x7f: {  	_ =	shalt  }
0x80: {  	_ =	shalt  }
0x81: {  	_ =	shalt  }
0x82: {  	_ =	shalt  }
0x83: {  	_ =	shalt  }
0x84: {  	_ =	shalt  }
0x85: {  	_ =	shalt  }
0x86: {  	_ =	shalt  }
0x87: {  	_ =	shalt  }
.Lfunc_end0:
.L_simem_size_0:
called_computation.4_lowered:
.L_overlay_start_0:
0x88: {  	s2 =	sld [smem:$0x3FD9]  }
0x89: {  	s3 =	sld [smem:$0x3FFE];
	_ =	sdelay $0x1  }
0x8a: {  	s1 =	srdreg.scid  }
0x8b: {  	s0 =	sand.u32 $0x1, s1  }
0x8c: {  	s14 =	sshll.u32 s0, $0xA;
	s2 =	sadd.s32 s3, s2  }
0x8d: {  	s2 =	sadd.s32 s2, s14  }
0x8e: {  	[smem:$0x3FBC] =	sst s2  }
0x8f: {  	_ = 	snop  }
0x90: {  	s2 =	sld [smem:$0x3FD0];
	_ =	sdelay $0x2  }
0x91: {  	s15 =	simm.s32 $0xB;
	s4 =	simm.s32 $0x10  }
0x92: {  	[smem:s4], [sflag:s15] =	dma.local [hbm:s2], $0x1  }
0x93: {  	_ =	swait.eq [sflag:s15], $0x1  }
0x94: {  	[sflag:s15] =	ssyncset.done $0x0  }
0x95: {  	[sflag:s15] =	ssyncadd.s32 $0xFFFFFFFF  }
0x96: {  	s16 =	sld [smem:$0x10];
	(tm) =	ssettm $0x1  }
0x97: {  	s17 =	sld [smem:$0x3FFB];
	_ =	sdelay $0x3  }
0x98: {  	_ =	strace s17  }
0x99: {  	s3 =	sld [smem:$0x3FFC];
	_ =	sdelay $0x3  }
0x9a: {  	_ =	strace s3  }
0x9b: {  	s3 =	sld [smem:$0x3FFD];
	_ =	sdelay $0x3  }
0x9c: {  	_ =	strace s3  }
0x9d: {  	_ =	strace $0x8FFFFFFF  }
0x9e: {  	s18 =	sld [smem:$0x3FDB];
	_ =	sdelay $0x1  }
0x9f: {  	s19 =	simm.s32 $_scs_section_size  }
0xa0: {  	s5 =	simm.s32 $_size__tile_overlayer_lowered;
	s6 =	simm.s32 $_tile_overlayer_lowered  }
0xa1: {  	s22 =	simm.s32 $0x1BFF;
	s21 =	sshll.u32 s6, $0x1;
	s3 =	sadd.s32 s19, s18  }
0xa2: {  	s7 =	simm.s32 $0x0;
	s20 =	sshll.u32 s5, $0x1;
	s5 =	sadd.s32 s21, s3  }
0xa3: {  	[timem:s7], [sflag:s22] =	dma.local [hbm:s5], s20  }
0xa4: {  	_ =	swait.ge [sflag:s22], s20  }
0xa5: {  	s4 =	ssub.s32 $0x0, s20;
	[sflag:s22] =	ssyncset.done $0x0  }
0xa6: {  	[sflag:s22] =	ssyncadd.s32 s4;
	_ =	sdelay $0x1  }
0xa7: {  	s23 =	simm.s32 $0x1B8B  }
0xa8: {  	_ =	swait.ge [sflag:s23], $0x1  }
0xa9: {  	[sflag:s23] =	ssyncset.done $0x0  }
0xaa: {  	s25 =	simm.s32 $0x1B8E;
	s24 =	sld [smem:$0x3FFE];
	[sflag:s23] =	ssyncadd.s32 $0xFFFFFFFF  }
0xab: {  	s26 =	simm.s32 $execute0_lowered;
	[smem:$0x3FD2] =	sst s25  }
0xac: {  	s5 =	sshll.u32 s26, $0x1;
	_ =	strace $0x80000052;
	[dreg:$0x1] =	wrdreg $0xFFFFFFFF  }
0xad: {  	s28 =	simm.s32 $_size_execute0_lowered;
	s3 =	sadd.s32 s3, s5;
	[dreg:$0x0] =	wrdreg $0x0  }
0xae: {  	s5 =	sshll.u32 s28, $0x1;
	[dreg:$0x2] =	wrdreg s3  }
0xaf: {  	[dreg:$0x3] =	wrdreg s5  }
0xb0: {  	[dreg:$0x4] =	wrdreg $0xC0  }
0xb1: {  	_ =	task [dreg:s7], $0x5FFFF  }
0xb2: {  	[dreg:$0x1] =	wrdreg $0xFFFFFFFF  }
0xb3: {  	[dreg:$0x0] =	wrdreg $0x60  }
0xb4: {  	[dreg:$0x2] =	wrdreg s24  }
0xb5: {  	[dreg:$0x3] =	wrdreg s16  }
0xb6: {  	[dreg:$0x4] =	wrdreg $0x9  }
0xb7: {  	_ =	task.clear_ibuf [dreg:s7], $0x5FFFF;
	_ =	strace $0x90000052  }
0xb8: {  	s29 =	simm.s32 $0x9;
	_ =	strace $0x80000054  }
0xb9: {  	_ =	swait.ge [sflag:s29], $0x1  }
0xba: {  	[sflag:s29] =	ssyncadd.s32 $0xFFFFFFFF  }
0xbb: {  	_ =	strace $0x90000054  }
0xbc: {  	_ =	sfence  }
0xbd: {  	s30 =	sld [smem:$0x0];
	_ =	sdelay $0x2  }
0xbe: {  	s31 =	sshll.u32 s1, $0xD;
	s1 =	sshrl.u32 s1, $0x2  }
0xbf: {  	s3 =	sand.u32 $0x4000, s31;
	s1 =	sadd.s32 s1, s30  }
0xc0: {  	s0 =	sor.u32 s3, s0;
	s1 =	sshll.u32 s1, $0x11  }
0xc1: {  	s0 =	sor.u32 s1, s0  }
0xc2: {  	s0 =	sadd.s32 $0x8F2B, s0  }
0xc3: {  	[sflag:s0] =	ssyncadd.remote.s32 $0x1  }
0xc4: {  	_ =	sfence.sel $0xFFFF  }
0xc5: {  	[dreg:$0x0] =	wrdreg $0xFFFFFFFF;
	(pc) =	sbr.abs _section_cstart, $3  }
0xc6: {  	[dreg:$0x1] =	wrdreg $0xFFFFFFFF  }
0xc7: {  	_ =	task.clear_ibuf [dreg:s7], $0x2FFFF;
	_ =	strace $0x9FFFFFFF  }
0xc8: {  	(tm) =	ssettm $0x7FFFFFFF  }
0xc9: {  	_ =	shalt  }
tec
execute0_lowered:
.L_overlay_start_1:
0x0: {  	(tag) =	ssettag $0x1  }
0x1: {  	s1 =	srdreg.scid  }
0x2: {  	s14 =	rddreg [dreg:$0x0];
	s0 =	stileid.u32;
	s19 =	sand.u32 $0x1, s1  }
0x3: {  	s3 =	rddreg [dreg:$0x1];
	s4 =	sshll.u32 s0, $0xB;
	s5 =	sshll.u32 s19, $0xA  }
0x4: {  	s2 =	simm.s32 $0x0;
	s1 =	rddreg [dreg:$0x2];
	s15 =	sor.u32 s5, s4  }
0x5: {  	[smem:$0x7FF] =	sst s2;
	s4 =	sshrl.u32 s15, $0x3  }
0x6: {  	_ =	strace $0x80000053;
	s4 =	sadd.s32 s3, s4;
	s3 =	simm.s32 $0x2  }
0x7: {  	[tilespmem:s2], [sflag:$0x2] =	stream.linear.gather [hbm4b:s4+s2], $0x400, $0x38;
	[tilespmem:$0x10400] =	vst v63  }
0x8: {  	_ =	swait.ge [sflag:s3], $0x400  }
0x9: {  	s6 =	simm.s32 $0x80;
	[sflag:s3] =	ssyncset.done $0x0  }
0xa: {  	s7 =	simm.s32 $0x400;
	s5 =	sadd.s32 $0x8A1A00, s14;
	[sflag:s3] =	ssyncadd.s32 $0xFFFFFC00  }
0xb: {  	[tilespmem:s7], [sflag:$0x1] =	stream.indirect.gather [hbm4b:s5+s6], $0x80, s2, s6, $0xb8;
	[tilespmem:$0x10400] =	vst v63  }
0xc: {  	s8 =	simm.s32 $0x4400  }
0xd: {  	[tilespmem:s8], [sflag:$0x1] =	stream.indirect.gather [hbm4b:s5+s6], $0x80, s6, s6, $0xb8;
	[tilespmem:$0x10400] =	vst v63  }
0xe: {  	s9 =	simm.s32 $0x100;
	s10 =	simm.s32 $0x8400  }
0xf: {  	[tilespmem:s10], [sflag:$0x1] =	stream.indirect.gather [hbm4b:s5+s6], $0x80, s9, s6, $0xb8;
	[tilespmem:$0x10400] =	vst v63  }
0x10: {  	s11 =	simm.s32 $0x180;
	s12 =	simm.s32 $0xC400;
	s13 =	simm.s32 $0x1  }
0x11: {  	[tilespmem:s12], [sflag:$0x1] =	stream.indirect.gather [hbm4b:s5+s6], $0x80, s11, s6, $0xb8;
	[tilespmem:$0x10400] =	vst v63  }
0x12: {  	_ =	swait.ge [sflag:s13], $0x4000  }
0x13: {  	[sflag:s13] =	ssyncset.done $0x0  }
0x14: {  	[sflag:s13] =	ssyncadd.s32 $0xFFFFC000  }
0x15: {  	_ =	swait.ge [sflag:s13], $0x4000  }
0x16: {  	[sflag:s13] =	ssyncset.done $0x0  }
0x17: {  	[sflag:s13] =	ssyncadd.s32 $0xFFFFC000  }
0x18: {  	_ =	swait.ge [sflag:s13], $0x4000  }
0x19: {  	[sflag:s13] =	ssyncset.done $0x0  }
0x1a: {  	[sflag:s13] =	ssyncadd.s32 $0xFFFFC000  }
0x1b: {  	s15 =	sshll.u32 s15, $0x4;
	_ =	swait.ge [sflag:s13], $0x4000  }
0x1c: {  	s20 =	sadd.s32 s15, s14;
	[sflag:s13] =	ssyncset.done $0x0  }
0x1d: {  	s14 =	sadd.s32 $0x3000, s20;
	[sflag:s13] =	ssyncadd.s32 $0xFFFFC000  }
0x1e: {  	[hbm4b:s14+s2] =	stream.linear.scatter [tilespmem:s7], [sflag:$0x2], $0x10000, $0x38;
	[tilespmem:$0x10400] =	vst v63  }
0x1f: {  	_ =	swait.ge [sflag:s3], $0x10000  }
0x20: {  	[sflag:s3] =	ssyncset.done $0x0  }
0x21: {  	s15 =	simm.s32 $0x200;
	[sflag:s3] =	ssyncadd.s32 $0xFFFF0000  }
0x22: {  	[tilespmem:s7], [sflag:$0x1] =	stream.indirect.gather [hbm4b:s5+s6], $0x80, s15, s6, $0xb8;
	[tilespmem:$0x10400] =	vst v63  }
0x23: {  	s16 =	simm.s32 $0x280  }
0x24: {  	[tilespmem:s8], [sflag:$0x1] =	stream.indirect.gather [hbm4b:s5+s6], $0x80, s16, s6, $0xb8;
	[tilespmem:$0x10400] =	vst v63  }
0x25: {  	s17 =	simm.s32 $0x300  }
0x26: {  	[tilespmem:s10], [sflag:$0x1] =	stream.indirect.gather [hbm4b:s5+s6], $0x80, s17, s6, $0xb8;
	[tilespmem:$0x10400] =	vst v63  }
0x27: {  	s18 =	simm.s32 $0x380  }
0x28: {  	[tilespmem:s12], [sflag:$0x1] =	stream.indirect.gather [hbm4b:s5+s6], $0x80, s18, s6, $0xb8;
	[tilespmem:$0x10400] =	vst v63  }
0x29: {  	_ =	swait.ge [sflag:s13], $0x4000  }
0x2a: {  	[sflag:s13] =	ssyncset.done $0x0  }
0x2b: {  	[sflag:s13] =	ssyncadd.s32 $0xFFFFC000  }
0x2c: {  	_ =	swait.ge [sflag:s13], $0x4000  }
0x2d: {  	[sflag:s13] =	ssyncset.done $0x0  }
0x2e: {  	s19 =	ssub.s32 $0x2, s19;
	[sflag:s13] =	ssyncadd.s32 $0xFFFFC000  }
0x2f: {  	s21 =	sshrl.u32 s19, $0x1;
	_ =	swait.ge [sflag:s13], $0x4000  }
0x30: {  	s21 =	ssub.s32 s19, s21;
	[sflag:s13] =	ssyncset.done $0x0  }
0x31: {  	s31 =	smax.u32 s21, $0x1;
	[sflag:s13] =	ssyncadd.s32 $0xFFFFC000  }
0x32: {  	p0 =	sne.s32 s31, $0x1;
	_ =	swait.ge [sflag:s13], $0x4000  }
.Ltmp0:
0x33: {  	[sflag:s13] =	ssyncset.done $0x0;
	(pc) =	sbr.rel @!p0 .LBB2_2-.Ltmp0, $4  }
0x34: {  	s19 =	sadd.s32 $0x5000, s20;
	[sflag:s13] =	ssyncadd.s32 $0xFFFFC000  }
0x35: {  	[hbm4b:s19+s2] =	stream.linear.scatter [tilespmem:s7], [sflag:$0x2], $0x10000, $0x38;
	[tilespmem:$0x10400] =	vst v63  }
0x36: {  	_ =	swait.ge [sflag:s3], $0x10000  }
0x37: {  	s20 =	sadd.s32 $0xFFFFFFFF, s31;
	[sflag:s3] =	ssyncset.done $0x0  }
.LBB2_1:
0x38: {  	p0 =	sne.s32 s20, $0x1;
	s20 =	sadd.s32 $0xFFFFFFFF, s20;
	[sflag:s3] =	ssyncadd.s32 $0xFFFF0000  }
0x39: {  	[tilespmem:s2], [sflag:$0x2] =	stream.linear.gather [hbm4b:s4+s2], $0x400, $0x38;
	[tilespmem:$0x10400] =	vst v63  }
0x3a: {  	_ =	swait.ge [sflag:s3], $0x400  }
0x3b: {  	[sflag:s3] =	ssyncset.done $0x0  }
0x3c: {  	[sflag:s3] =	ssyncadd.s32 $0xFFFFFC00  }
0x3d: {  	[tilespmem:s7], [sflag:$0x1] =	stream.indirect.gather [hbm4b:s5+s6], $0x80, s2, s6, $0xb8;
	[tilespmem:$0x10400] =	vst v63  }
0x3e: {  	_ = 	snop  }
0x3f: {  	[tilespmem:s8], [sflag:$0x1] =	stream.indirect.gather [hbm4b:s5+s6], $0x80, s6, s6, $0xb8;
	[tilespmem:$0x10400] =	vst v63  }
0x40: {  	_ = 	snop  }
0x41: {  	[tilespmem:s10], [sflag:$0x1] =	stream.indirect.gather [hbm4b:s5+s6], $0x80, s9, s6, $0xb8;
	[tilespmem:$0x10400] =	vst v63  }
0x42: {  	_ = 	snop  }
0x43: {  	[tilespmem:s12], [sflag:$0x1] =	stream.indirect.gather [hbm4b:s5+s6], $0x80, s11, s6, $0xb8;
	[tilespmem:$0x10400] =	vst v63  }
0x44: {  	_ =	swait.ge [sflag:s13], $0x4000  }
0x45: {  	[sflag:s13] =	ssyncset.done $0x0  }
0x46: {  	[sflag:s13] =	ssyncadd.s32 $0xFFFFC000  }
0x47: {  	_ =	swait.ge [sflag:s13], $0x4000  }
0x48: {  	[sflag:s13] =	ssyncset.done $0x0  }
0x49: {  	[sflag:s13] =	ssyncadd.s32 $0xFFFFC000  }
0x4a: {  	_ =	swait.ge [sflag:s13], $0x4000  }
0x4b: {  	[sflag:s13] =	ssyncset.done $0x0  }
0x4c: {  	[sflag:s13] =	ssyncadd.s32 $0xFFFFC000  }
0x4d: {  	_ =	swait.ge [sflag:s13], $0x4000  }
0x4e: {  	[sflag:s13] =	ssyncset.done $0x0  }
0x4f: {  	[sflag:s13] =	ssyncadd.s32 $0xFFFFC000  }
0x50: {  	[hbm4b:s14+s2] =	stream.linear.scatter [tilespmem:s7], [sflag:$0x2], $0x10000, $0x38;
	[tilespmem:$0x10400] =	vst v63  }
0x51: {  	_ =	swait.ge [sflag:s3], $0x10000  }
0x52: {  	[sflag:s3] =	ssyncset.done $0x0  }
0x53: {  	[sflag:s3] =	ssyncadd.s32 $0xFFFF0000  }
0x54: {  	[tilespmem:s7], [sflag:$0x1] =	stream.indirect.gather [hbm4b:s5+s6], $0x80, s15, s6, $0xb8;
	[tilespmem:$0x10400] =	vst v63  }
0x55: {  	_ = 	snop  }
0x56: {  	[tilespmem:s8], [sflag:$0x1] =	stream.indirect.gather [hbm4b:s5+s6], $0x80, s16, s6, $0xb8;
	[tilespmem:$0x10400] =	vst v63  }
0x57: {  	_ = 	snop  }
0x58: {  	[tilespmem:s10], [sflag:$0x1] =	stream.indirect.gather [hbm4b:s5+s6], $0x80, s17, s6, $0xb8;
	[tilespmem:$0x10400] =	vst v63  }
0x59: {  	_ = 	snop  }
0x5a: {  	[tilespmem:s12], [sflag:$0x1] =	stream.indirect.gather [hbm4b:s5+s6], $0x80, s18, s6, $0xb8;
	[tilespmem:$0x10400] =	vst v63  }
0x5b: {  	_ =	swait.ge [sflag:s13], $0x4000  }
0x5c: {  	[sflag:s13] =	ssyncset.done $0x0  }
0x5d: {  	[sflag:s13] =	ssyncadd.s32 $0xFFFFC000  }
0x5e: {  	_ =	swait.ge [sflag:s13], $0x4000  }
0x5f: {  	[sflag:s13] =	ssyncset.done $0x0  }
0x60: {  	[sflag:s13] =	ssyncadd.s32 $0xFFFFC000  }
0x61: {  	_ =	swait.ge [sflag:s13], $0x4000  }
0x62: {  	[sflag:s13] =	ssyncset.done $0x0  }
0x63: {  	[sflag:s13] =	ssyncadd.s32 $0xFFFFC000  }
0x64: {  	_ =	swait.ge [sflag:s13], $0x4000  }
.Ltmp1:
0x65: {  	[sflag:s13] =	ssyncset.done $0x0;
	(pc) =	sbr.rel @p0 .LBB2_1-.Ltmp1, $4  }
0x66: {  	[sflag:s13] =	ssyncadd.s32 $0xFFFFC000  }
0x67: {  	[hbm4b:s19+s2] =	stream.linear.scatter [tilespmem:s7], [sflag:$0x2], $0x10000, $0x38;
	[tilespmem:$0x10400] =	vst v63  }
0x68: {  	_ =	swait.ge [sflag:s3], $0x10000  }
0x69: {  	[sflag:s3] =	ssyncset.done $0x0  }
.LBB2_2:
0x6a: {  	[sflag:s3] =	ssyncadd.s32 $0xFFFF0000  }
0x6b: {  	_ =	sfence.sel $0x180000  }
0x6c: {  	[bflag:$0x0] =	sbarrier.arrive $0xFFFF  }
0x6d: {  	p0 =	sne.s32 s0, $0x0;
	_ =	strace $0x90000053  }
0x6e: {  	s0 =	sadd.s32 @!p0 $0x100000, s1;
	[bflag:$0x2] =	sbarrier.arrive $0xFFFF  }
0x6f: {  	[sflag:s0] =	ssyncadd.tile.s32 @!p0 $0x1;
	_ =	shalt  }
.Lfunc_end2:
_tile_overlayer_lowered:
.L_overlay_start_2:
0x70: {  	(tag) =	ssettag $0x2  }
0x71: {  	s0 =	rddreg [dreg:$0x0];
	s2 =	stileid.u32  }
0x72: {  	s1 =	rddreg [dreg:$0x1];
	p0 =	sne.s32 s2, $0x0  }
0x73: {  	s3 =	rddreg [dreg:$0x2];
	[bflag:$0x3] =	sbarrier.arrive $0xFFFF;
	s2 =	simm.s32 @!p0 $0x1C02  }
0x74: {  	[timem:s3], [sflag:s2] =	dma.local @!p0 [hbm:s0], s1  }
0x75: {  	s0 =	simm.s32 @!p0 $0x2  }
0x76: {  	_ =	swait.ge @!p0 [sflag:s0], s1  }
0x77: {  	s1 =	ssub.s32 @!p0 $0x0, s1;
	[sflag:s0] =	ssyncset.done @!p0 $0x0  }
0x78: {  	[sflag:s0] =	ssyncadd.s32 @!p0 s1  }
0x79: {  	[bflag:$0x3] =	sbarrier.arrive $0xFFFF  }
0x7a: {  	_ =	shalt  }

// kernel: kernel.8.cloned.1.call-start
scs
__scs_entry_jumppad:
0x0: {  	(pc) =	sbr.rel $0x88, $3  }
0x1: {  	(tag) =	ssettag $0x0;
	lr =	simm.s32 $0x1  }
0x2: {  	[smem:$0x3F95] =	sst lr;
	_ =	strace $0xD0000000  }
0x3: {  	_ = 	snop  }
0x4: {  	_ = 	snop  }
0x5: {  	_ = 	snop  }
0x6: {  	_ = 	snop  }
0x7: {  	_ = 	snop  }
__scs_overlays_trampoline_lowered:
0x8: {  	[smem:$0x3FA4] =	sst s0  }
0x9: {  	[smem:$0x3FA5] =	sst s1  }
0xa: {  	[smem:$0x3FA6] =	sst s2  }
0xb: {  	[smem:$0x3FA7] =	sst s3  }
0xc: {  	[smem:$0x3FA8] =	sst s4  }
0xd: {  	[smem:$0x3FA9] =	sst s5  }
0xe: {  	[smem:$0x3FAA] =	sst s6  }
0xf: {  	[smem:$0x3FAB] =	sst s7  }
0x10: {  	[smem:$0x3FAC] =	sst s8  }
0x11: {  	[smem:$0x3FAD] =	sst s9;
	s0 =	simm.s32 @!p0 $0x0  }
0x12: {  	s1 =	sld [smem:$0x3F93];
	s0 =	simm.s32 @p0 $0x1  }
0x13: {  	[smem:$0x3FAE] =	sst s0;
	s0 =	simm.s32 @!p1 $0x0  }
0x14: {  	s2 =	sld [smem:$0x3F92];
	s0 =	simm.s32 @p1 $0x1  }
0x15: {  	[smem:$0x3FAF] =	sst s0;
	s0 =	simm.s32 @!p2 $0x0  }
0x16: {  	s3 =	sld [smem:$0x3FDB];
	s0 =	simm.s32 @p2 $0x1  }
0x17: {  	s4 =	simm.s32 $0x1BF5;
	[smem:$0x3FB1] =	sst s0  }
0x18: {  	s0 =	sld [smem:$0x3F94];
	_ =	swait.ge [sflag:s4], $0x0  }
0x19: {  	s7 =	sld [smem:$0x3F95]  }
0x1a: {  	s8 =	sadd.s32 $0xFFFFE003, lr  }
0x1b: {  	s9 =	sadd.s32 $0xFFFFFEF7, lr;
	s5 =	simm.s32 $0xFFFFFFFF;
	p2 =	slt.u32 s8, $0xFFFFF086  }
0x1c: {  	p1 =	slt.u32 s9, $0xF7A;
	s5 =	simm.s32 @!p2 $0x0  }
0x1d: {  	s5 =	simm.s32 @p1 $0x1;
	p0 =	seq.s32 s7, s2  }
0x1e: {  	s7 =	smul.u32 @!p0 $0xF7A, s2;
	p2 =	seq.s32 @!p0 s5, $0x0  }
0x1f: {  	s9 =	smul.u32 $0xF7A, s1;
	s8 =	simm.s32 @!p0 $0x1BF5;
	p2 =	por !p2, p0  }
0x20: {  	[sflag:s8] =	ssyncset.s32 @!p0 $0xFFFFF086;
	s6 =	sadd.s32 @!p0 s3, s7;
	s7 =	simm.s32 @!p0 $0x108  }
0x21: {  	s3 =	sadd.s32 s3, s9;
	s6 =	sadd.s32 @!p0 $0x88, s6;
	s7 =	simm.s32 @p2 $0x1082  }
0x22: {  	[simem:s7], [sflag:s8] =	dma.local @!p0 [hbm:s6], $0xF7A  }
0x23: {  	s9 =	sor.u32 $0xD0000000, s2;
	s6 =	simm.s32 $0x108;
	_ =	swait.ge @!p0 [sflag:s8], $0x0  }
0x24: {  	s3 =	sadd.s32 $0x88, s3;
	s6 =	simm.s32 @!p1 $0x1082;
	[sflag:s4] =	ssyncset.s32 $0xFFFFF086  }
0x25: {  	[simem:s6], [sflag:s4] =	dma.local [hbm:s3], $0xF7A  }
0x26: {  	[smem:$0x3F95] =	sst s1;
	(tag) =	ssettag s2;
	_ =	strace s9  }
0x27: {  	s1 =	sld [smem:$0x3FA5]  }
0x28: {  	s2 =	sld [smem:$0x3FA6]  }
0x29: {  	s4 =	sld [smem:$0x3FA8]  }
0x2a: {  	p0 =	seq.s32 s5, $0x0;
	s5 =	sld [smem:$0x3FA9]  }
0x2b: {  	s6 =	sld [smem:$0x3FAA]  }
0x2c: {  	s7 =	sld [smem:$0x3FAB]  }
0x2d: {  	s3 =	simm.s32 $0x108;
	s8 =	sld [smem:$0x3FAC]  }
0x2e: {  	s3 =	simm.s32 @!p0 $0x1082;
	s9 =	sld [smem:$0x3FAD]  }
0x2f: {  	lr =	sadd.s32 s0, s3;
	s0 =	sld [smem:$0x3FA4]  }
0x30: {  	s3 =	sld [smem:$0x3FA7]  }
0x31: {  	[smem:$0x3FB0] =	sst s10  }
0x32: {  	s10 =	sld [smem:$0x3FAE];
	_ =	sdelay $0x3  }
0x33: {  	p0 =	seq.s32 s10, $0x1;
	s10 =	sld [smem:$0x3FB0];
	_ =	sdelay $0x3  }
0x34: {  	[smem:$0x3FB0] =	sst s10  }
0x35: {  	s10 =	sld [smem:$0x3FAF];
	_ =	sdelay $0x3  }
0x36: {  	p1 =	seq.s32 s10, $0x1;
	s10 =	sld [smem:$0x3FB0];
	_ =	sdelay $0x3  }
0x37: {  	[smem:$0x3FB0] =	sst s10  }
0x38: {  	s10 =	sld [smem:$0x3FB1]  }
0x39: {  	_ = 	snop;
	(pc) =	sbr.ind lr, $3  }
0x3a: {  	_ = 	snop  }
0x3b: {  	_ = 	snop  }
0x3c: {  	p2 =	seq.s32 s10, $0x1;
	s10 =	sld [smem:$0x3FB0]  }
0x3d: {  	_ =	shalt  }
0x3e: {  	_ =	shalt  }
0x3f: {  	_ =	shalt  }
0x40: {  	_ =	shalt  }
0x41: {  	_ =	shalt  }
0x42: {  	_ =	shalt  }
0x43: {  	_ =	shalt  }
0x44: {  	_ =	shalt  }
0x45: {  	_ =	shalt  }
0x46: {  	_ =	shalt  }
0x47: {  	_ =	shalt  }
0x48: {  	_ =	shalt  }
0x49: {  	_ =	shalt  }
0x4a: {  	_ =	shalt  }
0x4b: {  	_ =	shalt  }
0x4c: {  	_ =	shalt  }
0x4d: {  	_ =	shalt  }
0x4e: {  	_ =	shalt  }
0x4f: {  	_ =	shalt  }
0x50: {  	_ =	shalt  }
0x51: {  	_ =	shalt  }
0x52: {  	_ =	shalt  }
0x53: {  	_ =	shalt  }
0x54: {  	_ =	shalt  }
0x55: {  	_ =	shalt  }
0x56: {  	_ =	shalt  }
0x57: {  	_ =	shalt  }
0x58: {  	_ =	shalt  }
0x59: {  	_ =	shalt  }
0x5a: {  	_ =	shalt  }
0x5b: {  	_ =	shalt  }
0x5c: {  	_ =	shalt  }
0x5d: {  	_ =	shalt  }
0x5e: {  	_ =	shalt  }
0x5f: {  	_ =	shalt  }
0x60: {  	_ =	shalt  }
0x61: {  	_ =	shalt  }
0x62: {  	_ =	shalt  }
0x63: {  	_ =	shalt  }
0x64: {  	_ =	shalt  }
0x65: {  	_ =	shalt  }
0x66: {  	_ =	shalt  }
0x67: {  	_ =	shalt  }
0x68: {  	_ =	shalt  }
0x69: {  	_ =	shalt  }
0x6a: {  	_ =	shalt  }
0x6b: {  	_ =	shalt  }
0x6c: {  	_ =	shalt  }
0x6d: {  	_ =	shalt  }
0x6e: {  	_ =	shalt  }
0x6f: {  	_ =	shalt  }
0x70: {  	_ =	shalt  }
0x71: {  	_ =	shalt  }
0x72: {  	_ =	shalt  }
0x73: {  	_ =	shalt  }
0x74: {  	_ =	shalt  }
0x75: {  	_ =	shalt  }
0x76: {  	_ =	shalt  }
0x77: {  	_ =	shalt  }
0x78: {  	_ =	shalt  }
0x79: {  	_ =	shalt  }
0x7a: {  	_ =	shalt  }
0x7b: {  	_ =	shalt  }
0x7c: {  	_ =	shalt  }
0x7d: {  	_ =	shalt  }
0x7e: {  	_ =	shalt  }
0x7f: {  	_ =	shalt  }
0x80: {  	_ =	shalt  }
0x81: {  	_ =	shalt  }
0x82: {  	_ =	shalt  }
0x83: {  	_ =	shalt  }
0x84: {  	_ =	shalt  }
0x85: {  	_ =	shalt  }
0x86: {  	_ =	shalt  }
0x87: {  	_ =	shalt  }
.Lfunc_end0:
.L_simem_size_0:
called_computation.2_lowered:
.L_overlay_start_0:
0x88: {  	s2 =	sld [smem:$0x3FD9]  }
0x89: {  	s3 =	sld [smem:$0x3FFE];
	_ =	sdelay $0x1  }
0x8a: {  	s1 =	srdreg.scid  }
0x8b: {  	s0 =	sand.u32 $0x1, s1  }
0x8c: {  	s16 =	sshll.u32 s0, $0xA;
	s2 =	sadd.s32 s3, s2  }
0x8d: {  	s2 =	sadd.s32 s2, s16  }
0x8e: {  	[smem:$0x3FBC] =	sst s2  }
0x8f: {  	_ = 	snop  }
0x90: {  	(tm) =	ssettm $0x1  }
0x91: {  	s17 =	sld [smem:$0x3FFB];
	_ =	sdelay $0x3  }
0x92: {  	_ =	strace s17  }
0x93: {  	s2 =	sld [smem:$0x3FFC];
	_ =	sdelay $0x3  }
0x94: {  	_ =	strace s2  }
0x95: {  	s2 =	sld [smem:$0x3FFD];
	_ =	sdelay $0x3  }
0x96: {  	_ =	strace s2  }
0x97: {  	_ =	strace $0x8FFFFFFF  }
0x98: {  	s18 =	sld [smem:$0x3FDB];
	_ =	sdelay $0x1  }
0x99: {  	s19 =	simm.s32 $_scs_section_size  }
0x9a: {  	s4 =	simm.s32 $_size__tile_overlayer_lowered;
	s5 =	simm.s32 $_tile_overlayer_lowered  }
0x9b: {  	s22 =	simm.s32 $0x1BFF;
	s21 =	sshll.u32 s5, $0x1;
	s2 =	sadd.s32 s19, s18  }
0x9c: {  	s6 =	simm.s32 $0x0;
	s20 =	sshll.u32 s4, $0x1;
	s4 =	sadd.s32 s21, s2  }
0x9d: {  	[timem:s6], [sflag:s22] =	dma.local [hbm:s4], s20  }
0x9e: {  	_ =	swait.ge [sflag:s22], s20  }
0x9f: {  	s3 =	ssub.s32 $0x0, s20;
	[sflag:s22] =	ssyncset.done $0x0  }
0xa0: {  	[sflag:s22] =	ssyncadd.s32 s3;
	_ =	sdelay $0x1  }
0xa1: {  	s23 =	simm.s32 $0x1B8B  }
0xa2: {  	_ =	swait.ge [sflag:s23], $0x1  }
0xa3: {  	[sflag:s23] =	ssyncset.done $0x0  }
0xa4: {  	s25 =	simm.s32 $0x1B8E;
	s24 =	sld [smem:$0x3FFE];
	[sflag:s23] =	ssyncadd.s32 $0xFFFFFFFF  }
0xa5: {  	s26 =	simm.s32 $execute0_lowered;
	[smem:$0x3FD2] =	sst s25  }
0xa6: {  	s4 =	sshll.u32 s26, $0x1;
	_ =	strace $0x80000049;
	[dreg:$0x1] =	wrdreg $0xFFFFFFFF  }
0xa7: {  	s28 =	simm.s32 $_size_execute0_lowered;
	s2 =	sadd.s32 s2, s4;
	[dreg:$0x0] =	wrdreg $0x0  }
0xa8: {  	s4 =	sshll.u32 s28, $0x1;
	[dreg:$0x2] =	wrdreg s2  }
0xa9: {  	[dreg:$0x3] =	wrdreg s4  }
0xaa: {  	[dreg:$0x4] =	wrdreg $0xC0  }
0xab: {  	_ =	task [dreg:s6], $0x5FFFF  }
0xac: {  	[dreg:$0x1] =	wrdreg $0xFFFFFFFF  }
0xad: {  	[dreg:$0x0] =	wrdreg $0x60  }
0xae: {  	[dreg:$0x2] =	wrdreg s24  }
0xaf: {  	[dreg:$0x3] =	wrdreg $0x9  }
0xb0: {  	_ =	task.clear_ibuf [dreg:s6], $0x4FFFF;
	_ =	strace $0x90000049  }
0xb1: {  	s29 =	simm.s32 $0x9;
	_ =	strace $0x8000004B  }
0xb2: {  	_ =	swait.ge [sflag:s29], $0x1  }
0xb3: {  	[sflag:s29] =	ssyncadd.s32 $0xFFFFFFFF  }
0xb4: {  	_ =	strace $0x9000004B  }
0xb5: {  	_ =	sfence  }
0xb6: {  	s30 =	sld [smem:$0x0];
	_ =	sdelay $0x2  }
0xb7: {  	s31 =	sshll.u32 s1, $0xD;
	s1 =	sshrl.u32 s1, $0x2  }
0xb8: {  	s3 =	sand.u32 $0x4000, s31;
	s1 =	sadd.s32 s1, s30  }
0xb9: {  	s0 =	sor.u32 s3, s0;
	s1 =	sshll.u32 s1, $0x11  }
0xba: {  	s0 =	sor.u32 s1, s0  }
0xbb: {  	s0 =	sadd.s32 $0x8F2B, s0  }
0xbc: {  	[sflag:s0] =	ssyncadd.remote.s32 $0x1  }
0xbd: {  	_ =	sfence.sel $0xFFFF  }
0xbe: {  	[dreg:$0x0] =	wrdreg $0xFFFFFFFF;
	(pc) =	sbr.abs _section_cstart, $3  }
0xbf: {  	[dreg:$0x1] =	wrdreg $0xFFFFFFFF  }
0xc0: {  	_ =	task.clear_ibuf [dreg:s6], $0x2FFFF;
	_ =	strace $0x9FFFFFFF  }
0xc1: {  	(tm) =	ssettm $0x7FFFFFFF  }
tec
execute0_lowered:
.L_overlay_start_1:
0x0: {  	(tag) =	ssettag $0x1  }
0x1: {  	s1 =	srdreg.scid  }
0x2: {  	s0 =	stileid.u32;
	s4 =	rddreg [dreg:$0x0];
	s2 =	simm.s32 $0x0  }
0x3: {  	s10 =	simm.s32 $0x6C00;
	s11 =	simm.s32 $0xAC00;
	s12 =	simm.s32 $0x100  }
0x4: {  	s13 =	simm.s32 $0xEC00;
	s14 =	simm.s32 $0x180;
	s15 =	simm.s32 $0x12C00  }
0x5: {  	s16 =	simm.s32 $0x200;
	s17 =	simm.s32 $0x16C00;
	s18 =	simm.s32 $0x1  }
0x6: {  	s19 =	simm.s32 $0x1AC00;
	s5 =	sand.u32 $0x1, s1;
	s3 =	sshll.u32 s0, $0x1  }
0x7: {  	s20 =	simm.s32 $0x0;
	[smem:$0x7FF] =	sst s2;
	s6 =	sor.u32 s5, s3  }
0x8: {  	s1 =	rddreg [dreg:$0x1];
	_ =	strace $0x8000004A;
	s7 =	smul.u32 $0xD80, s6  }
0x9: {  	s5 =	ssub.s32 $0x2, s5;
	s8 =	smul.u32 $0x2800, s6;
	s6 =	sshll.u32 s6, $0x5  }
0xa: {  	s3 =	sadd.s32 $0xA6400, s4;
	s31 =	sshrl.u32 s5, $0x1;
	s6 =	sadd.s32 s6, s4  }
0xb: {  	s9 =	ssub.s32 s5, s31;
	s7 =	sadd.s32 s7, s4;
	s8 =	sadd.s32 s8, s4  }
0xc: {  	s5 =	sadd.s32 $0x80A00, s6;
	s4 =	sadd.s32 $0x15A00, s7;
	s6 =	sadd.s32 $0x30A00, s8  }
0xd: {  	s7 =	smax.u32 s9, $0x1;
	s8 =	simm.s32 $0x2;
	s9 =	simm.s32 $0x80  }
.LBB2_1:
0xe: {  	s21 =	simm.s32 $0x80  }
0xf: {  	s24 =	sadd.s32 $0x0, s4;
	s22 =	simm.s32 $0x400;
	s23 =	simm.s32 $0x0  }
.LBB2_2:
0x10: {  	[tilespmem:s23], [sflag:$0x2] =	stream.linear.gather [hbm4b:s24+s2], $0x280, $0x38;
	[tilespmem:$0x1AD00] =	vst v63  }
0x11: {  	s24 =	smov.u32 s21;
	s23 =	smov.u32 s22;
	p0 =	sne.s32 s21, $0xD00  }
.Ltmp0:
0x12: {  	s21 =	sadd.s32 $0x80, s21;
	(pc) =	sbr.rel @p0 .LBB2_2-.Ltmp0, $2  }
0x13: {  	_ =	sdelay $0x2  }
0x14: {  	s22 =	sadd.s32 $0x400, s22;
	s24 =	sadd.s32 s24, s4  }
0x15: {  	[tilespmem:s23], [sflag:$0x2] =	stream.linear.gather [hbm4b:s24+s2], $0x280, $0x38;
	[tilespmem:$0x1AD00] =	vst v63  }
0x16: {  	_ =	swait.ge [sflag:s8], $0x4380  }
0x17: {  	[sflag:s8] =	ssyncset.done $0x0  }
0x18: {  	[sflag:s8] =	ssyncadd.s32 $0xFFFFBC80  }
0x19: {  	[tilespmem:s10], [sflag:$0x1] =	stream.indirect.gather [hbm4b:s3+s9], $0x80, s2, s9, $0xb8;
	[tilespmem:$0x1AD00] =	vst v63  }
0x1a: {  	_ = 	snop  }
0x1b: {  	[tilespmem:s11], [sflag:$0x1] =	stream.indirect.gather [hbm4b:s3+s9], $0x80, s9, s9, $0xb8;
	[tilespmem:$0x1AD00] =	vst v63  }
0x1c: {  	_ = 	snop  }
0x1d: {  	[tilespmem:s13], [sflag:$0x1] =	stream.indirect.gather [hbm4b:s3+s9], $0x80, s12, s9, $0xb8;
	[tilespmem:$0x1AD00] =	vst v63  }
0x1e: {  	_ = 	snop  }
0x1f: {  	[tilespmem:s15], [sflag:$0x1] =	stream.indirect.gather [hbm4b:s3+s9], $0x80, s14, s9, $0xb8;
	[tilespmem:$0x1AD00] =	vst v63  }
0x20: {  	_ = 	snop  }
0x21: {  	[tilespmem:s17], [sflag:$0x1] =	stream.indirect.gather [hbm4b:s3+s9], $0x80, s16, s9, $0xb8;
	[tilespmem:$0x1AD00] =	vst v63  }
0x22: {  	_ =	swait.ge [sflag:s18], $0x4000  }
0x23: {  	[sflag:s18] =	ssyncset.done $0x0  }
0x24: {  	[sflag:s18] =	ssyncadd.s32 $0xFFFFC000  }
0x25: {  	_ =	swait.ge [sflag:s18], $0x4000  }
0x26: {  	[sflag:s18] =	ssyncset.done $0x0  }
0x27: {  	[sflag:s18] =	ssyncadd.s32 $0xFFFFC000  }
0x28: {  	_ =	swait.ge [sflag:s18], $0x4000  }
0x29: {  	[sflag:s18] =	ssyncset.done $0x0  }
0x2a: {  	[sflag:s18] =	ssyncadd.s32 $0xFFFFC000  }
0x2b: {  	_ =	swait.ge [sflag:s18], $0x4000  }
0x2c: {  	[sflag:s18] =	ssyncset.done $0x0  }
0x2d: {  	[sflag:s18] =	ssyncadd.s32 $0xFFFFC000  }
0x2e: {  	_ =	swait.ge [sflag:s18], $0x4000  }
0x2f: {  	[sflag:s18] =	ssyncset.done $0x0  }
0x30: {  	s21 =	simm.s32 $0x400;
	[sflag:s18] =	ssyncadd.s32 $0xFFFFC000  }
0x31: {  	[tilespmem:s10], [sflag:$0x1] =	stream.indirect.gather.add.f32 [hbm:s3], $0x80, s21, s9, $0xb8;
	[tilespmem:$0x1AD00] =	vst v63  }
0x32: {  	s29 =	simm.s32 $0x480  }
0x33: {  	[tilespmem:s11], [sflag:$0x1] =	stream.indirect.gather.add.f32 [hbm:s3], $0x80, s29, s9, $0xb8;
	[tilespmem:$0x1AD00] =	vst v63  }
0x34: {  	s30 =	simm.s32 $0x500;
	s31 =	simm.s32 $0x580  }
0x35: {  	[tilespmem:s13], [sflag:$0x1] =	stream.indirect.gather.add.f32 [hbm:s3], $0x80, s30, s9, $0xb8;
	[tilespmem:$0x1AD00] =	vst v63  }
0x36: {  	s22 =	simm.s32 $0xFFFE8000;
	s23 =	simm.s32 $0x600;
	s21 =	simm.s32 $0xFFFF9C00  }
0x37: {  	[tilespmem:s15], [sflag:$0x1] =	stream.indirect.gather.add.f32 [hbm:s3], $0x80, s31, s9, $0xb8;
	[tilespmem:$0x1AD00] =	vst v63  }
.LBB2_4:
0x38: {  	[tilespmem:s17], [sflag:$0x1] =	stream.indirect.gather.add.f32 [hbm:s3], $0x80, s23, s9, $0xb8;
	[tilespmem:$0x1AD00] =	vst v63  }
0x39: {  	s23 =	smov.u32 s22  }
0x3a: {  	s25 =	sadd.s32 $0x1000, s22;
	s24 =	sshra.s32 s23, $0x2;
	s23 =	sadd.s32 $0x6C00, s21  }
0x3b: {  	[tilespmem:s10], [sflag:$0x1] =	stream.indirect.gather.add.f32 [hbm:s3], $0x80, s23, s9, $0xb8;
	[tilespmem:$0x1AD00] =	vst v63  }
0x3c: {  	p0 =	sne.s32 s22, $0xFFFFF000;
	s22 =	sadd.s32 $0x6C80, s21  }
0x3d: {  	[tilespmem:s11], [sflag:$0x1] =	stream.indirect.gather.add.f32 [hbm:s3], $0x80, s22, s9, $0xb8;
	[tilespmem:$0x1AD00] =	vst v63  }
.Ltmp1:
0x3e: {  	s22 =	sadd.s32 $0x6D00, s21;
	(pc) =	sbr.rel @p0 .LBB2_4-.Ltmp1, $4  }
0x3f: {  	[tilespmem:s13], [sflag:$0x1] =	stream.indirect.gather.add.f32 [hbm:s3], $0x80, s22, s9, $0xb8;
	[tilespmem:$0x1AD00] =	vst v63  }
0x40: {  	s22 =	sadd.s32 $0x6D80, s21  }
0x41: {  	[tilespmem:s15], [sflag:$0x1] =	stream.indirect.gather.add.f32 [hbm:s3], $0x80, s22, s9, $0xb8;
	[tilespmem:$0x1AD00] =	vst v63  }
0x42: {  	s23 =	sadd.s32 $0x6E00, s21;
	s21 =	smov.u32 s24;
	s22 =	smov.u32 s25  }
0x43: {  	[tilespmem:s17], [sflag:$0x1] =	stream.indirect.gather.add.f32 [hbm:s3], $0x80, s23, s9, $0xb8;
	[tilespmem:$0x1AD00] =	vst v63  }
0x44: {  	s22 =	sadd.s32 $0x6C00, s21  }
0x45: {  	[tilespmem:s10], [sflag:$0x1] =	stream.indirect.gather.add.f32 [hbm:s3], $0x80, s22, s9, $0xb8;
	[tilespmem:$0x1AD00] =	vst v63  }
0x46: {  	s28 =	sadd.s32 $0x6C80, s21  }
0x47: {  	[tilespmem:s11], [sflag:$0x1] =	stream.indirect.gather.add.f32 [hbm:s3], $0x80, s28, s9, $0xb8;
	[tilespmem:$0x1AD00] =	vst v63  }
0x48: {  	s29 =	sadd.s32 $0x6D00, s21  }
0x49: {  	[tilespmem:s13], [sflag:$0x1] =	stream.indirect.gather.add.f32 [hbm:s3], $0x80, s29, s9, $0xb8;
	[tilespmem:$0x1AD00] =	vst v63  }
0x4a: {  	s30 =	sadd.s32 $0x6D80, s21  }
0x4b: {  	[tilespmem:s15], [sflag:$0x1] =	stream.indirect.gather.add.f32 [hbm:s3], $0x80, s30, s9, $0xb8;
	[tilespmem:$0x1AD00] =	vst v63  }
0x4c: {  	s31 =	sadd.s32 $0x6E00, s21  }
0x4d: {  	[tilespmem:s17], [sflag:$0x1] =	stream.indirect.gather.add.f32 [hbm:s3], $0x80, s31, s9, $0xb8;
	[tilespmem:$0x1AD00] =	vst v63  }
0x4e: {  	_ =	swait.ge [sflag:s18], $0x4000  }
0x4f: {  	[sflag:s18] =	ssyncset.done $0x0  }
0x50: {  	[sflag:s18] =	ssyncadd.s32 $0xFFFFC000  }
0x51: {  	_ =	swait.ge [sflag:s18], $0x4000  }
0x52: {  	[sflag:s18] =	ssyncset.done $0x0  }
0x53: {  	[sflag:s18] =	ssyncadd.s32 $0xFFFFC000  }
0x54: {  	_ =	swait.ge [sflag:s18], $0x4000  }
0x55: {  	[sflag:s18] =	ssyncset.done $0x0  }
0x56: {  	[sflag:s18] =	ssyncadd.s32 $0xFFFFC000  }
0x57: {  	_ =	swait.ge [sflag:s18], $0x4000  }
0x58: {  	[sflag:s18] =	ssyncset.done $0x0  }
0x59: {  	[sflag:s18] =	ssyncadd.s32 $0xFFFFC000  }
0x5a: {  	_ =	swait.ge [sflag:s18], $0x4000  }
0x5b: {  	s21 =	simm.s32 $0x19;
	[sflag:s18] =	ssyncset.done $0x0  }
.LBB2_6:
0x5c: {  	p0 =	sne.s32 s21, $0x1;
	s21 =	sadd.s32 $0xFFFFFFFF, s21;
	[sflag:s18] =	ssyncadd.s32 $0xFFFFC000  }
0x5d: {  	_ =	swait.ge [sflag:s18], $0x4000  }
0x5e: {  	[sflag:s18] =	ssyncset.done $0x0  }
0x5f: {  	[sflag:s18] =	ssyncadd.s32 $0xFFFFC000  }
0x60: {  	_ =	swait.ge [sflag:s18], $0x4000  }
0x61: {  	[sflag:s18] =	ssyncset.done $0x0  }
0x62: {  	[sflag:s18] =	ssyncadd.s32 $0xFFFFC000  }
0x63: {  	_ =	swait.ge [sflag:s18], $0x4000  }
0x64: {  	[sflag:s18] =	ssyncset.done $0x0  }
0x65: {  	[sflag:s18] =	ssyncadd.s32 $0xFFFFC000  }
.Ltmp2:
0x66: {  	_ =	swait.ge [sflag:s18], $0x4000;
	(pc) =	sbr.rel @p0 .LBB2_6-.Ltmp2, $4  }
0x67: {  	[sflag:s18] =	ssyncset.done $0x0  }
0x68: {  	[sflag:s18] =	ssyncadd.s32 $0xFFFFC000  }
0x69: {  	_ =	swait.ge [sflag:s18], $0x4000  }
0x6a: {  	[sflag:s18] =	ssyncset.done $0x0  }
0x6b: {  	[sflag:s18] =	ssyncadd.s32 $0xFFFFC000;
	s22 =	simm.s32 $0x0  }
0x6c: {  	v1 =	vld [tilespmem:s22+$0x6C30]  }
0x6d: {  	v8 =	vld [tilespmem:s22+$0x6C00]  }
0x6e: {  	v0 =	vimm.f32 $0.0e+00;
	v6 =	vimm.f32 $0.0e+00;
	v9 =	vld [tilespmem:s22+$0x6C10]  }
0x6f: {  	v5 =	vimm.f32 $0.0e+00;
	v2 =	vimm.f32 $0.0e+00;
	v3 =	vimm.f32 $0.0e+00;
	v7 =	vld [tilespmem:s22+$0x6C20]  }
0x70: {  	s21 =	simm.s32 $0x200;
	v11 =	vimm.f32 $0.0e+00;
	v10 =	vimm.f32 $0.0e+00;
	v4 =	vimm.f32 $0.0e+00  }
.LBB2_8:
0x71: {  	s22 =	sshra.s32 s21, $0x2;
	p0 =	sne.s32 s21, $0x4FE00;
	s21 =	sadd.s32 $0x200, s21;
	v0 =	vadd.f32 v1, v0;
	v12 =	vmul.f32 v1, v1  }
.Ltmp3:
0x72: {  	v1 =	vld [tilespmem:s22+$0x6C30];
	v6 =	vadd.f32 v8, v6;
	v13 =	vmul.f32 v8, v8;
	(pc) =	sbr.rel @p0 .LBB2_8-.Ltmp3, $4  }
0x73: {  	v8 =	vld [tilespmem:s22+$0x6C00];
	v5 =	vadd.f32 v9, v5;
	v14 =	vmul.f32 v9, v9;
	v2 =	vadd.f32 v12, v2  }
0x74: {  	v9 =	vld [tilespmem:s22+$0x6C10];
	v3 =	vadd.f32 v7, v3;
	v11 =	vadd.f32 v13, v11;
	v12 =	vmul.f32 v7, v7  }
0x75: {  	v7 =	vld [tilespmem:s22+$0x6C20];
	v10 =	vadd.f32 v14, v10  }
0x76: {  	v4 =	vadd.f32 v12, v4  }
0x77: {  	v0 =	vadd.f32 v1, v0  }
0x78: {  	v62 =	vmul.f32 v1, v1;
	v6 =	vadd.f32 v8, v6  }
0x79: {  	v12 =	vmul.f32 v8, v8;
	v5 =	vadd.f32 v9, v5;
	[tilespmem:$0x1AC30] =	vst v0  }
0x7a: {  	v63 =	vadd.f32 v62, v2;
	[tilespmem:$0x1AC00] =	vst v6  }
0x7b: {  	v59 =	vmul.f32 v9, v9;
	v58 =	vadd.f32 v12, v11;
	[tilespmem:$0x1AC10] =	vst v5  }
0x7c: {  	v60 =	vmul.f32 v7, v7;
	v3 =	vadd.f32 v7, v3;
	[tilespmem:$0x1ACB0] =	vst v63  }
0x7d: {  	v61 =	vadd.f32 v59, v10;
	[tilespmem:$0x1AC80] =	vst v58  }
0x7e: {  	v4 =	vadd.f32 v60, v4;
	[tilespmem:$0x1AC20] =	vst v3  }
0x7f: {  	[tilespmem:$0x1AC90] =	vst v61  }
0x80: {  	[tilespmem:$0x1ACA0] =	vst v4  }
0x81: {  	[hbm4b:s5+s2] =	stream.linear.scatter [tilespmem:s19], [sflag:$0x2], $0x100, $0x38;
	[tilespmem:$0x1AD00] =	vst v63  }
0x82: {  	s20 =	sadd.s32 $0x1, s20;
	_ =	swait.ge [sflag:s8], $0x100  }
0x83: {  	p0 =	sne.s32 s20, s7;
	[sflag:s8] =	ssyncset.done $0x0  }
.Ltmp4:
0x84: {  	[sflag:s8] =	ssyncadd.s32 $0xFFFFFF00;
	(pc) =	sbr.rel @p0 .LBB2_1-.Ltmp4, $4  }
0x85: {  	[hbm4b:s6+s2] =	stream.linear.scatter [tilespmem:s10], [sflag:$0x2], $0x14000, $0x38;
	[tilespmem:$0x1AD00] =	vst v63  }
0x86: {  	_ =	swait.ge [sflag:s8], $0x14000  }
0x87: {  	[sflag:s8] =	ssyncset.done $0x0  }
0x88: {  	[sflag:s8] =	ssyncadd.s32 $0xFFFEC000  }
0x89: {  	_ =	sfence.sel $0x180000  }
0x8a: {  	[bflag:$0x0] =	sbarrier.arrive $0xFFFF  }
0x8b: {  	p0 =	sne.s32 s0, $0x0;
	_ =	strace $0x9000004A  }
0x8c: {  	s0 =	sadd.s32 @!p0 $0x100000, s1;
	[bflag:$0x2] =	sbarrier.arrive $0xFFFF  }
0x8d: {  	[sflag:s0] =	ssyncadd.tile.s32 @!p0 $0x1;
	_ =	shalt  }
.Lfunc_end2:
_tile_overlayer_lowered:
.L_overlay_start_2:
0x8e: {  	(tag) =	ssettag $0x2  }
0x8f: {  	s0 =	rddreg [dreg:$0x0];
	s2 =	stileid.u32  }
0x90: {  	s1 =	rddreg [dreg:$0x1];
	p0 =	sne.s32 s2, $0x0  }
0x91: {  	s3 =	rddreg [dreg:$0x2];
	[bflag:$0x3] =	sbarrier.arrive $0xFFFF;
	s2 =	simm.s32 @!p0 $0x1C02  }
0x92: {  	[timem:s3], [sflag:s2] =	dma.local @!p0 [hbm:s0], s1  }
0x93: {  	s0 =	simm.s32 @!p0 $0x2  }
0x94: {  	_ =	swait.ge @!p0 [sflag:s0], s1  }
0x95: {  	s1 =	ssub.s32 @!p0 $0x0, s1;
	[sflag:s0] =	ssyncset.done @!p0 $0x0  }
0x96: {  	[sflag:s0] =	ssyncadd.s32 @!p0 s1  }
0x97: {  	[bflag:$0x3] =	sbarrier.arrive $0xFFFF  }
0x98: {  	_ =	shalt  }

</sc_bundles>
